<compile_context>
chip_gen: v7x
topology: tpu7x:2x2x1
jax: 0.10.2.dev20260603
libtpu: 0.0.44.dev20260713+nightly
codegen_flags: <defaults>
</compile_context>

<pallas_src>
import functools

import jax
import jax.numpy as jnp
from jax import lax
from jax.experimental import pallas as pl
from jax.experimental.pallas import tpu as pltpu
from jax.experimental.pallas import tpu_sc as plsc

N = 10000
NP = 10240
E = 320000
NG = 8
NW = 32
EPW = E // NW
C = 80
NCHUNK = EPW // C
BK = 1024
G = NP // BK

_mesh = lambda: plsc.VectorSubcoreMesh(core_axis_name="c", subcore_axis_name="s")



@functools.partial(
    pl.kernel, mesh=_mesh(),
    out_type=jax.ShapeDtypeStruct((2, NP), jnp.float32),
    scratch_types=[
        pltpu.VMEM((NCHUNK, C), jnp.int32),
        pltpu.VMEM((C,), jnp.float32),
        pltpu.VMEM((640,), jnp.float32),
        pltpu.VMEM_SHARED((NP,), jnp.float32),
        pltpu.SemaphoreType.DMA,
    ],
)
def _sc_degree(dst_hbm, out, idx_d, ones_v, zb, acc, dsem):
    c = lax.axis_index("c")
    s = lax.axis_index("s")
    blk = c * 16 + s
    pltpu.sync_copy(dst_hbm.at[blk], idx_d)
    for k in range(C // 16):
        ones_v[pl.ds(k * 16, 16)] = jnp.ones((16,), jnp.float32)
    for k in range(640 // 16):
        zb[pl.ds(k * 16, 16)] = jnp.zeros((16,), jnp.float32)
    pltpu.sync_copy(zb, acc.at[pl.ds(s * 640, 640)])
    plsc.subcore_barrier()

    W = 8

    def body(j, carry):
        pltpu.async_copy(ones_v, acc.at[idx_d.at[j]], dsem, add=True)

        @pl.when(j >= W)
        def _():
            pltpu.make_async_copy(ones_v, acc.at[idx_d.at[0]], dsem).wait()

        return carry

    lax.fori_loop(0, NCHUNK, body, 0)
    for _ in range(W):
        pltpu.make_async_copy(ones_v, acc.at[idx_d.at[0]], dsem).wait()
    plsc.subcore_barrier()
    pltpu.sync_copy(acc.at[pl.ds(s * 640, 640)], out.at[c, pl.ds(s * 640, 640)])



def _make_sc_scatter(D, sch, spmem_table=False):
    nsup = NCHUNK // sch
    sds = jax.ShapeDtypeStruct((NP, D), jnp.float32)
    table_scratch = (
        [pltpu.VMEM_SHARED((NP, D), jnp.float32)] if spmem_table else [])
    idx_scratch = [pltpu.VMEM((sch, C), jnp.int32)] * (2 if nsup == 1 else 4)

    @functools.partial(
        pl.kernel, mesh=_mesh(),
        out_type=(sds, sds),
        compiler_params=pltpu.CompilerParams(use_tc_tiling_on_sc=(D == 128)),
        scratch_types=idx_scratch + [
            pltpu.VMEM((C, D), jnp.float32),
            pltpu.VMEM((C, D), jnp.float32),
            pltpu.VMEM_SHARED((NP, D), jnp.float32),
        ] + table_scratch + [
            pltpu.SemaphoreType.DMA,
            pltpu.SemaphoreType.DMA,
            pltpu.SemaphoreType.DMA,
        ],
    )
    def k(y_hbm, src_hbm, dst_hbm, out0, out1, *refs):
        if nsup == 1:
            idx_bufs = [(refs[0], refs[1])] * 2
            rest = refs[2:]
        else:
            idx_bufs = [(refs[0], refs[1]), (refs[2], refs[3])]
            rest = refs[4:]
        if spmem_table:
            r0, r1, acc, y_sh, sem0, sem1, isem = rest
        else:
            r0, r1, acc, sem0, sem1, isem = rest
        c = lax.axis_index("c")
        s = lax.axis_index("s")
        blk = c * 16 + s

        def zrow(r, carry):
            for k2 in range(D // 16):
                r0[r, pl.ds(k2 * 16, 16)] = jnp.zeros((16,), jnp.float32)
            return carry

        lax.fori_loop(0, C, zrow, 0)
        if spmem_table:
            pltpu.async_copy(y_hbm.at[pl.ds(s * 640, 640)],
                             y_sh.at[pl.ds(s * 640, 640)], sem1)
            tab = y_sh
        else:
            tab = y_hbm
        for t in range(NP // 16 // C):
            pltpu.async_copy(r0, acc.at[pl.ds(s * 640 + t * C, C)], sem0)
        for t in range(NP // 16 // C):
            pltpu.make_async_copy(r0, acc.at[pl.ds(s * 640, C)], sem0).wait()
        if spmem_table:
            pltpu.make_async_copy(y_hbm.at[pl.ds(s * 640, 640)],
                                  y_sh.at[pl.ds(s * 640, 640)], sem1).wait()
        plsc.subcore_barrier()

        for u in range(nsup):
            cs, cd = idx_bufs[u % 2]
            rA, rB = (r0, r1) if u % 2 == 0 else (r1, r0)
            sA, sB = (sem0, sem1) if u % 2 == 0 else (sem1, sem0)
            if u == 0:
                pltpu.sync_copy(src_hbm.at[blk, 0], cs)
                pltpu.sync_copy(dst_hbm.at[blk, 0], cd)
                pltpu.async_copy(tab.at[cs.at[0]], rA, sA)
            if u + 1 < nsup:
                ns, nd = idx_bufs[(u + 1) % 2]
                pltpu.async_copy(src_hbm.at[blk, u + 1], ns, isem)
                pltpu.async_copy(dst_hbm.at[blk, u + 1], nd, isem)

            def body(m, carry, cs=cs, cd=cd, rA=rA, rB=rB, sA=sA, sB=sB):
                j0 = 2 * m
                pltpu.make_async_copy(tab.at[cs.at[j0]], rA, sA).wait()
                pltpu.async_copy(tab.at[cs.at[j0 + 1]], rB, sB)
                pltpu.sync_copy(rA, acc.at[cd.at[j0]], add=True)
                pltpu.make_async_copy(tab.at[cs.at[j0 + 1]], rB, sB).wait()
                pltpu.async_copy(tab.at[cs.at[j0 + 2]], rA, sA)
                pltpu.sync_copy(rB, acc.at[cd.at[j0 + 1]], add=True)
                return carry

            lax.fori_loop(0, (sch - 1) // 2, body, 0)
            pltpu.make_async_copy(tab.at[cs.at[sch - 1]], rA, sA).wait()
            if u + 1 < nsup:
                ns, nd = idx_bufs[(u + 1) % 2]
                pltpu.make_async_copy(src_hbm.at[blk, u + 1], ns, isem).wait()
                pltpu.make_async_copy(dst_hbm.at[blk, u + 1], nd, isem).wait()
                pltpu.async_copy(tab.at[ns.at[0]], rB, sB)
            pltpu.sync_copy(rA, acc.at[cd.at[sch - 1]], add=True)

        plsc.subcore_barrier()

        @pl.when(c == 0)
        def _():
            pltpu.sync_copy(acc.at[pl.ds(s * 640, 640)], out0.at[pl.ds(s * 640, 640)])

        @pl.when(c == 1)
        def _():
            pltpu.sync_copy(acc.at[pl.ds(s * 640, 640)], out1.at[pl.ds(s * 640, 640)])

    return k


_sc_scatter128 = _make_sc_scatter(128, 25)
_sc_scatter64 = _make_sc_scatter(64, 125, spmem_table=True)



def _dinv_col(deg_ref):
    deg = deg_ref[0] + deg_ref[1] + 1.0
    return lax.rsqrt(deg)


def _y1_body(x_ref, w_ref, deg_ref, y_ref):
    dinv = _dinv_col(deg_ref)
    xw = jnp.dot(x_ref[...], w_ref[...], preferred_element_type=jnp.float32)
    y_ref[...] = xw * dinv


def _y2_body(a0_ref, a1_ref, y1_ref, deg_ref, b1_ref, w2_ref, y2_ref):
    dinv = _dinv_col(deg_ref)
    h = dinv * (a0_ref[...] + a1_ref[...] + y1_ref[...]) + b1_ref[...]
    h = jnp.maximum(h, 0.0)
    y2_ref[...] = jnp.dot(h, w2_ref[...], preferred_element_type=jnp.float32) * dinv


def _final_body(a0_ref, a1_ref, y2_ref, deg_ref, b2_ref, batch_ref, lat_ref,
                sum_ref, cnt_ref):
    i = pl.program_id(0)
    dinv = _dinv_col(deg_ref)
    out2 = dinv * (a0_ref[...] + a1_ref[...] + y2_ref[...]) + b2_ref[...]
    bb = batch_ref[...]
    gid = lax.broadcasted_iota(jnp.int32, (1, NG), 1).astype(jnp.float32)
    oht = (bb == gid).astype(jnp.float32)
    dn = (((0,), (0,)), ((), ()))
    contrib = lax.dot_general(oht, out2, dn,
                              preferred_element_type=jnp.float32)
    cnt = lax.dot_general(oht, jnp.ones((BK, 1), jnp.float32), dn,
                          preferred_element_type=jnp.float32)

    @pl.when(i == 0)
    def _():
        sum_ref[...] = jnp.zeros_like(sum_ref)
        cnt_ref[...] = jnp.zeros_like(cnt_ref)

    sum_ref[...] += contrib
    cnt_ref[...] += jnp.broadcast_to(cnt, (NG, 64))

    @pl.when(i == G - 1)
    def _():
        lat_ref[...] = sum_ref[...] / jnp.maximum(cnt_ref[...], 1.0)


_row_spec = lambda d: pl.BlockSpec((BK, d), lambda i: (i, 0))
_deg_spec = pl.BlockSpec((2, BK, 1), lambda i: (0, i, 0))


def _full(shape):
    return pl.BlockSpec(shape, lambda *_: tuple(0 for _ in shape))


_y1_call = pl.pallas_call(
    _y1_body, grid=(G,),
    in_specs=[_row_spec(128), _full((128, 128)), _deg_spec],
    out_specs=_row_spec(128),
    out_shape=jax.ShapeDtypeStruct((NP, 128), jnp.float32),
)

_y2_call = pl.pallas_call(
    _y2_body, grid=(G,),
    in_specs=[_row_spec(128), _row_spec(128), _row_spec(128), _deg_spec,
              _full((1, 128)), _full((128, 64))],
    out_specs=_row_spec(64),
    out_shape=jax.ShapeDtypeStruct((NP, 64), jnp.float32),
)

_final_call = pl.pallas_call(
    _final_body, grid=(G,),
    in_specs=[_row_spec(64), _row_spec(64), _row_spec(64), _deg_spec,
              _full((1, 64)), pl.BlockSpec((BK, 1), lambda i: (i, 0))],
    out_specs=_full((NG, 64)),
    out_shape=jax.ShapeDtypeStruct((NG, 64), jnp.float32),
    scratch_shapes=[pltpu.VMEM((NG, 64), jnp.float32),
                    pltpu.VMEM((NG, 64), jnp.float32)],
)


def kernel(x, edge_index, batch, W1, b1, W2, b2):
    x = x.astype(jnp.float32)
    ei = edge_index.astype(jnp.int32)
    src_a = ei[0].reshape(NW, NCHUNK // 25, 25, C)
    dst_a = ei[1].reshape(NW, NCHUNK // 25, 25, C)
    src_b = ei[0].reshape(NW, 1, NCHUNK, C)
    dst_b = ei[1].reshape(NW, 1, NCHUNK, C)
    dst_flat = ei[1].reshape(NW, NCHUNK, C)
    x_p = jnp.pad(x, ((0, NP - N), (0, 0)))
    batchf = jnp.pad(batch.astype(jnp.float32), (0, NP - N),
                     constant_values=float(NG)).reshape(NP, 1)

    degp = _sc_degree(dst_flat).reshape(2, NP, 1)
    y1 = _y1_call(x_p, W1, degp)
    a10, a11 = _sc_scatter128(y1, src_a, dst_a)
    y2 = _y2_call(a10, a11, y1, degp, b1.reshape(1, 128), W2)
    a20, a21 = _sc_scatter64(y2, src_b, dst_b)
    return _final_call(a20, a21, y2, degp, b2.reshape(1, 64), batchf)

# --- scband reference (transcript-rebuilt; emitter-appended) ---
"""Pipeline reference for scband-mesh-encoder-24962349924417 (READ-ONLY COPY).

The authoritative reference and input builder live on the scoring server;
editing this copy changes nothing except your own understanding.
"""

import jax, jax.numpy as jnp
import numpy as np

N_NODES = 10000
N_EDGES = 320000
NUM_GRAPHS = 8


def gcn_conv(x, edge_index, W, b, n_nodes):
    # PyG GCNConv: add self-loops, symmetric normalization D^-1/2 (A+I) D^-1/2 X W + b
    src = edge_index[0]
    dst = edge_index[1]
    loop = jnp.arange(n_nodes, dtype=src.dtype)
    src = jnp.concatenate([src, loop])
    dst = jnp.concatenate([dst, loop])
    deg = jnp.zeros((n_nodes,), dtype=x.dtype).at[dst].add(1.0)
    deg_inv_sqrt = jnp.where(deg > 0, 1.0 / jnp.sqrt(deg), 0.0)
    norm = deg_inv_sqrt[src] * deg_inv_sqrt[dst]
    xw = x @ W
    msg = xw[src] * norm[:, None]
    out = jax.ops.segment_sum(msg, dst, num_segments=n_nodes)
    return out + b


def global_mean_pool(x, batch, num_graphs):
    sums = jax.ops.segment_sum(x, batch, num_segments=num_graphs)
    counts = jax.ops.segment_sum(jnp.ones((x.shape[0],), dtype=x.dtype), batch, num_segments=num_graphs)
    return sums / jnp.clip(counts, 1.0)[:, None]


def setup_inputs(seed: int = 0) -> dict:
    key = jax.random.key(seed)
    k1, k2, k3, k4, k5, k6, k7 = jax.random.split(key, 7)
    x = jax.random.normal(k1, (N_NODES, 128), dtype=jnp.float32)
    edge_index = jax.random.randint(k2, (2, N_EDGES), 0, N_NODES, dtype=jnp.int64)
    batch = jnp.sort(jax.random.randint(k3, (N_NODES,), 0, NUM_GRAPHS, dtype=jnp.int64))
    W1 = jax.random.normal(k4, (128, 128), dtype=jnp.float32) * (1.0 / np.sqrt(128))
    b1 = jnp.zeros((128,), dtype=jnp.float32)
    W2 = jax.random.normal(k5, (128, 64), dtype=jnp.float32) * (1.0 / np.sqrt(128))
    b2 = jnp.zeros((64,), dtype=jnp.float32)
    return {"x": x, "edge_index": edge_index, "batch": batch, "W1": W1, "b1": b1, "W2": W2, "b2": b2}


def reference(x, edge_index, batch, W1, b1, W2, b2):
    n_nodes = x.shape[0]
    h = gcn_conv(x, edge_index, W1, b1, n_nodes)
    h = jax.nn.relu(h)
    h = gcn_conv(h, edge_index, W2, b2, n_nodes)
    latent = global_mean_pool(h, batch, NUM_GRAPHS)
    return latent

if __name__ == "__main__":
    import jax
    _d = setup_inputs()
    print(jax.jit(kernel)(*tuple(_d.values())))

</pallas_src>

<mosaic_0001>
#map = affine_map<(d0, d1) -> (0, 0)>
#map1 = affine_map<(d0, d1) -> (0, 0, 0, 0)>
module attributes {stable_mosaic.version = 14 : i64} {
  func.func @k(%arg0: i32, %arg1: i32, %arg2: memref<10240x64xf32, #tpu.memory_space<hbm>>, %arg3: memref<32x1x125x80xi32, #tpu.memory_space<hbm>>, %arg4: memref<32x1x125x80xi32, #tpu.memory_space<hbm>>, %arg5: memref<10240x64xf32, #tpu.memory_space<hbm>>, %arg6: memref<10240x64xf32, #tpu.memory_space<hbm>>, %arg7: memref<125x80xi32, #tpu.memory_space<vmem>>, %arg8: memref<125x80xi32, #tpu.memory_space<vmem>>, %arg9: memref<80x64xf32, #tpu.memory_space<vmem>>, %arg10: memref<80x64xf32, #tpu.memory_space<vmem>>, %arg11: memref<10240x64xf32, #tpu.memory_space<vmem_shared>>, %arg12: memref<10240x64xf32, #tpu.memory_space<vmem_shared>>, %arg13: memref<!tpu.dma_semaphore, #tpu.memory_space<semaphore_mem>>, %arg14: memref<!tpu.dma_semaphore, #tpu.memory_space<semaphore_mem>>, %arg15: memref<!tpu.dma_semaphore, #tpu.memory_space<semaphore_mem>>) attributes {dimension_semantics = [#tpu.dimension_semantics<core_parallel>, #tpu.dimension_semantics<subcore_parallel>], iteration_bounds = array<i64: 2, 16>, scalar_prefetch = 0 : i64, scratch_operands = 9 : i64, tpu.core_type = #tpu.core_type<sc_vector_subcore>, window_params = [{transform_indices = #map}, {transform_indices = #map1}, {transform_indices = #map1}, {transform_indices = #map}, {transform_indices = #map}]} {
    %mul3A = arith.constant 16 : i32
    %mul3A_0 = arith.muli %arg0, %mul3A : i32
    %add3A = arith.addi %mul3A_0, %arg1 : i32
    %scan3A = arith.constant 0 : i32
    %scan3A_1 = arith.constant 0 : i32
    %scan3A_2 = arith.constant 80 : i32
    %scan3A_3 = arith.addi %scan3A_1, %scan3A_2 : i32
    %scan3A_4 = arith.constant 1 : i32
    scf.for %scan3A_162 = %scan3A_1 to %scan3A_3 step %scan3A_4  : i32 {
      %broadcast_in_dim3A = arith.constant 0.000000e+00 : f32
      %broadcast_in_dim3A_163 = vector.broadcast %broadcast_in_dim3A : f32 to vector<16xf32>
      %swap3A = arith.index_cast %scan3A_162 : i32 to index
      %swap3A_164 = arith.constant 0 : index
      %swap3A_165 = tpu.vector_load %arg9[%swap3A, %swap3A_164] {strides = array<i32>} : memref<80x64xf32, #tpu.memory_space<vmem>>, vector<1x16xf32>,
      %swap3A_166 = vector.shape_cast %swap3A_165 : vector<1x16xf32> to vector<16xf32>
      %swap3A_167 = vector.shape_cast %broadcast_in_dim3A_163 : vector<16xf32> to vector<1x16xf32>
      tpu.vector_store %arg9[%swap3A, %swap3A_164], %swap3A_167 {strides = array<i32>} : memref<80x64xf32, #tpu.memory_space<vmem>>, vector<1x16xf32>,
      %broadcast_in_dim3A_168 = arith.constant 0.000000e+00 : f32
      %broadcast_in_dim3A_169 = vector.broadcast %broadcast_in_dim3A_168 : f32 to vector<16xf32>
      %swap3A_170 = arith.index_cast %scan3A_162 : i32 to index
      %swap3A_171 = arith.constant 16 : index
      %swap3A_172 = tpu.vector_load %arg9[%swap3A_170, %swap3A_171] {strides = array<i32>} : memref<80x64xf32, #tpu.memory_space<vmem>>, vector<1x16xf32>,
      %swap3A_173 = vector.shape_cast %swap3A_172 : vector<1x16xf32> to vector<16xf32>
      %swap3A_174 = vector.shape_cast %broadcast_in_dim3A_169 : vector<16xf32> to vector<1x16xf32>
      tpu.vector_store %arg9[%swap3A_170, %swap3A_171], %swap3A_174 {strides = array<i32>} : memref<80x64xf32, #tpu.memory_space<vmem>>, vector<1x16xf32>,
      %broadcast_in_dim3A_175 = arith.constant 0.000000e+00 : f32
      %broadcast_in_dim3A_176 = vector.broadcast %broadcast_in_dim3A_175 : f32 to vector<16xf32>
      %swap3A_177 = arith.index_cast %scan3A_162 : i32 to index
      %swap3A_178 = arith.constant 32 : index
      %swap3A_179 = tpu.vector_load %arg9[%swap3A_177, %swap3A_178] {strides = array<i32>} : memref<80x64xf32, #tpu.memory_space<vmem>>, vector<1x16xf32>,
      %swap3A_180 = vector.shape_cast %swap3A_179 : vector<1x16xf32> to vector<16xf32>
      %swap3A_181 = vector.shape_cast %broadcast_in_dim3A_176 : vector<16xf32> to vector<1x16xf32>
      tpu.vector_store %arg9[%swap3A_177, %swap3A_178], %swap3A_181 {strides = array<i32>} : memref<80x64xf32, #tpu.memory_space<vmem>>, vector<1x16xf32>,
      %broadcast_in_dim3A_182 = arith.constant 0.000000e+00 : f32
      %broadcast_in_dim3A_183 = vector.broadcast %broadcast_in_dim3A_182 : f32 to vector<16xf32>
      %swap3A_184 = arith.index_cast %scan3A_162 : i32 to index
      %swap3A_185 = arith.constant 48 : index
      %swap3A_186 = tpu.vector_load %arg9[%swap3A_184, %swap3A_185] {strides = array<i32>} : memref<80x64xf32, #tpu.memory_space<vmem>>, vector<1x16xf32>,
      %swap3A_187 = vector.shape_cast %swap3A_186 : vector<1x16xf32> to vector<16xf32>
      %swap3A_188 = vector.shape_cast %broadcast_in_dim3A_183 : vector<16xf32> to vector<1x16xf32>
      tpu.vector_store %arg9[%swap3A_184, %swap3A_185], %swap3A_188 {strides = array<i32>} : memref<80x64xf32, #tpu.memory_space<vmem>>, vector<1x16xf32>,
    }
    %scan3A_5 = arith.constant 80 : i32
    %mul3A_6 = arith.constant 640 : i32
    %mul3A_7 = arith.muli %arg1, %mul3A_6 : i32
    %mul3A_8 = arith.constant 640 : i32
    %mul3A_9 = arith.muli %arg1, %mul3A_8 : i32
    %dma_start3A = arith.constant 0 : i32
    %dma_start3A_10 = tpu.memref_slice %arg12[%mul3A_9, %dma_start3A] : memref<10240x64xf32, #tpu.memory_space<vmem_shared>> -> memref<640x64xf32, #tpu.memory_space<vmem_shared>>
    %dma_start3A_11 = arith.constant 0 : i32
    %dma_start3A_12 = tpu.memref_slice %arg2[%mul3A_7, %dma_start3A_11] : memref<10240x64xf32, #tpu.memory_space<hbm>> -> memref<640x64xf32, #tpu.memory_space<hbm>>
    tpu.enqueue_dma source(%dma_start3A_12 : memref<640x64xf32, #tpu.memory_space<hbm>>) target(%dma_start3A_10 : memref<640x64xf32, #tpu.memory_space<vmem_shared>>) target_semaphore(%arg14 : memref<!tpu.dma_semaphore, #tpu.memory_space<semaphore_mem>>)
    %mul3A_13 = arith.constant 640 : i32
    %mul3A_14 = arith.muli %arg1, %mul3A_13 : i32
    %add3A_15 = arith.constant 0 : i32
    %add3A_16 = arith.addi %mul3A_14, %add3A_15 : i32
    %dma_start3A_17 = arith.constant 0 : i32
    %dma_start3A_18 = tpu.memref_slice %arg11[%add3A_16, %dma_start3A_17] : memref<10240x64xf32, #tpu.memory_space<vmem_shared>> -> memref<80x64xf32, #tpu.memory_space<vmem_shared>>
    %dma_start3A_19 = arith.constant 0 : i32
    %dma_start3A_20 = tpu.memref_slice %arg11[%add3A_16, %dma_start3A_19] : memref<10240x64xf32, #tpu.memory_space<vmem_shared>> -> memref<80x64xf32, #tpu.memory_space<vmem_shared>>
    tpu.enqueue_dma source(%arg9 : memref<80x64xf32, #tpu.memory_space<vmem>>) target(%dma_start3A_20 : memref<80x64xf32, #tpu.memory_space<vmem_shared>>) target_semaphore(%arg13 : memref<!tpu.dma_semaphore, #tpu.memory_space<semaphore_mem>>)
    %mul3A_21 = arith.constant 640 : i32
    %mul3A_22 = arith.muli %arg1, %mul3A_21 : i32
    %add3A_23 = arith.constant 80 : i32
    %add3A_24 = arith.addi %mul3A_22, %add3A_23 : i32
    %dma_start3A_25 = arith.constant 0 : i32
    %dma_start3A_26 = tpu.memref_slice %arg11[%add3A_24, %dma_start3A_25] : memref<10240x64xf32, #tpu.memory_space<vmem_shared>> -> memref<80x64xf32, #tpu.memory_space<vmem_shared>>
    %dma_start3A_27 = arith.constant 0 : i32
    %dma_start3A_28 = tpu.memref_slice %arg11[%add3A_24, %dma_start3A_27] : memref<10240x64xf32, #tpu.memory_space<vmem_shared>> -> memref<80x64xf32, #tpu.memory_space<vmem_shared>>
    tpu.enqueue_dma source(%arg9 : memref<80x64xf32, #tpu.memory_space<vmem>>) target(%dma_start3A_28 : memref<80x64xf32, #tpu.memory_space<vmem_shared>>) target_semaphore(%arg13 : memref<!tpu.dma_semaphore, #tpu.memory_space<semaphore_mem>>)
    %mul3A_29 = arith.constant 640 : i32
    %mul3A_30 = arith.muli %arg1, %mul3A_29 : i32
    %add3A_31 = arith.constant 160 : i32
    %add3A_32 = arith.addi %mul3A_30, %add3A_31 : i32
    %dma_start3A_33 = arith.constant 0 : i32
    %dma_start3A_34 = tpu.memref_slice %arg11[%add3A_32, %dma_start3A_33] : memref<10240x64xf32, #tpu.memory_space<vmem_shared>> -> memref<80x64xf32, #tpu.memory_space<vmem_shared>>
    %dma_start3A_35 = arith.constant 0 : i32
    %dma_start3A_36 = tpu.memref_slice %arg11[%add3A_32, %dma_start3A_35] : memref<10240x64xf32, #tpu.memory_space<vmem_shared>> -> memref<80x64xf32, #tpu.memory_space<vmem_shared>>
    tpu.enqueue_dma source(%arg9 : memref<80x64xf32, #tpu.memory_space<vmem>>) target(%dma_start3A_36 : memref<80x64xf32, #tpu.memory_space<vmem_shared>>) target_semaphore(%arg13 : memref<!tpu.dma_semaphore, #tpu.memory_space<semaphore_mem>>)
    %mul3A_37 = arith.constant 640 : i32
    %mul3A_38 = arith.muli %arg1, %mul3A_37 : i32
    %add3A_39 = arith.constant 240 : i32
    %add3A_40 = arith.addi %mul3A_38, %add3A_39 : i32
    %dma_start3A_41 = arith.constant 0 : i32
    %dma_start3A_42 = tpu.memref_slice %arg11[%add3A_40, %dma_start3A_41] : memref<10240x64xf32, #tpu.memory_space<vmem_shared>> -> memref<80x64xf32, #tpu.memory_space<vmem_shared>>
    %dma_start3A_43 = arith.constant 0 : i32
    %dma_start3A_44 = tpu.memref_slice %arg11[%add3A_40, %dma_start3A_43] : memref<10240x64xf32, #tpu.memory_space<vmem_shared>> -> memref<80x64xf32, #tpu.memory_space<vmem_shared>>
    tpu.enqueue_dma source(%arg9 : memref<80x64xf32, #tpu.memory_space<vmem>>) target(%dma_start3A_44 : memref<80x64xf32, #tpu.memory_space<vmem_shared>>) target_semaphore(%arg13 : memref<!tpu.dma_semaphore, #tpu.memory_space<semaphore_mem>>)
    %mul3A_45 = arith.constant 640 : i32
    %mul3A_46 = arith.muli %arg1, %mul3A_45 : i32
    %add3A_47 = arith.constant 320 : i32
    %add3A_48 = arith.addi %mul3A_46, %add3A_47 : i32
    %dma_start3A_49 = arith.constant 0 : i32
    %dma_start3A_50 = tpu.memref_slice %arg11[%add3A_48, %dma_start3A_49] : memref<10240x64xf32, #tpu.memory_space<vmem_shared>> -> memref<80x64xf32, #tpu.memory_space<vmem_shared>>
    %dma_start3A_51 = arith.constant 0 : i32
    %dma_start3A_52 = tpu.memref_slice %arg11[%add3A_48, %dma_start3A_51] : memref<10240x64xf32, #tpu.memory_space<vmem_shared>> -> memref<80x64xf32, #tpu.memory_space<vmem_shared>>
    tpu.enqueue_dma source(%arg9 : memref<80x64xf32, #tpu.memory_space<vmem>>) target(%dma_start3A_52 : memref<80x64xf32, #tpu.memory_space<vmem_shared>>) target_semaphore(%arg13 : memref<!tpu.dma_semaphore, #tpu.memory_space<semaphore_mem>>)
    %mul3A_53 = arith.constant 640 : i32
    %mul3A_54 = arith.muli %arg1, %mul3A_53 : i32
    %add3A_55 = arith.constant 400 : i32
    %add3A_56 = arith.addi %mul3A_54, %add3A_55 : i32
    %dma_start3A_57 = arith.constant 0 : i32
    %dma_start3A_58 = tpu.memref_slice %arg11[%add3A_56, %dma_start3A_57] : memref<10240x64xf32, #tpu.memory_space<vmem_shared>> -> memref<80x64xf32, #tpu.memory_space<vmem_shared>>
    %dma_start3A_59 = arith.constant 0 : i32
    %dma_start3A_60 = tpu.memref_slice %arg11[%add3A_56, %dma_start3A_59] : memref<10240x64xf32, #tpu.memory_space<vmem_shared>> -> memref<80x64xf32, #tpu.memory_space<vmem_shared>>
    tpu.enqueue_dma source(%arg9 : memref<80x64xf32, #tpu.memory_space<vmem>>) target(%dma_start3A_60 : memref<80x64xf32, #tpu.memory_space<vmem_shared>>) target_semaphore(%arg13 : memref<!tpu.dma_semaphore, #tpu.memory_space<semaphore_mem>>)
    %mul3A_61 = arith.constant 640 : i32
    %mul3A_62 = arith.muli %arg1, %mul3A_61 : i32
    %add3A_63 = arith.constant 480 : i32
    %add3A_64 = arith.addi %mul3A_62, %add3A_63 : i32
    %dma_start3A_65 = arith.constant 0 : i32
    %dma_start3A_66 = tpu.memref_slice %arg11[%add3A_64, %dma_start3A_65] : memref<10240x64xf32, #tpu.memory_space<vmem_shared>> -> memref<80x64xf32, #tpu.memory_space<vmem_shared>>
    %dma_start3A_67 = arith.constant 0 : i32
    %dma_start3A_68 = tpu.memref_slice %arg11[%add3A_64, %dma_start3A_67] : memref<10240x64xf32, #tpu.memory_space<vmem_shared>> -> memref<80x64xf32, #tpu.memory_space<vmem_shared>>
    tpu.enqueue_dma source(%arg9 : memref<80x64xf32, #tpu.memory_space<vmem>>) target(%dma_start3A_68 : memref<80x64xf32, #tpu.memory_space<vmem_shared>>) target_semaphore(%arg13 : memref<!tpu.dma_semaphore, #tpu.memory_space<semaphore_mem>>)
    %mul3A_69 = arith.constant 640 : i32
    %mul3A_70 = arith.muli %arg1, %mul3A_69 : i32
    %add3A_71 = arith.constant 560 : i32
    %add3A_72 = arith.addi %mul3A_70, %add3A_71 : i32
    %dma_start3A_73 = arith.constant 0 : i32
    %dma_start3A_74 = tpu.memref_slice %arg11[%add3A_72, %dma_start3A_73] : memref<10240x64xf32, #tpu.memory_space<vmem_shared>> -> memref<80x64xf32, #tpu.memory_space<vmem_shared>>
    %dma_start3A_75 = arith.constant 0 : i32
    %dma_start3A_76 = tpu.memref_slice %arg11[%add3A_72, %dma_start3A_75] : memref<10240x64xf32, #tpu.memory_space<vmem_shared>> -> memref<80x64xf32, #tpu.memory_space<vmem_shared>>
    tpu.enqueue_dma source(%arg9 : memref<80x64xf32, #tpu.memory_space<vmem>>) target(%dma_start3A_76 : memref<80x64xf32, #tpu.memory_space<vmem_shared>>) target_semaphore(%arg13 : memref<!tpu.dma_semaphore, #tpu.memory_space<semaphore_mem>>)
    %mul3A_77 = arith.constant 640 : i32
    %mul3A_78 = arith.muli %arg1, %mul3A_77 : i32
    %dma_wait3A = arith.constant 0 : i32
    %dma_wait3A_79 = tpu.memref_slice %arg11[%mul3A_78, %dma_wait3A] : memref<10240x64xf32, #tpu.memory_space<vmem_shared>> -> memref<80x64xf32, #tpu.memory_space<vmem_shared>>
    %dma_wait3A_80 = arith.constant 0 : i32
    %dma_wait3A_81 = tpu.memref_slice %arg11[%mul3A_78, %dma_wait3A_80] : memref<10240x64xf32, #tpu.memory_space<vmem_shared>> -> memref<80x64xf32, #tpu.memory_space<vmem_shared>>
    tpu.wait_dma2 semaphore(%arg13 : memref<!tpu.dma_semaphore, #tpu.memory_space<semaphore_mem>>) src(%arg9 : memref<80x64xf32, #tpu.memory_space<vmem>>) dst(%dma_wait3A_81 : memref<80x64xf32, #tpu.memory_space<vmem_shared>>)
    %mul3A_82 = arith.constant 640 : i32
    %mul3A_83 = arith.muli %arg1, %mul3A_82 : i32
    %dma_wait3A_84 = arith.constant 0 : i32
    %dma_wait3A_85 = tpu.memref_slice %arg11[%mul3A_83, %dma_wait3A_84] : memref<10240x64xf32, #tpu.memory_space<vmem_shared>> -> memref<80x64xf32, #tpu.memory_space<vmem_shared>>
    %dma_wait3A_86 = arith.constant 0 : i32
    %dma_wait3A_87 = tpu.memref_slice %arg11[%mul3A_83, %dma_wait3A_86] : memref<10240x64xf32, #tpu.memory_space<vmem_shared>> -> memref<80x64xf32, #tpu.memory_space<vmem_shared>>
    tpu.wait_dma2 semaphore(%arg13 : memref<!tpu.dma_semaphore, #tpu.memory_space<semaphore_mem>>) src(%arg9 : memref<80x64xf32, #tpu.memory_space<vmem>>) dst(%dma_wait3A_87 : memref<80x64xf32, #tpu.memory_space<vmem_shared>>)
    %mul3A_88 = arith.constant 640 : i32
    %mul3A_89 = arith.muli %arg1, %mul3A_88 : i32
    %dma_wait3A_90 = arith.constant 0 : i32
    %dma_wait3A_91 = tpu.memref_slice %arg11[%mul3A_89, %dma_wait3A_90] : memref<10240x64xf32, #tpu.memory_space<vmem_shared>> -> memref<80x64xf32, #tpu.memory_space<vmem_shared>>
    %dma_wait3A_92 = arith.constant 0 : i32
    %dma_wait3A_93 = tpu.memref_slice %arg11[%mul3A_89, %dma_wait3A_92] : memref<10240x64xf32, #tpu.memory_space<vmem_shared>> -> memref<80x64xf32, #tpu.memory_space<vmem_shared>>
    tpu.wait_dma2 semaphore(%arg13 : memref<!tpu.dma_semaphore, #tpu.memory_space<semaphore_mem>>) src(%arg9 : memref<80x64xf32, #tpu.memory_space<vmem>>) dst(%dma_wait3A_93 : memref<80x64xf32, #tpu.memory_space<vmem_shared>>)
    %mul3A_94 = arith.constant 640 : i32
    %mul3A_95 = arith.muli %arg1, %mul3A_94 : i32
    %dma_wait3A_96 = arith.constant 0 : i32
    %dma_wait3A_97 = tpu.memref_slice %arg11[%mul3A_95, %dma_wait3A_96] : memref<10240x64xf32, #tpu.memory_space<vmem_shared>> -> memref<80x64xf32, #tpu.memory_space<vmem_shared>>
    %dma_wait3A_98 = arith.constant 0 : i32
    %dma_wait3A_99 = tpu.memref_slice %arg11[%mul3A_95, %dma_wait3A_98] : memref<10240x64xf32, #tpu.memory_space<vmem_shared>> -> memref<80x64xf32, #tpu.memory_space<vmem_shared>>
    tpu.wait_dma2 semaphore(%arg13 : memref<!tpu.dma_semaphore, #tpu.memory_space<semaphore_mem>>) src(%arg9 : memref<80x64xf32, #tpu.memory_space<vmem>>) dst(%dma_wait3A_99 : memref<80x64xf32, #tpu.memory_space<vmem_shared>>)
    %mul3A_100 = arith.constant 640 : i32
    %mul3A_101 = arith.muli %arg1, %mul3A_100 : i32
    %dma_wait3A_102 = arith.constant 0 : i32
    %dma_wait3A_103 = tpu.memref_slice %arg11[%mul3A_101, %dma_wait3A_102] : memref<10240x64xf32, #tpu.memory_space<vmem_shared>> -> memref<80x64xf32, #tpu.memory_space<vmem_shared>>
    %dma_wait3A_104 = arith.constant 0 : i32
    %dma_wait3A_105 = tpu.memref_slice %arg11[%mul3A_101, %dma_wait3A_104] : memref<10240x64xf32, #tpu.memory_space<vmem_shared>> -> memref<80x64xf32, #tpu.memory_space<vmem_shared>>
    tpu.wait_dma2 semaphore(%arg13 : memref<!tpu.dma_semaphore, #tpu.memory_space<semaphore_mem>>) src(%arg9 : memref<80x64xf32, #tpu.memory_space<vmem>>) dst(%dma_wait3A_105 : memref<80x64xf32, #tpu.memory_space<vmem_shared>>)
    %mul3A_106 = arith.constant 640 : i32
    %mul3A_107 = arith.muli %arg1, %mul3A_106 : i32
    %dma_wait3A_108 = arith.constant 0 : i32
    %dma_wait3A_109 = tpu.memref_slice %arg11[%mul3A_107, %dma_wait3A_108] : memref<10240x64xf32, #tpu.memory_space<vmem_shared>> -> memref<80x64xf32, #tpu.memory_space<vmem_shared>>
    %dma_wait3A_110 = arith.constant 0 : i32
    %dma_wait3A_111 = tpu.memref_slice %arg11[%mul3A_107, %dma_wait3A_110] : memref<10240x64xf32, #tpu.memory_space<vmem_shared>> -> memref<80x64xf32, #tpu.memory_space<vmem_shared>>
    tpu.wait_dma2 semaphore(%arg13 : memref<!tpu.dma_semaphore, #tpu.memory_space<semaphore_mem>>) src(%arg9 : memref<80x64xf32, #tpu.memory_space<vmem>>) dst(%dma_wait3A_111 : memref<80x64xf32, #tpu.memory_space<vmem_shared>>)
    %mul3A_112 = arith.constant 640 : i32
    %mul3A_113 = arith.muli %arg1, %mul3A_112 : i32
    %dma_wait3A_114 = arith.constant 0 : i32
    %dma_wait3A_115 = tpu.memref_slice %arg11[%mul3A_113, %dma_wait3A_114] : memref<10240x64xf32, #tpu.memory_space<vmem_shared>> -> memref<80x64xf32, #tpu.memory_space<vmem_shared>>
    %dma_wait3A_116 = arith.constant 0 : i32
    %dma_wait3A_117 = tpu.memref_slice %arg11[%mul3A_113, %dma_wait3A_116] : memref<10240x64xf32, #tpu.memory_space<vmem_shared>> -> memref<80x64xf32, #tpu.memory_space<vmem_shared>>
    tpu.wait_dma2 semaphore(%arg13 : memref<!tpu.dma_semaphore, #tpu.memory_space<semaphore_mem>>) src(%arg9 : memref<80x64xf32, #tpu.memory_space<vmem>>) dst(%dma_wait3A_117 : memref<80x64xf32, #tpu.memory_space<vmem_shared>>)
    %mul3A_118 = arith.constant 640 : i32
    %mul3A_119 = arith.muli %arg1, %mul3A_118 : i32
    %dma_wait3A_120 = arith.constant 0 : i32
    %dma_wait3A_121 = tpu.memref_slice %arg11[%mul3A_119, %dma_wait3A_120] : memref<10240x64xf32, #tpu.memory_space<vmem_shared>> -> memref<80x64xf32, #tpu.memory_space<vmem_shared>>
    %dma_wait3A_122 = arith.constant 0 : i32
    %dma_wait3A_123 = tpu.memref_slice %arg11[%mul3A_119, %dma_wait3A_122] : memref<10240x64xf32, #tpu.memory_space<vmem_shared>> -> memref<80x64xf32, #tpu.memory_space<vmem_shared>>
    tpu.wait_dma2 semaphore(%arg13 : memref<!tpu.dma_semaphore, #tpu.memory_space<semaphore_mem>>) src(%arg9 : memref<80x64xf32, #tpu.memory_space<vmem>>) dst(%dma_wait3A_123 : memref<80x64xf32, #tpu.memory_space<vmem_shared>>)
    %mul3A_124 = arith.constant 640 : i32
    %mul3A_125 = arith.muli %arg1, %mul3A_124 : i32
    %mul3A_126 = arith.constant 640 : i32
    %mul3A_127 = arith.muli %arg1, %mul3A_126 : i32
    %dma_wait3A_128 = arith.constant 0 : i32
    %dma_wait3A_129 = tpu.memref_slice %arg12[%mul3A_127, %dma_wait3A_128] : memref<10240x64xf32, #tpu.memory_space<vmem_shared>> -> memref<640x64xf32, #tpu.memory_space<vmem_shared>>
    %dma_wait3A_130 = arith.constant 0 : i32
    %dma_wait3A_131 = tpu.memref_slice %arg2[%mul3A_125, %dma_wait3A_130] : memref<10240x64xf32, #tpu.memory_space<hbm>> -> memref<640x64xf32, #tpu.memory_space<hbm>>
    tpu.wait_dma2 semaphore(%arg14 : memref<!tpu.dma_semaphore, #tpu.memory_space<semaphore_mem>>) src(%dma_wait3A_131 : memref<640x64xf32, #tpu.memory_space<hbm>>) dst(%dma_wait3A_129 : memref<640x64xf32, #tpu.memory_space<vmem_shared>>)
    %barrier3A = arith.constant 0 : index
    tpu.barrier barrier_id(%barrier3A)
    %run_scoped3A = arith.constant 0 : i32
    "tpu.region"() ({
      %run_scoped3A_162 = tpu.sem_alloc : memref<!tpu.dma_semaphore, #tpu.memory_space<semaphore_mem>>
      %dma_start3A_163 = arith.constant 0 : i32
      %dma_start3A_164 = arith.constant 0 : i32
      %dma_start3A_165 = tpu.memref_slice %arg3[%add3A, %run_scoped3A, %dma_start3A_163, %dma_start3A_164] : memref<32x1x125x80xi32, #tpu.memory_space<hbm>> -> memref<1x1x125x80xi32, #tpu.memory_space<hbm>>
      %dma_start3A_166 = tpu.memref_squeeze %dma_start3A_165 : memref<1x1x125x80xi32, #tpu.memory_space<hbm>> -> memref<125x80xi32, #tpu.memory_space<hbm>>
      %dma_start3A_167 = arith.constant 0 : i32
      %dma_start3A_168 = arith.constant 0 : i32
      %dma_start3A_169 = tpu.memref_slice %arg3[%add3A, %run_scoped3A, %dma_start3A_167, %dma_start3A_168] : memref<32x1x125x80xi32, #tpu.memory_space<hbm>> -> memref<1x1x125x80xi32, #tpu.memory_space<hbm>>
      %dma_start3A_170 = tpu.memref_squeeze %dma_start3A_169 : memref<1x1x125x80xi32, #tpu.memory_space<hbm>> -> memref<125x80xi32, #tpu.memory_space<hbm>>
      tpu.enqueue_dma source(%dma_start3A_170 : memref<125x80xi32, #tpu.memory_space<hbm>>) target(%arg7 : memref<125x80xi32, #tpu.memory_space<vmem>>) target_semaphore(%run_scoped3A_162 : memref<!tpu.dma_semaphore, #tpu.memory_space<semaphore_mem>>)
      %dma_wait3A_171 = arith.constant 0 : i32
      %dma_wait3A_172 = arith.constant 0 : i32
      %dma_wait3A_173 = tpu.memref_slice %arg3[%add3A, %run_scoped3A, %dma_wait3A_171, %dma_wait3A_172] : memref<32x1x125x80xi32, #tpu.memory_space<hbm>> -> memref<1x1x125x80xi32, #tpu.memory_space<hbm>>
      %dma_wait3A_174 = tpu.memref_squeeze %dma_wait3A_173 : memref<1x1x125x80xi32, #tpu.memory_space<hbm>> -> memref<125x80xi32, #tpu.memory_space<hbm>>
      %dma_wait3A_175 = arith.constant 0 : i32
      %dma_wait3A_176 = arith.constant 0 : i32
      %dma_wait3A_177 = tpu.memref_slice %arg3[%add3A, %run_scoped3A, %dma_wait3A_175, %dma_wait3A_176] : memref<32x1x125x80xi32, #tpu.memory_space<hbm>> -> memref<1x1x125x80xi32, #tpu.memory_space<hbm>>
      %dma_wait3A_178 = tpu.memref_squeeze %dma_wait3A_177 : memref<1x1x125x80xi32, #tpu.memory_space<hbm>> -> memref<125x80xi32, #tpu.memory_space<hbm>>
      tpu.wait_dma2 semaphore(%run_scoped3A_162 : memref<!tpu.dma_semaphore, #tpu.memory_space<semaphore_mem>>) src(%dma_wait3A_178 : memref<125x80xi32, #tpu.memory_space<hbm>>) dst(%arg7 : memref<125x80xi32, #tpu.memory_space<vmem>>)
      tpu.yield
    }) : () -> ()
    %run_scoped3A_132 = arith.constant 0 : i32
    "tpu.region"() ({
      %run_scoped3A_162 = tpu.sem_alloc : memref<!tpu.dma_semaphore, #tpu.memory_space<semaphore_mem>>
      %dma_start3A_163 = arith.constant 0 : i32
      %dma_start3A_164 = arith.constant 0 : i32
      %dma_start3A_165 = tpu.memref_slice %arg4[%add3A, %run_scoped3A_132, %dma_start3A_163, %dma_start3A_164] : memref<32x1x125x80xi32, #tpu.memory_space<hbm>> -> memref<1x1x125x80xi32, #tpu.memory_space<hbm>>
      %dma_start3A_166 = tpu.memref_squeeze %dma_start3A_165 : memref<1x1x125x80xi32, #tpu.memory_space<hbm>> -> memref<125x80xi32, #tpu.memory_space<hbm>>
      %dma_start3A_167 = arith.constant 0 : i32
      %dma_start3A_168 = arith.constant 0 : i32
      %dma_start3A_169 = tpu.memref_slice %arg4[%add3A, %run_scoped3A_132, %dma_start3A_167, %dma_start3A_168] : memref<32x1x125x80xi32, #tpu.memory_space<hbm>> -> memref<1x1x125x80xi32, #tpu.memory_space<hbm>>
      %dma_start3A_170 = tpu.memref_squeeze %dma_start3A_169 : memref<1x1x125x80xi32, #tpu.memory_space<hbm>> -> memref<125x80xi32, #tpu.memory_space<hbm>>
      tpu.enqueue_dma source(%dma_start3A_170 : memref<125x80xi32, #tpu.memory_space<hbm>>) target(%arg8 : memref<125x80xi32, #tpu.memory_space<vmem>>) target_semaphore(%run_scoped3A_162 : memref<!tpu.dma_semaphore, #tpu.memory_space<semaphore_mem>>)
      %dma_wait3A_171 = arith.constant 0 : i32
      %dma_wait3A_172 = arith.constant 0 : i32
      %dma_wait3A_173 = tpu.memref_slice %arg4[%add3A, %run_scoped3A_132, %dma_wait3A_171, %dma_wait3A_172] : memref<32x1x125x80xi32, #tpu.memory_space<hbm>> -> memref<1x1x125x80xi32, #tpu.memory_space<hbm>>
      %dma_wait3A_174 = tpu.memref_squeeze %dma_wait3A_173 : memref<1x1x125x80xi32, #tpu.memory_space<hbm>> -> memref<125x80xi32, #tpu.memory_space<hbm>>
      %dma_wait3A_175 = arith.constant 0 : i32
      %dma_wait3A_176 = arith.constant 0 : i32
      %dma_wait3A_177 = tpu.memref_slice %arg4[%add3A, %run_scoped3A_132, %dma_wait3A_175, %dma_wait3A_176] : memref<32x1x125x80xi32, #tpu.memory_space<hbm>> -> memref<1x1x125x80xi32, #tpu.memory_space<hbm>>
      %dma_wait3A_178 = tpu.memref_squeeze %dma_wait3A_177 : memref<1x1x125x80xi32, #tpu.memory_space<hbm>> -> memref<125x80xi32, #tpu.memory_space<hbm>>
      tpu.wait_dma2 semaphore(%run_scoped3A_162 : memref<!tpu.dma_semaphore, #tpu.memory_space<semaphore_mem>>) src(%dma_wait3A_178 : memref<125x80xi32, #tpu.memory_space<hbm>>) dst(%arg8 : memref<125x80xi32, #tpu.memory_space<vmem>>)
      tpu.yield
    }) : () -> ()
    %dma_start3A_133 = arith.constant 0 : i32
    %dma_start3A_134 = arith.constant 0 : i32
    %dma_start3A_135 = tpu.memref_slice %arg7[%dma_start3A_133, %dma_start3A_134] : memref<125x80xi32, #tpu.memory_space<vmem>> -> memref<1x80xi32, #tpu.memory_space<vmem>>
    %dma_start3A_136 = tpu.memref_squeeze %dma_start3A_135 : memref<1x80xi32, #tpu.memory_space<vmem>> -> memref<80xi32, #tpu.memory_space<vmem>>
    %dma_start3A_137 = arith.constant 0 : i32
    %dma_start3A_138 = arith.constant 0 : i32
    %dma_start3A_139 = tpu.memref_slice %arg12[%dma_start3A_137, %dma_start3A_138] : memref<10240x64xf32, #tpu.memory_space<vmem_shared>> -> memref<10240x64xf32, #tpu.memory_space<vmem_shared>>
    tpu.enqueue_indirect_dma source(%dma_start3A_139 : memref<10240x64xf32, #tpu.memory_space<vmem_shared>>) target(%arg9 : memref<80x64xf32, #tpu.memory_space<vmem>>) offsets(%dma_start3A_136 : memref<80xi32, #tpu.memory_space<vmem>>) semaphore(%arg13 : memref<!tpu.dma_semaphore, #tpu.memory_space<semaphore_mem>>)
    %scan3A_140 = arith.constant 0 : i32
    %scan3A_141 = arith.constant 0 : i32
    %scan3A_142 = arith.constant 62 : i32
    %scan3A_143 = arith.addi %scan3A_141, %scan3A_142 : i32
    %scan3A_144 = arith.constant 1 : i32
    scf.for %scan3A_162 = %scan3A_141 to %scan3A_143 step %scan3A_144  : i32 {
      %mul3A_163 = arith.constant 2 : i32
      %mul3A_164 = arith.muli %mul3A_163, %scan3A_162 : i32
      %dma_wait3A_165 = arith.constant 0 : i32
      %dma_wait3A_166 = tpu.memref_slice %arg7[%mul3A_164, %dma_wait3A_165] : memref<125x80xi32, #tpu.memory_space<vmem>> -> memref<1x80xi32, #tpu.memory_space<vmem>>
      %dma_wait3A_167 = tpu.memref_squeeze %dma_wait3A_166 : memref<1x80xi32, #tpu.memory_space<vmem>> -> memref<80xi32, #tpu.memory_space<vmem>>
      %dma_wait3A_168 = arith.constant 0 : i32
      %dma_wait3A_169 = arith.constant 0 : i32
      %dma_wait3A_170 = tpu.memref_slice %arg12[%dma_wait3A_168, %dma_wait3A_169] : memref<10240x64xf32, #tpu.memory_space<vmem_shared>> -> memref<10240x64xf32, #tpu.memory_space<vmem_shared>>
      tpu.wait_indirect_dma semaphore(%arg13 : memref<!tpu.dma_semaphore, #tpu.memory_space<semaphore_mem>>) src(%dma_wait3A_170 : memref<10240x64xf32, #tpu.memory_space<vmem_shared>>) dst(%arg9 : memref<80x64xf32, #tpu.memory_space<vmem>>)
      %add3A_171 = arith.constant 1 : i32
      %add3A_172 = arith.addi %mul3A_164, %add3A_171 : i32
      %dma_start3A_173 = arith.constant 0 : i32
      %dma_start3A_174 = tpu.memref_slice %arg7[%add3A_172, %dma_start3A_173] : memref<125x80xi32, #tpu.memory_space<vmem>> -> memref<1x80xi32, #tpu.memory_space<vmem>>
      %dma_start3A_175 = tpu.memref_squeeze %dma_start3A_174 : memref<1x80xi32, #tpu.memory_space<vmem>> -> memref<80xi32, #tpu.memory_space<vmem>>
      %dma_start3A_176 = arith.constant 0 : i32
      %dma_start3A_177 = arith.constant 0 : i32
      %dma_start3A_178 = tpu.memref_slice %arg12[%dma_start3A_176, %dma_start3A_177] : memref<10240x64xf32, #tpu.memory_space<vmem_shared>> -> memref<10240x64xf32, #tpu.memory_space<vmem_shared>>
      tpu.enqueue_indirect_dma source(%dma_start3A_178 : memref<10240x64xf32, #tpu.memory_space<vmem_shared>>) target(%arg10 : memref<80x64xf32, #tpu.memory_space<vmem>>) offsets(%dma_start3A_175 : memref<80xi32, #tpu.memory_space<vmem>>) semaphore(%arg14 : memref<!tpu.dma_semaphore, #tpu.memory_space<semaphore_mem>>)
      "tpu.region"() ({
        %run_scoped3A_197 = tpu.sem_alloc : memref<!tpu.dma_semaphore, #tpu.memory_space<semaphore_mem>>
        %dma_start3A_198 = arith.constant 0 : i32
        %dma_start3A_199 = tpu.memref_slice %arg8[%mul3A_164, %dma_start3A_198] : memref<125x80xi32, #tpu.memory_space<vmem>> -> memref<1x80xi32, #tpu.memory_space<vmem>>
        %dma_start3A_200 = tpu.memref_squeeze %dma_start3A_199 : memref<1x80xi32, #tpu.memory_space<vmem>> -> memref<80xi32, #tpu.memory_space<vmem>>
        %dma_start3A_201 = arith.constant 0 : i32
        %dma_start3A_202 = arith.constant 0 : i32
        %dma_start3A_203 = tpu.memref_slice %arg11[%dma_start3A_201, %dma_start3A_202] : memref<10240x64xf32, #tpu.memory_space<vmem_shared>> -> memref<10240x64xf32, #tpu.memory_space<vmem_shared>>
        tpu.enqueue_indirect_dma source(%arg9 : memref<80x64xf32, #tpu.memory_space<vmem>>) target(%dma_start3A_203 : memref<10240x64xf32, #tpu.memory_space<vmem_shared>>) offsets(%dma_start3A_200 : memref<80xi32, #tpu.memory_space<vmem>>) semaphore(%run_scoped3A_197 : memref<!tpu.dma_semaphore, #tpu.memory_space<semaphore_mem>>) {add = true}
        %dma_wait3A_204 = arith.constant 0 : i32
        %dma_wait3A_205 = tpu.memref_slice %arg8[%mul3A_164, %dma_wait3A_204] : memref<125x80xi32, #tpu.memory_space<vmem>> -> memref<1x80xi32, #tpu.memory_space<vmem>>
        %dma_wait3A_206 = tpu.memref_squeeze %dma_wait3A_205 : memref<1x80xi32, #tpu.memory_space<vmem>> -> memref<80xi32, #tpu.memory_space<vmem>>
        %dma_wait3A_207 = arith.constant 0 : i32
        %dma_wait3A_208 = arith.constant 0 : i32
        %dma_wait3A_209 = tpu.memref_slice %arg11[%dma_wait3A_207, %dma_wait3A_208] : memref<10240x64xf32, #tpu.memory_space<vmem_shared>> -> memref<10240x64xf32, #tpu.memory_space<vmem_shared>>
        tpu.wait_indirect_dma semaphore(%run_scoped3A_197 : memref<!tpu.dma_semaphore, #tpu.memory_space<semaphore_mem>>) src(%arg9 : memref<80x64xf32, #tpu.memory_space<vmem>>) dst(%dma_wait3A_209 : memref<10240x64xf32, #tpu.memory_space<vmem_shared>>)
        tpu.yield
      }) : () -> ()
      %add3A_179 = arith.constant 1 : i32
      %add3A_180 = arith.addi %mul3A_164, %add3A_179 : i32
      %dma_wait3A_181 = arith.constant 0 : i32
      %dma_wait3A_182 = tpu.memref_slice %arg7[%add3A_180, %dma_wait3A_181] : memref<125x80xi32, #tpu.memory_space<vmem>> -> memref<1x80xi32, #tpu.memory_space<vmem>>
      %dma_wait3A_183 = tpu.memref_squeeze %dma_wait3A_182 : memref<1x80xi32, #tpu.memory_space<vmem>> -> memref<80xi32, #tpu.memory_space<vmem>>
      %dma_wait3A_184 = arith.constant 0 : i32
      %dma_wait3A_185 = arith.constant 0 : i32
      %dma_wait3A_186 = tpu.memref_slice %arg12[%dma_wait3A_184, %dma_wait3A_185] : memref<10240x64xf32, #tpu.memory_space<vmem_shared>> -> memref<10240x64xf32, #tpu.memory_space<vmem_shared>>
      tpu.wait_indirect_dma semaphore(%arg14 : memref<!tpu.dma_semaphore, #tpu.memory_space<semaphore_mem>>) src(%dma_wait3A_186 : memref<10240x64xf32, #tpu.memory_space<vmem_shared>>) dst(%arg10 : memref<80x64xf32, #tpu.memory_space<vmem>>)
      %add3A_187 = arith.constant 2 : i32
      %add3A_188 = arith.addi %mul3A_164, %add3A_187 : i32
      %dma_start3A_189 = arith.constant 0 : i32
      %dma_start3A_190 = tpu.memref_slice %arg7[%add3A_188, %dma_start3A_189] : memref<125x80xi32, #tpu.memory_space<vmem>> -> memref<1x80xi32, #tpu.memory_space<vmem>>
      %dma_start3A_191 = tpu.memref_squeeze %dma_start3A_190 : memref<1x80xi32, #tpu.memory_space<vmem>> -> memref<80xi32, #tpu.memory_space<vmem>>
      %dma_start3A_192 = arith.constant 0 : i32
      %dma_start3A_193 = arith.constant 0 : i32
      %dma_start3A_194 = tpu.memref_slice %arg12[%dma_start3A_192, %dma_start3A_193] : memref<10240x64xf32, #tpu.memory_space<vmem_shared>> -> memref<10240x64xf32, #tpu.memory_space<vmem_shared>>
      tpu.enqueue_indirect_dma source(%dma_start3A_194 : memref<10240x64xf32, #tpu.memory_space<vmem_shared>>) target(%arg9 : memref<80x64xf32, #tpu.memory_space<vmem>>) offsets(%dma_start3A_191 : memref<80xi32, #tpu.memory_space<vmem>>) semaphore(%arg13 : memref<!tpu.dma_semaphore, #tpu.memory_space<semaphore_mem>>)
      %add3A_195 = arith.constant 1 : i32
      %add3A_196 = arith.addi %mul3A_164, %add3A_195 : i32
      "tpu.region"() ({
        %run_scoped3A_197 = tpu.sem_alloc : memref<!tpu.dma_semaphore, #tpu.memory_space<semaphore_mem>>
        %dma_start3A_198 = arith.constant 0 : i32
        %dma_start3A_199 = tpu.memref_slice %arg8[%add3A_196, %dma_start3A_198] : memref<125x80xi32, #tpu.memory_space<vmem>> -> memref<1x80xi32, #tpu.memory_space<vmem>>
        %dma_start3A_200 = tpu.memref_squeeze %dma_start3A_199 : memref<1x80xi32, #tpu.memory_space<vmem>> -> memref<80xi32, #tpu.memory_space<vmem>>
        %dma_start3A_201 = arith.constant 0 : i32
        %dma_start3A_202 = arith.constant 0 : i32
        %dma_start3A_203 = tpu.memref_slice %arg11[%dma_start3A_201, %dma_start3A_202] : memref<10240x64xf32, #tpu.memory_space<vmem_shared>> -> memref<10240x64xf32, #tpu.memory_space<vmem_shared>>
        tpu.enqueue_indirect_dma source(%arg10 : memref<80x64xf32, #tpu.memory_space<vmem>>) target(%dma_start3A_203 : memref<10240x64xf32, #tpu.memory_space<vmem_shared>>) offsets(%dma_start3A_200 : memref<80xi32, #tpu.memory_space<vmem>>) semaphore(%run_scoped3A_197 : memref<!tpu.dma_semaphore, #tpu.memory_space<semaphore_mem>>) {add = true}
        %dma_wait3A_204 = arith.constant 0 : i32
        %dma_wait3A_205 = tpu.memref_slice %arg8[%add3A_196, %dma_wait3A_204] : memref<125x80xi32, #tpu.memory_space<vmem>> -> memref<1x80xi32, #tpu.memory_space<vmem>>
        %dma_wait3A_206 = tpu.memref_squeeze %dma_wait3A_205 : memref<1x80xi32, #tpu.memory_space<vmem>> -> memref<80xi32, #tpu.memory_space<vmem>>
        %dma_wait3A_207 = arith.constant 0 : i32
        %dma_wait3A_208 = arith.constant 0 : i32
        %dma_wait3A_209 = tpu.memref_slice %arg11[%dma_wait3A_207, %dma_wait3A_208] : memref<10240x64xf32, #tpu.memory_space<vmem_shared>> -> memref<10240x64xf32, #tpu.memory_space<vmem_shared>>
        tpu.wait_indirect_dma semaphore(%run_scoped3A_197 : memref<!tpu.dma_semaphore, #tpu.memory_space<semaphore_mem>>) src(%arg10 : memref<80x64xf32, #tpu.memory_space<vmem>>) dst(%dma_wait3A_209 : memref<10240x64xf32, #tpu.memory_space<vmem_shared>>)
        tpu.yield
      }) : () -> ()
    }
    %scan3A_145 = arith.constant 62 : i32
    %dma_wait3A_146 = arith.constant 124 : i32
    %dma_wait3A_147 = arith.constant 0 : i32
    %dma_wait3A_148 = tpu.memref_slice %arg7[%dma_wait3A_146, %dma_wait3A_147] : memref<125x80xi32, #tpu.memory_space<vmem>> -> memref<1x80xi32, #tpu.memory_space<vmem>>
    %dma_wait3A_149 = tpu.memref_squeeze %dma_wait3A_148 : memref<1x80xi32, #tpu.memory_space<vmem>> -> memref<80xi32, #tpu.memory_space<vmem>>
    %dma_wait3A_150 = arith.constant 0 : i32
    %dma_wait3A_151 = arith.constant 0 : i32
    %dma_wait3A_152 = tpu.memref_slice %arg12[%dma_wait3A_150, %dma_wait3A_151] : memref<10240x64xf32, #tpu.memory_space<vmem_shared>> -> memref<10240x64xf32, #tpu.memory_space<vmem_shared>>
    tpu.wait_indirect_dma semaphore(%arg13 : memref<!tpu.dma_semaphore, #tpu.memory_space<semaphore_mem>>) src(%dma_wait3A_152 : memref<10240x64xf32, #tpu.memory_space<vmem_shared>>) dst(%arg9 : memref<80x64xf32, #tpu.memory_space<vmem>>)
    %run_scoped3A_153 = arith.constant 124 : i32
    "tpu.region"() ({
      %run_scoped3A_162 = tpu.sem_alloc : memref<!tpu.dma_semaphore, #tpu.memory_space<semaphore_mem>>
      %dma_start3A_163 = arith.constant 0 : i32
      %dma_start3A_164 = tpu.memref_slice %arg8[%run_scoped3A_153, %dma_start3A_163] : memref<125x80xi32, #tpu.memory_space<vmem>> -> memref<1x80xi32, #tpu.memory_space<vmem>>
      %dma_start3A_165 = tpu.memref_squeeze %dma_start3A_164 : memref<1x80xi32, #tpu.memory_space<vmem>> -> memref<80xi32, #tpu.memory_space<vmem>>
      %dma_start3A_166 = arith.constant 0 : i32
      %dma_start3A_167 = arith.constant 0 : i32
      %dma_start3A_168 = tpu.memref_slice %arg11[%dma_start3A_166, %dma_start3A_167] : memref<10240x64xf32, #tpu.memory_space<vmem_shared>> -> memref<10240x64xf32, #tpu.memory_space<vmem_shared>>
      tpu.enqueue_indirect_dma source(%arg9 : memref<80x64xf32, #tpu.memory_space<vmem>>) target(%dma_start3A_168 : memref<10240x64xf32, #tpu.memory_space<vmem_shared>>) offsets(%dma_start3A_165 : memref<80xi32, #tpu.memory_space<vmem>>) semaphore(%run_scoped3A_162 : memref<!tpu.dma_semaphore, #tpu.memory_space<semaphore_mem>>) {add = true}
      %dma_wait3A_169 = arith.constant 0 : i32
      %dma_wait3A_170 = tpu.memref_slice %arg8[%run_scoped3A_153, %dma_wait3A_169] : memref<125x80xi32, #tpu.memory_space<vmem>> -> memref<1x80xi32, #tpu.memory_space<vmem>>
      %dma_wait3A_171 = tpu.memref_squeeze %dma_wait3A_170 : memref<1x80xi32, #tpu.memory_space<vmem>> -> memref<80xi32, #tpu.memory_space<vmem>>
      %dma_wait3A_172 = arith.constant 0 : i32
      %dma_wait3A_173 = arith.constant 0 : i32
      %dma_wait3A_174 = tpu.memref_slice %arg11[%dma_wait3A_172, %dma_wait3A_173] : memref<10240x64xf32, #tpu.memory_space<vmem_shared>> -> memref<10240x64xf32, #tpu.memory_space<vmem_shared>>
      tpu.wait_indirect_dma semaphore(%run_scoped3A_162 : memref<!tpu.dma_semaphore, #tpu.memory_space<semaphore_mem>>) src(%arg9 : memref<80x64xf32, #tpu.memory_space<vmem>>) dst(%dma_wait3A_174 : memref<10240x64xf32, #tpu.memory_space<vmem_shared>>)
      tpu.yield
    }) : () -> ()
    %barrier3A_154 = arith.constant 0 : index
    tpu.barrier barrier_id(%barrier3A_154)
    %eq3A = arith.constant 0 : i32
    %eq3A_155 = arith.cmpi eq, %arg0, %eq3A : i32
    %convert_element_type3A = arith.extui %eq3A_155 : i1 to i32
    %cond3A = arith.constant 0 : i32
    %cond3A_156 = arith.cmpi ne, %convert_element_type3A, %cond3A : i32
    scf.if %cond3A_156 {
      %mul3A_162 = arith.constant 640 : i32
      %mul3A_163 = arith.muli %arg1, %mul3A_162 : i32
      %mul3A_164 = arith.constant 640 : i32
      %mul3A_165 = arith.muli %arg1, %mul3A_164 : i32
      "tpu.region"() ({
        %run_scoped3A_166 = tpu.sem_alloc : memref<!tpu.dma_semaphore, #tpu.memory_space<semaphore_mem>>
        %dma_start3A_167 = arith.constant 0 : i32
        %dma_start3A_168 = tpu.memref_slice %arg5[%mul3A_165, %dma_start3A_167] : memref<10240x64xf32, #tpu.memory_space<hbm>> -> memref<640x64xf32, #tpu.memory_space<hbm>>
        %dma_start3A_169 = arith.constant 0 : i32
        %dma_start3A_170 = tpu.memref_slice %arg11[%mul3A_163, %dma_start3A_169] : memref<10240x64xf32, #tpu.memory_space<vmem_shared>> -> memref<640x64xf32, #tpu.memory_space<vmem_shared>>
        tpu.enqueue_dma source(%dma_start3A_170 : memref<640x64xf32, #tpu.memory_space<vmem_shared>>) target(%dma_start3A_168 : memref<640x64xf32, #tpu.memory_space<hbm>>) target_semaphore(%run_scoped3A_166 : memref<!tpu.dma_semaphore, #tpu.memory_space<semaphore_mem>>)
        %dma_wait3A_171 = arith.constant 0 : i32
        %dma_wait3A_172 = tpu.memref_slice %arg5[%mul3A_165, %dma_wait3A_171] : memref<10240x64xf32, #tpu.memory_space<hbm>> -> memref<640x64xf32, #tpu.memory_space<hbm>>
        %dma_wait3A_173 = arith.constant 0 : i32
        %dma_wait3A_174 = tpu.memref_slice %arg11[%mul3A_163, %dma_wait3A_173] : memref<10240x64xf32, #tpu.memory_space<vmem_shared>> -> memref<640x64xf32, #tpu.memory_space<vmem_shared>>
        tpu.wait_dma2 semaphore(%run_scoped3A_166 : memref<!tpu.dma_semaphore, #tpu.memory_space<semaphore_mem>>) src(%dma_wait3A_174 : memref<640x64xf32, #tpu.memory_space<vmem_shared>>) dst(%dma_wait3A_172 : memref<640x64xf32, #tpu.memory_space<hbm>>)
        tpu.yield
      }) : () -> ()
    } else {
    }
    %eq3A_157 = arith.constant 1 : i32
    %eq3A_158 = arith.cmpi eq, %arg0, %eq3A_157 : i32
    %convert_element_type3A_159 = arith.extui %eq3A_158 : i1 to i32
    %cond3A_160 = arith.constant 0 : i32
    %cond3A_161 = arith.cmpi ne, %convert_element_type3A_159, %cond3A_160 : i32
    scf.if %cond3A_161 {
      %mul3A_162 = arith.constant 640 : i32
      %mul3A_163 = arith.muli %arg1, %mul3A_162 : i32
      %mul3A_164 = arith.constant 640 : i32
      %mul3A_165 = arith.muli %arg1, %mul3A_164 : i32
      "tpu.region"() ({
        %run_scoped3A_166 = tpu.sem_alloc : memref<!tpu.dma_semaphore, #tpu.memory_space<semaphore_mem>>
        %dma_start3A_167 = arith.constant 0 : i32
        %dma_start3A_168 = tpu.memref_slice %arg6[%mul3A_165, %dma_start3A_167] : memref<10240x64xf32, #tpu.memory_space<hbm>> -> memref<640x64xf32, #tpu.memory_space<hbm>>
        %dma_start3A_169 = arith.constant 0 : i32
        %dma_start3A_170 = tpu.memref_slice %arg11[%mul3A_163, %dma_start3A_169] : memref<10240x64xf32, #tpu.memory_space<vmem_shared>> -> memref<640x64xf32, #tpu.memory_space<vmem_shared>>
        tpu.enqueue_dma source(%dma_start3A_170 : memref<640x64xf32, #tpu.memory_space<vmem_shared>>) target(%dma_start3A_168 : memref<640x64xf32, #tpu.memory_space<hbm>>) target_semaphore(%run_scoped3A_166 : memref<!tpu.dma_semaphore, #tpu.memory_space<semaphore_mem>>)
        %dma_wait3A_171 = arith.constant 0 : i32
        %dma_wait3A_172 = tpu.memref_slice %arg6[%mul3A_165, %dma_wait3A_171] : memref<10240x64xf32, #tpu.memory_space<hbm>> -> memref<640x64xf32, #tpu.memory_space<hbm>>
        %dma_wait3A_173 = arith.constant 0 : i32
        %dma_wait3A_174 = tpu.memref_slice %arg11[%mul3A_163, %dma_wait3A_173] : memref<10240x64xf32, #tpu.memory_space<vmem_shared>> -> memref<640x64xf32, #tpu.memory_space<vmem_shared>>
        tpu.wait_dma2 semaphore(%run_scoped3A_166 : memref<!tpu.dma_semaphore, #tpu.memory_space<semaphore_mem>>) src(%dma_wait3A_174 : memref<640x64xf32, #tpu.memory_space<vmem_shared>>) dst(%dma_wait3A_172 : memref<640x64xf32, #tpu.memory_space<hbm>>)
        tpu.yield
      }) : () -> ()
    } else {
    }
    return
  }
}

#map = affine_map<(d0, d1) -> (0, 0, 0)>
#map1 = affine_map<(d0, d1) -> (0, 0)>
module attributes {stable_mosaic.version = 14 : i64} {
  func.func @_sc_degree(%arg0: i32, %arg1: i32, %arg2: memref<32x125x80xi32, #tpu.memory_space<hbm>>, %arg3: memref<2x10240xf32, #tpu.memory_space<hbm>>, %arg4: memref<125x80xi32, #tpu.memory_space<vmem>>, %arg5: memref<80xf32, #tpu.memory_space<vmem>>, %arg6: memref<640xf32, #tpu.memory_space<vmem>>, %arg7: memref<10240xf32, #tpu.memory_space<vmem_shared>>, %arg8: memref<!tpu.dma_semaphore, #tpu.memory_space<semaphore_mem>>) attributes {dimension_semantics = [#tpu.dimension_semantics<core_parallel>, #tpu.dimension_semantics<subcore_parallel>], iteration_bounds = array<i64: 2, 16>, scalar_prefetch = 0 : i64, scratch_operands = 5 : i64, tpu.core_type = #tpu.core_type<sc_vector_subcore>, window_params = [{transform_indices = #map}, {transform_indices = #map1}]} {
    %mul3A = arith.constant 16 : i32
    %mul3A_0 = arith.muli %arg0, %mul3A : i32
    %add3A = arith.addi %mul3A_0, %arg1 : i32
    "tpu.region"() ({
      %run_scoped3A = tpu.sem_alloc : memref<!tpu.dma_semaphore, #tpu.memory_space<semaphore_mem>>
      %dma_start3A = arith.constant 0 : i32
      %dma_start3A_328 = arith.constant 0 : i32
      %dma_start3A_329 = tpu.memref_slice %arg2[%add3A, %dma_start3A, %dma_start3A_328] : memref<32x125x80xi32, #tpu.memory_space<hbm>> -> memref<1x125x80xi32, #tpu.memory_space<hbm>>
      %dma_start3A_330 = tpu.memref_squeeze %dma_start3A_329 : memref<1x125x80xi32, #tpu.memory_space<hbm>> -> memref<125x80xi32, #tpu.memory_space<hbm>>
      %dma_start3A_331 = arith.constant 0 : i32
      %dma_start3A_332 = arith.constant 0 : i32
      %dma_start3A_333 = tpu.memref_slice %arg2[%add3A, %dma_start3A_331, %dma_start3A_332] : memref<32x125x80xi32, #tpu.memory_space<hbm>> -> memref<1x125x80xi32, #tpu.memory_space<hbm>>
      %dma_start3A_334 = tpu.memref_squeeze %dma_start3A_333 : memref<1x125x80xi32, #tpu.memory_space<hbm>> -> memref<125x80xi32, #tpu.memory_space<hbm>>
      tpu.enqueue_dma source(%dma_start3A_334 : memref<125x80xi32, #tpu.memory_space<hbm>>) target(%arg4 : memref<125x80xi32, #tpu.memory_space<vmem>>) target_semaphore(%run_scoped3A : memref<!tpu.dma_semaphore, #tpu.memory_space<semaphore_mem>>)
      %dma_wait3A_335 = arith.constant 0 : i32
      %dma_wait3A_336 = arith.constant 0 : i32
      %dma_wait3A_337 = tpu.memref_slice %arg2[%add3A, %dma_wait3A_335, %dma_wait3A_336] : memref<32x125x80xi32, #tpu.memory_space<hbm>> -> memref<1x125x80xi32, #tpu.memory_space<hbm>>
      %dma_wait3A_338 = tpu.memref_squeeze %dma_wait3A_337 : memref<1x125x80xi32, #tpu.memory_space<hbm>> -> memref<125x80xi32, #tpu.memory_space<hbm>>
      %dma_wait3A_339 = arith.constant 0 : i32
      %dma_wait3A_340 = arith.constant 0 : i32
      %dma_wait3A_341 = tpu.memref_slice %arg2[%add3A, %dma_wait3A_339, %dma_wait3A_340] : memref<32x125x80xi32, #tpu.memory_space<hbm>> -> memref<1x125x80xi32, #tpu.memory_space<hbm>>
      %dma_wait3A_342 = tpu.memref_squeeze %dma_wait3A_341 : memref<1x125x80xi32, #tpu.memory_space<hbm>> -> memref<125x80xi32, #tpu.memory_space<hbm>>
      tpu.wait_dma2 semaphore(%run_scoped3A : memref<!tpu.dma_semaphore, #tpu.memory_space<semaphore_mem>>) src(%dma_wait3A_342 : memref<125x80xi32, #tpu.memory_space<hbm>>) dst(%arg4 : memref<125x80xi32, #tpu.memory_space<vmem>>)
      tpu.yield
    }) : () -> ()
    %broadcast_in_dim3A = arith.constant 1.000000e+00 : f32
    %broadcast_in_dim3A_1 = vector.broadcast %broadcast_in_dim3A : f32 to vector<16xf32>
    %swap3A = arith.constant 0 : index
    %swap3A_2 = tpu.vector_load %arg5[%swap3A] {strides = array<i32>} : memref<80xf32, #tpu.memory_space<vmem>>, vector<16xf32>,
    %swap3A_3 = vector.shape_cast %swap3A_2 : vector<16xf32> to vector<16xf32>
    %swap3A_4 = vector.shape_cast %broadcast_in_dim3A_1 : vector<16xf32> to vector<16xf32>
    tpu.vector_store %arg5[%swap3A], %swap3A_4 {strides = array<i32>} : memref<80xf32, #tpu.memory_space<vmem>>, vector<16xf32>,
    %broadcast_in_dim3A_5 = arith.constant 1.000000e+00 : f32
    %broadcast_in_dim3A_6 = vector.broadcast %broadcast_in_dim3A_5 : f32 to vector<16xf32>
    %swap3A_7 = arith.constant 16 : index
    %swap3A_8 = tpu.vector_load %arg5[%swap3A_7] {strides = array<i32>} : memref<80xf32, #tpu.memory_space<vmem>>, vector<16xf32>,
    %swap3A_9 = vector.shape_cast %swap3A_8 : vector<16xf32> to vector<16xf32>
    %swap3A_10 = vector.shape_cast %broadcast_in_dim3A_6 : vector<16xf32> to vector<16xf32>
    tpu.vector_store %arg5[%swap3A_7], %swap3A_10 {strides = array<i32>} : memref<80xf32, #tpu.memory_space<vmem>>, vector<16xf32>,
    %broadcast_in_dim3A_11 = arith.constant 1.000000e+00 : f32
    %broadcast_in_dim3A_12 = vector.broadcast %broadcast_in_dim3A_11 : f32 to vector<16xf32>
    %swap3A_13 = arith.constant 32 : index
    %swap3A_14 = tpu.vector_load %arg5[%swap3A_13] {strides = array<i32>} : memref<80xf32, #tpu.memory_space<vmem>>, vector<16xf32>,
    %swap3A_15 = vector.shape_cast %swap3A_14 : vector<16xf32> to vector<16xf32>
    %swap3A_16 = vector.shape_cast %broadcast_in_dim3A_12 : vector<16xf32> to vector<16xf32>
    tpu.vector_store %arg5[%swap3A_13], %swap3A_16 {strides = array<i32>} : memref<80xf32, #tpu.memory_space<vmem>>, vector<16xf32>,
    %broadcast_in_dim3A_17 = arith.constant 1.000000e+00 : f32
    %broadcast_in_dim3A_18 = vector.broadcast %broadcast_in_dim3A_17 : f32 to vector<16xf32>
    %swap3A_19 = arith.constant 48 : index
    %swap3A_20 = tpu.vector_load %arg5[%swap3A_19] {strides = array<i32>} : memref<80xf32, #tpu.memory_space<vmem>>, vector<16xf32>,
    %swap3A_21 = vector.shape_cast %swap3A_20 : vector<16xf32> to vector<16xf32>
    %swap3A_22 = vector.shape_cast %broadcast_in_dim3A_18 : vector<16xf32> to vector<16xf32>
    tpu.vector_store %arg5[%swap3A_19], %swap3A_22 {strides = array<i32>} : memref<80xf32, #tpu.memory_space<vmem>>, vector<16xf32>,
    %broadcast_in_dim3A_23 = arith.constant 1.000000e+00 : f32
    %broadcast_in_dim3A_24 = vector.broadcast %broadcast_in_dim3A_23 : f32 to vector<16xf32>
    %swap3A_25 = arith.constant 64 : index
    %swap3A_26 = tpu.vector_load %arg5[%swap3A_25] {strides = array<i32>} : memref<80xf32, #tpu.memory_space<vmem>>, vector<16xf32>,
    %swap3A_27 = vector.shape_cast %swap3A_26 : vector<16xf32> to vector<16xf32>
    %swap3A_28 = vector.shape_cast %broadcast_in_dim3A_24 : vector<16xf32> to vector<16xf32>
    tpu.vector_store %arg5[%swap3A_25], %swap3A_28 {strides = array<i32>} : memref<80xf32, #tpu.memory_space<vmem>>, vector<16xf32>,
    %broadcast_in_dim3A_29 = arith.constant 0.000000e+00 : f32
    %broadcast_in_dim3A_30 = vector.broadcast %broadcast_in_dim3A_29 : f32 to vector<16xf32>
    %swap3A_31 = arith.constant 0 : index
    %swap3A_32 = tpu.vector_load %arg6[%swap3A_31] {strides = array<i32>} : memref<640xf32, #tpu.memory_space<vmem>>, vector<16xf32>,
    %swap3A_33 = vector.shape_cast %swap3A_32 : vector<16xf32> to vector<16xf32>
    %swap3A_34 = vector.shape_cast %broadcast_in_dim3A_30 : vector<16xf32> to vector<16xf32>
    tpu.vector_store %arg6[%swap3A_31], %swap3A_34 {strides = array<i32>} : memref<640xf32, #tpu.memory_space<vmem>>, vector<16xf32>,
    %broadcast_in_dim3A_35 = arith.constant 0.000000e+00 : f32
    %broadcast_in_dim3A_36 = vector.broadcast %broadcast_in_dim3A_35 : f32 to vector<16xf32>
    %swap3A_37 = arith.constant 16 : index
    %swap3A_38 = tpu.vector_load %arg6[%swap3A_37] {strides = array<i32>} : memref<640xf32, #tpu.memory_space<vmem>>, vector<16xf32>,
    %swap3A_39 = vector.shape_cast %swap3A_38 : vector<16xf32> to vector<16xf32>
    %swap3A_40 = vector.shape_cast %broadcast_in_dim3A_36 : vector<16xf32> to vector<16xf32>
    tpu.vector_store %arg6[%swap3A_37], %swap3A_40 {strides = array<i32>} : memref<640xf32, #tpu.memory_space<vmem>>, vector<16xf32>,
    %broadcast_in_dim3A_41 = arith.constant 0.000000e+00 : f32
    %broadcast_in_dim3A_42 = vector.broadcast %broadcast_in_dim3A_41 : f32 to vector<16xf32>
    %swap3A_43 = arith.constant 32 : index
    %swap3A_44 = tpu.vector_load %arg6[%swap3A_43] {strides = array<i32>} : memref<640xf32, #tpu.memory_space<vmem>>, vector<16xf32>,
    %swap3A_45 = vector.shape_cast %swap3A_44 : vector<16xf32> to vector<16xf32>
    %swap3A_46 = vector.shape_cast %broadcast_in_dim3A_42 : vector<16xf32> to vector<16xf32>
    tpu.vector_store %arg6[%swap3A_43], %swap3A_46 {strides = array<i32>} : memref<640xf32, #tpu.memory_space<vmem>>, vector<16xf32>,
    %broadcast_in_dim3A_47 = arith.constant 0.000000e+00 : f32
    %broadcast_in_dim3A_48 = vector.broadcast %broadcast_in_dim3A_47 : f32 to vector<16xf32>
    %swap3A_49 = arith.constant 48 : index
    %swap3A_50 = tpu.vector_load %arg6[%swap3A_49] {strides = array<i32>} : memref<640xf32, #tpu.memory_space<vmem>>, vector<16xf32>,
    %swap3A_51 = vector.shape_cast %swap3A_50 : vector<16xf32> to vector<16xf32>
    %swap3A_52 = vector.shape_cast %broadcast_in_dim3A_48 : vector<16xf32> to vector<16xf32>
    tpu.vector_store %arg6[%swap3A_49], %swap3A_52 {strides = array<i32>} : memref<640xf32, #tpu.memory_space<vmem>>, vector<16xf32>,
    %broadcast_in_dim3A_53 = arith.constant 0.000000e+00 : f32
    %broadcast_in_dim3A_54 = vector.broadcast %broadcast_in_dim3A_53 : f32 to vector<16xf32>
    %swap3A_55 = arith.constant 64 : index
    %swap3A_56 = tpu.vector_load %arg6[%swap3A_55] {strides = array<i32>} : memref<640xf32, #tpu.memory_space<vmem>>, vector<16xf32>,
    %swap3A_57 = vector.shape_cast %swap3A_56 : vector<16xf32> to vector<16xf32>
    %swap3A_58 = vector.shape_cast %broadcast_in_dim3A_54 : vector<16xf32> to vector<16xf32>
    tpu.vector_store %arg6[%swap3A_55], %swap3A_58 {strides = array<i32>} : memref<640xf32, #tpu.memory_space<vmem>>, vector<16xf32>,
    %broadcast_in_dim3A_59 = arith.constant 0.000000e+00 : f32
    %broadcast_in_dim3A_60 = vector.broadcast %broadcast_in_dim3A_59 : f32 to vector<16xf32>
    %swap3A_61 = arith.constant 80 : index
    %swap3A_62 = tpu.vector_load %arg6[%swap3A_61] {strides = array<i32>} : memref<640xf32, #tpu.memory_space<vmem>>, vector<16xf32>,
    %swap3A_63 = vector.shape_cast %swap3A_62 : vector<16xf32> to vector<16xf32>
    %swap3A_64 = vector.shape_cast %broadcast_in_dim3A_60 : vector<16xf32> to vector<16xf32>
    tpu.vector_store %arg6[%swap3A_61], %swap3A_64 {strides = array<i32>} : memref<640xf32, #tpu.memory_space<vmem>>, vector<16xf32>,
    %broadcast_in_dim3A_65 = arith.constant 0.000000e+00 : f32
    %broadcast_in_dim3A_66 = vector.broadcast %broadcast_in_dim3A_65 : f32 to vector<16xf32>
    %swap3A_67 = arith.constant 96 : index
    %swap3A_68 = tpu.vector_load %arg6[%swap3A_67] {strides = array<i32>} : memref<640xf32, #tpu.memory_space<vmem>>, vector<16xf32>,
    %swap3A_69 = vector.shape_cast %swap3A_68 : vector<16xf32> to vector<16xf32>
    %swap3A_70 = vector.shape_cast %broadcast_in_dim3A_66 : vector<16xf32> to vector<16xf32>
    tpu.vector_store %arg6[%swap3A_67], %swap3A_70 {strides = array<i32>} : memref<640xf32, #tpu.memory_space<vmem>>, vector<16xf32>,
    %broadcast_in_dim3A_71 = arith.constant 0.000000e+00 : f32
    %broadcast_in_dim3A_72 = vector.broadcast %broadcast_in_dim3A_71 : f32 to vector<16xf32>
    %swap3A_73 = arith.constant 112 : index
    %swap3A_74 = tpu.vector_load %arg6[%swap3A_73] {strides = array<i32>} : memref<640xf32, #tpu.memory_space<vmem>>, vector<16xf32>,
    %swap3A_75 = vector.shape_cast %swap3A_74 : vector<16xf32> to vector<16xf32>
    %swap3A_76 = vector.shape_cast %broadcast_in_dim3A_72 : vector<16xf32> to vector<16xf32>
    tpu.vector_store %arg6[%swap3A_73], %swap3A_76 {strides = array<i32>} : memref<640xf32, #tpu.memory_space<vmem>>, vector<16xf32>,
    %broadcast_in_dim3A_77 = arith.constant 0.000000e+00 : f32
    %broadcast_in_dim3A_78 = vector.broadcast %broadcast_in_dim3A_77 : f32 to vector<16xf32>
    %swap3A_79 = arith.constant 128 : index
    %swap3A_80 = tpu.vector_load %arg6[%swap3A_79] {strides = array<i32>} : memref<640xf32, #tpu.memory_space<vmem>>, vector<16xf32>,
    %swap3A_81 = vector.shape_cast %swap3A_80 : vector<16xf32> to vector<16xf32>
    %swap3A_82 = vector.shape_cast %broadcast_in_dim3A_78 : vector<16xf32> to vector<16xf32>
    tpu.vector_store %arg6[%swap3A_79], %swap3A_82 {strides = array<i32>} : memref<640xf32, #tpu.memory_space<vmem>>, vector<16xf32>,
    %broadcast_in_dim3A_83 = arith.constant 0.000000e+00 : f32
    %broadcast_in_dim3A_84 = vector.broadcast %broadcast_in_dim3A_83 : f32 to vector<16xf32>
    %swap3A_85 = arith.constant 144 : index
    %swap3A_86 = tpu.vector_load %arg6[%swap3A_85] {strides = array<i32>} : memref<640xf32, #tpu.memory_space<vmem>>, vector<16xf32>,
    %swap3A_87 = vector.shape_cast %swap3A_86 : vector<16xf32> to vector<16xf32>
    %swap3A_88 = vector.shape_cast %broadcast_in_dim3A_84 : vector<16xf32> to vector<16xf32>
    tpu.vector_store %arg6[%swap3A_85], %swap3A_88 {strides = array<i32>} : memref<640xf32, #tpu.memory_space<vmem>>, vector<16xf32>,
    %broadcast_in_dim3A_89 = arith.constant 0.000000e+00 : f32
    %broadcast_in_dim3A_90 = vector.broadcast %broadcast_in_dim3A_89 : f32 to vector<16xf32>
    %swap3A_91 = arith.constant 160 : index
    %swap3A_92 = tpu.vector_load %arg6[%swap3A_91] {strides = array<i32>} : memref<640xf32, #tpu.memory_space<vmem>>, vector<16xf32>,
    %swap3A_93 = vector.shape_cast %swap3A_92 : vector<16xf32> to vector<16xf32>
    %swap3A_94 = vector.shape_cast %broadcast_in_dim3A_90 : vector<16xf32> to vector<16xf32>
    tpu.vector_store %arg6[%swap3A_91], %swap3A_94 {strides = array<i32>} : memref<640xf32, #tpu.memory_space<vmem>>, vector<16xf32>,
    %broadcast_in_dim3A_95 = arith.constant 0.000000e+00 : f32
    %broadcast_in_dim3A_96 = vector.broadcast %broadcast_in_dim3A_95 : f32 to vector<16xf32>
    %swap3A_97 = arith.constant 176 : index
    %swap3A_98 = tpu.vector_load %arg6[%swap3A_97] {strides = array<i32>} : memref<640xf32, #tpu.memory_space<vmem>>, vector<16xf32>,
    %swap3A_99 = vector.shape_cast %swap3A_98 : vector<16xf32> to vector<16xf32>
    %swap3A_100 = vector.shape_cast %broadcast_in_dim3A_96 : vector<16xf32> to vector<16xf32>
    tpu.vector_store %arg6[%swap3A_97], %swap3A_100 {strides = array<i32>} : memref<640xf32, #tpu.memory_space<vmem>>, vector<16xf32>,
    %broadcast_in_dim3A_101 = arith.constant 0.000000e+00 : f32
    %broadcast_in_dim3A_102 = vector.broadcast %broadcast_in_dim3A_101 : f32 to vector<16xf32>
    %swap3A_103 = arith.constant 192 : index
    %swap3A_104 = tpu.vector_load %arg6[%swap3A_103] {strides = array<i32>} : memref<640xf32, #tpu.memory_space<vmem>>, vector<16xf32>,
    %swap3A_105 = vector.shape_cast %swap3A_104 : vector<16xf32> to vector<16xf32>
    %swap3A_106 = vector.shape_cast %broadcast_in_dim3A_102 : vector<16xf32> to vector<16xf32>
    tpu.vector_store %arg6[%swap3A_103], %swap3A_106 {strides = array<i32>} : memref<640xf32, #tpu.memory_space<vmem>>, vector<16xf32>,
    %broadcast_in_dim3A_107 = arith.constant 0.000000e+00 : f32
    %broadcast_in_dim3A_108 = vector.broadcast %broadcast_in_dim3A_107 : f32 to vector<16xf32>
    %swap3A_109 = arith.constant 208 : index
    %swap3A_110 = tpu.vector_load %arg6[%swap3A_109] {strides = array<i32>} : memref<640xf32, #tpu.memory_space<vmem>>, vector<16xf32>,
    %swap3A_111 = vector.shape_cast %swap3A_110 : vector<16xf32> to vector<16xf32>
    %swap3A_112 = vector.shape_cast %broadcast_in_dim3A_108 : vector<16xf32> to vector<16xf32>
    tpu.vector_store %arg6[%swap3A_109], %swap3A_112 {strides = array<i32>} : memref<640xf32, #tpu.memory_space<vmem>>, vector<16xf32>,
    %broadcast_in_dim3A_113 = arith.constant 0.000000e+00 : f32
    %broadcast_in_dim3A_114 = vector.broadcast %broadcast_in_dim3A_113 : f32 to vector<16xf32>
    %swap3A_115 = arith.constant 224 : index
    %swap3A_116 = tpu.vector_load %arg6[%swap3A_115] {strides = array<i32>} : memref<640xf32, #tpu.memory_space<vmem>>, vector<16xf32>,
    %swap3A_117 = vector.shape_cast %swap3A_116 : vector<16xf32> to vector<16xf32>
    %swap3A_118 = vector.shape_cast %broadcast_in_dim3A_114 : vector<16xf32> to vector<16xf32>
    tpu.vector_store %arg6[%swap3A_115], %swap3A_118 {strides = array<i32>} : memref<640xf32, #tpu.memory_space<vmem>>, vector<16xf32>,
    %broadcast_in_dim3A_119 = arith.constant 0.000000e+00 : f32
    %broadcast_in_dim3A_120 = vector.broadcast %broadcast_in_dim3A_119 : f32 to vector<16xf32>
    %swap3A_121 = arith.constant 240 : index
    %swap3A_122 = tpu.vector_load %arg6[%swap3A_121] {strides = array<i32>} : memref<640xf32, #tpu.memory_space<vmem>>, vector<16xf32>,
    %swap3A_123 = vector.shape_cast %swap3A_122 : vector<16xf32> to vector<16xf32>
    %swap3A_124 = vector.shape_cast %broadcast_in_dim3A_120 : vector<16xf32> to vector<16xf32>
    tpu.vector_store %arg6[%swap3A_121], %swap3A_124 {strides = array<i32>} : memref<640xf32, #tpu.memory_space<vmem>>, vector<16xf32>,
    %broadcast_in_dim3A_125 = arith.constant 0.000000e+00 : f32
    %broadcast_in_dim3A_126 = vector.broadcast %broadcast_in_dim3A_125 : f32 to vector<16xf32>
    %swap3A_127 = arith.constant 256 : index
    %swap3A_128 = tpu.vector_load %arg6[%swap3A_127] {strides = array<i32>} : memref<640xf32, #tpu.memory_space<vmem>>, vector<16xf32>,
    %swap3A_129 = vector.shape_cast %swap3A_128 : vector<16xf32> to vector<16xf32>
    %swap3A_130 = vector.shape_cast %broadcast_in_dim3A_126 : vector<16xf32> to vector<16xf32>
    tpu.vector_store %arg6[%swap3A_127], %swap3A_130 {strides = array<i32>} : memref<640xf32, #tpu.memory_space<vmem>>, vector<16xf32>,
    %broadcast_in_dim3A_131 = arith.constant 0.000000e+00 : f32
    %broadcast_in_dim3A_132 = vector.broadcast %broadcast_in_dim3A_131 : f32 to vector<16xf32>
    %swap3A_133 = arith.constant 272 : index
    %swap3A_134 = tpu.vector_load %arg6[%swap3A_133] {strides = array<i32>} : memref<640xf32, #tpu.memory_space<vmem>>, vector<16xf32>,
    %swap3A_135 = vector.shape_cast %swap3A_134 : vector<16xf32> to vector<16xf32>
    %swap3A_136 = vector.shape_cast %broadcast_in_dim3A_132 : vector<16xf32> to vector<16xf32>
    tpu.vector_store %arg6[%swap3A_133], %swap3A_136 {strides = array<i32>} : memref<640xf32, #tpu.memory_space<vmem>>, vector<16xf32>,
    %broadcast_in_dim3A_137 = arith.constant 0.000000e+00 : f32
    %broadcast_in_dim3A_138 = vector.broadcast %broadcast_in_dim3A_137 : f32 to vector<16xf32>
    %swap3A_139 = arith.constant 288 : index
    %swap3A_140 = tpu.vector_load %arg6[%swap3A_139] {strides = array<i32>} : memref<640xf32, #tpu.memory_space<vmem>>, vector<16xf32>,
    %swap3A_141 = vector.shape_cast %swap3A_140 : vector<16xf32> to vector<16xf32>
    %swap3A_142 = vector.shape_cast %broadcast_in_dim3A_138 : vector<16xf32> to vector<16xf32>
    tpu.vector_store %arg6[%swap3A_139], %swap3A_142 {strides = array<i32>} : memref<640xf32, #tpu.memory_space<vmem>>, vector<16xf32>,
    %broadcast_in_dim3A_143 = arith.constant 0.000000e+00 : f32
    %broadcast_in_dim3A_144 = vector.broadcast %broadcast_in_dim3A_143 : f32 to vector<16xf32>
    %swap3A_145 = arith.constant 304 : index
    %swap3A_146 = tpu.vector_load %arg6[%swap3A_145] {strides = array<i32>} : memref<640xf32, #tpu.memory_space<vmem>>, vector<16xf32>,
    %swap3A_147 = vector.shape_cast %swap3A_146 : vector<16xf32> to vector<16xf32>
    %swap3A_148 = vector.shape_cast %broadcast_in_dim3A_144 : vector<16xf32> to vector<16xf32>
    tpu.vector_store %arg6[%swap3A_145], %swap3A_148 {strides = array<i32>} : memref<640xf32, #tpu.memory_space<vmem>>, vector<16xf32>,
    %broadcast_in_dim3A_149 = arith.constant 0.000000e+00 : f32
    %broadcast_in_dim3A_150 = vector.broadcast %broadcast_in_dim3A_149 : f32 to vector<16xf32>
    %swap3A_151 = arith.constant 320 : index
    %swap3A_152 = tpu.vector_load %arg6[%swap3A_151] {strides = array<i32>} : memref<640xf32, #tpu.memory_space<vmem>>, vector<16xf32>,
    %swap3A_153 = vector.shape_cast %swap3A_152 : vector<16xf32> to vector<16xf32>
    %swap3A_154 = vector.shape_cast %broadcast_in_dim3A_150 : vector<16xf32> to vector<16xf32>
    tpu.vector_store %arg6[%swap3A_151], %swap3A_154 {strides = array<i32>} : memref<640xf32, #tpu.memory_space<vmem>>, vector<16xf32>,
    %broadcast_in_dim3A_155 = arith.constant 0.000000e+00 : f32
    %broadcast_in_dim3A_156 = vector.broadcast %broadcast_in_dim3A_155 : f32 to vector<16xf32>
    %swap3A_157 = arith.constant 336 : index
    %swap3A_158 = tpu.vector_load %arg6[%swap3A_157] {strides = array<i32>} : memref<640xf32, #tpu.memory_space<vmem>>, vector<16xf32>,
    %swap3A_159 = vector.shape_cast %swap3A_158 : vector<16xf32> to vector<16xf32>
    %swap3A_160 = vector.shape_cast %broadcast_in_dim3A_156 : vector<16xf32> to vector<16xf32>
    tpu.vector_store %arg6[%swap3A_157], %swap3A_160 {strides = array<i32>} : memref<640xf32, #tpu.memory_space<vmem>>, vector<16xf32>,
    %broadcast_in_dim3A_161 = arith.constant 0.000000e+00 : f32
    %broadcast_in_dim3A_162 = vector.broadcast %broadcast_in_dim3A_161 : f32 to vector<16xf32>
    %swap3A_163 = arith.constant 352 : index
    %swap3A_164 = tpu.vector_load %arg6[%swap3A_163] {strides = array<i32>} : memref<640xf32, #tpu.memory_space<vmem>>, vector<16xf32>,
    %swap3A_165 = vector.shape_cast %swap3A_164 : vector<16xf32> to vector<16xf32>
    %swap3A_166 = vector.shape_cast %broadcast_in_dim3A_162 : vector<16xf32> to vector<16xf32>
    tpu.vector_store %arg6[%swap3A_163], %swap3A_166 {strides = array<i32>} : memref<640xf32, #tpu.memory_space<vmem>>, vector<16xf32>,
    %broadcast_in_dim3A_167 = arith.constant 0.000000e+00 : f32
    %broadcast_in_dim3A_168 = vector.broadcast %broadcast_in_dim3A_167 : f32 to vector<16xf32>
    %swap3A_169 = arith.constant 368 : index
    %swap3A_170 = tpu.vector_load %arg6[%swap3A_169] {strides = array<i32>} : memref<640xf32, #tpu.memory_space<vmem>>, vector<16xf32>,
    %swap3A_171 = vector.shape_cast %swap3A_170 : vector<16xf32> to vector<16xf32>
    %swap3A_172 = vector.shape_cast %broadcast_in_dim3A_168 : vector<16xf32> to vector<16xf32>
    tpu.vector_store %arg6[%swap3A_169], %swap3A_172 {strides = array<i32>} : memref<640xf32, #tpu.memory_space<vmem>>, vector<16xf32>,
    %broadcast_in_dim3A_173 = arith.constant 0.000000e+00 : f32
    %broadcast_in_dim3A_174 = vector.broadcast %broadcast_in_dim3A_173 : f32 to vector<16xf32>
    %swap3A_175 = arith.constant 384 : index
    %swap3A_176 = tpu.vector_load %arg6[%swap3A_175] {strides = array<i32>} : memref<640xf32, #tpu.memory_space<vmem>>, vector<16xf32>,
    %swap3A_177 = vector.shape_cast %swap3A_176 : vector<16xf32> to vector<16xf32>
    %swap3A_178 = vector.shape_cast %broadcast_in_dim3A_174 : vector<16xf32> to vector<16xf32>
    tpu.vector_store %arg6[%swap3A_175], %swap3A_178 {strides = array<i32>} : memref<640xf32, #tpu.memory_space<vmem>>, vector<16xf32>,
    %broadcast_in_dim3A_179 = arith.constant 0.000000e+00 : f32
    %broadcast_in_dim3A_180 = vector.broadcast %broadcast_in_dim3A_179 : f32 to vector<16xf32>
    %swap3A_181 = arith.constant 400 : index
    %swap3A_182 = tpu.vector_load %arg6[%swap3A_181] {strides = array<i32>} : memref<640xf32, #tpu.memory_space<vmem>>, vector<16xf32>,
    %swap3A_183 = vector.shape_cast %swap3A_182 : vector<16xf32> to vector<16xf32>
    %swap3A_184 = vector.shape_cast %broadcast_in_dim3A_180 : vector<16xf32> to vector<16xf32>
    tpu.vector_store %arg6[%swap3A_181], %swap3A_184 {strides = array<i32>} : memref<640xf32, #tpu.memory_space<vmem>>, vector<16xf32>,
    %broadcast_in_dim3A_185 = arith.constant 0.000000e+00 : f32
    %broadcast_in_dim3A_186 = vector.broadcast %broadcast_in_dim3A_185 : f32 to vector<16xf32>
    %swap3A_187 = arith.constant 416 : index
    %swap3A_188 = tpu.vector_load %arg6[%swap3A_187] {strides = array<i32>} : memref<640xf32, #tpu.memory_space<vmem>>, vector<16xf32>,
    %swap3A_189 = vector.shape_cast %swap3A_188 : vector<16xf32> to vector<16xf32>
    %swap3A_190 = vector.shape_cast %broadcast_in_dim3A_186 : vector<16xf32> to vector<16xf32>
    tpu.vector_store %arg6[%swap3A_187], %swap3A_190 {strides = array<i32>} : memref<640xf32, #tpu.memory_space<vmem>>, vector<16xf32>,
    %broadcast_in_dim3A_191 = arith.constant 0.000000e+00 : f32
    %broadcast_in_dim3A_192 = vector.broadcast %broadcast_in_dim3A_191 : f32 to vector<16xf32>
    %swap3A_193 = arith.constant 432 : index
    %swap3A_194 = tpu.vector_load %arg6[%swap3A_193] {strides = array<i32>} : memref<640xf32, #tpu.memory_space<vmem>>, vector<16xf32>,
    %swap3A_195 = vector.shape_cast %swap3A_194 : vector<16xf32> to vector<16xf32>
    %swap3A_196 = vector.shape_cast %broadcast_in_dim3A_192 : vector<16xf32> to vector<16xf32>
    tpu.vector_store %arg6[%swap3A_193], %swap3A_196 {strides = array<i32>} : memref<640xf32, #tpu.memory_space<vmem>>, vector<16xf32>,
    %broadcast_in_dim3A_197 = arith.constant 0.000000e+00 : f32
    %broadcast_in_dim3A_198 = vector.broadcast %broadcast_in_dim3A_197 : f32 to vector<16xf32>
    %swap3A_199 = arith.constant 448 : index
    %swap3A_200 = tpu.vector_load %arg6[%swap3A_199] {strides = array<i32>} : memref<640xf32, #tpu.memory_space<vmem>>, vector<16xf32>,
    %swap3A_201 = vector.shape_cast %swap3A_200 : vector<16xf32> to vector<16xf32>
    %swap3A_202 = vector.shape_cast %broadcast_in_dim3A_198 : vector<16xf32> to vector<16xf32>
    tpu.vector_store %arg6[%swap3A_199], %swap3A_202 {strides = array<i32>} : memref<640xf32, #tpu.memory_space<vmem>>, vector<16xf32>,
    %broadcast_in_dim3A_203 = arith.constant 0.000000e+00 : f32
    %broadcast_in_dim3A_204 = vector.broadcast %broadcast_in_dim3A_203 : f32 to vector<16xf32>
    %swap3A_205 = arith.constant 464 : index
    %swap3A_206 = tpu.vector_load %arg6[%swap3A_205] {strides = array<i32>} : memref<640xf32, #tpu.memory_space<vmem>>, vector<16xf32>,
    %swap3A_207 = vector.shape_cast %swap3A_206 : vector<16xf32> to vector<16xf32>
    %swap3A_208 = vector.shape_cast %broadcast_in_dim3A_204 : vector<16xf32> to vector<16xf32>
    tpu.vector_store %arg6[%swap3A_205], %swap3A_208 {strides = array<i32>} : memref<640xf32, #tpu.memory_space<vmem>>, vector<16xf32>,
    %broadcast_in_dim3A_209 = arith.constant 0.000000e+00 : f32
    %broadcast_in_dim3A_210 = vector.broadcast %broadcast_in_dim3A_209 : f32 to vector<16xf32>
    %swap3A_211 = arith.constant 480 : index
    %swap3A_212 = tpu.vector_load %arg6[%swap3A_211] {strides = array<i32>} : memref<640xf32, #tpu.memory_space<vmem>>, vector<16xf32>,
    %swap3A_213 = vector.shape_cast %swap3A_212 : vector<16xf32> to vector<16xf32>
    %swap3A_214 = vector.shape_cast %broadcast_in_dim3A_210 : vector<16xf32> to vector<16xf32>
    tpu.vector_store %arg6[%swap3A_211], %swap3A_214 {strides = array<i32>} : memref<640xf32, #tpu.memory_space<vmem>>, vector<16xf32>,
    %broadcast_in_dim3A_215 = arith.constant 0.000000e+00 : f32
    %broadcast_in_dim3A_216 = vector.broadcast %broadcast_in_dim3A_215 : f32 to vector<16xf32>
    %swap3A_217 = arith.constant 496 : index
    %swap3A_218 = tpu.vector_load %arg6[%swap3A_217] {strides = array<i32>} : memref<640xf32, #tpu.memory_space<vmem>>, vector<16xf32>,
    %swap3A_219 = vector.shape_cast %swap3A_218 : vector<16xf32> to vector<16xf32>
    %swap3A_220 = vector.shape_cast %broadcast_in_dim3A_216 : vector<16xf32> to vector<16xf32>
    tpu.vector_store %arg6[%swap3A_217], %swap3A_220 {strides = array<i32>} : memref<640xf32, #tpu.memory_space<vmem>>, vector<16xf32>,
    %broadcast_in_dim3A_221 = arith.constant 0.000000e+00 : f32
    %broadcast_in_dim3A_222 = vector.broadcast %broadcast_in_dim3A_221 : f32 to vector<16xf32>
    %swap3A_223 = arith.constant 512 : index
    %swap3A_224 = tpu.vector_load %arg6[%swap3A_223] {strides = array<i32>} : memref<640xf32, #tpu.memory_space<vmem>>, vector<16xf32>,
    %swap3A_225 = vector.shape_cast %swap3A_224 : vector<16xf32> to vector<16xf32>
    %swap3A_226 = vector.shape_cast %broadcast_in_dim3A_222 : vector<16xf32> to vector<16xf32>
    tpu.vector_store %arg6[%swap3A_223], %swap3A_226 {strides = array<i32>} : memref<640xf32, #tpu.memory_space<vmem>>, vector<16xf32>,
    %broadcast_in_dim3A_227 = arith.constant 0.000000e+00 : f32
    %broadcast_in_dim3A_228 = vector.broadcast %broadcast_in_dim3A_227 : f32 to vector<16xf32>
    %swap3A_229 = arith.constant 528 : index
    %swap3A_230 = tpu.vector_load %arg6[%swap3A_229] {strides = array<i32>} : memref<640xf32, #tpu.memory_space<vmem>>, vector<16xf32>,
    %swap3A_231 = vector.shape_cast %swap3A_230 : vector<16xf32> to vector<16xf32>
    %swap3A_232 = vector.shape_cast %broadcast_in_dim3A_228 : vector<16xf32> to vector<16xf32>
    tpu.vector_store %arg6[%swap3A_229], %swap3A_232 {strides = array<i32>} : memref<640xf32, #tpu.memory_space<vmem>>, vector<16xf32>,
    %broadcast_in_dim3A_233 = arith.constant 0.000000e+00 : f32
    %broadcast_in_dim3A_234 = vector.broadcast %broadcast_in_dim3A_233 : f32 to vector<16xf32>
    %swap3A_235 = arith.constant 544 : index
    %swap3A_236 = tpu.vector_load %arg6[%swap3A_235] {strides = array<i32>} : memref<640xf32, #tpu.memory_space<vmem>>, vector<16xf32>,
    %swap3A_237 = vector.shape_cast %swap3A_236 : vector<16xf32> to vector<16xf32>
    %swap3A_238 = vector.shape_cast %broadcast_in_dim3A_234 : vector<16xf32> to vector<16xf32>
    tpu.vector_store %arg6[%swap3A_235], %swap3A_238 {strides = array<i32>} : memref<640xf32, #tpu.memory_space<vmem>>, vector<16xf32>,
    %broadcast_in_dim3A_239 = arith.constant 0.000000e+00 : f32
    %broadcast_in_dim3A_240 = vector.broadcast %broadcast_in_dim3A_239 : f32 to vector<16xf32>
    %swap3A_241 = arith.constant 560 : index
    %swap3A_242 = tpu.vector_load %arg6[%swap3A_241] {strides = array<i32>} : memref<640xf32, #tpu.memory_space<vmem>>, vector<16xf32>,
    %swap3A_243 = vector.shape_cast %swap3A_242 : vector<16xf32> to vector<16xf32>
    %swap3A_244 = vector.shape_cast %broadcast_in_dim3A_240 : vector<16xf32> to vector<16xf32>
    tpu.vector_store %arg6[%swap3A_241], %swap3A_244 {strides = array<i32>} : memref<640xf32, #tpu.memory_space<vmem>>, vector<16xf32>,
    %broadcast_in_dim3A_245 = arith.constant 0.000000e+00 : f32
    %broadcast_in_dim3A_246 = vector.broadcast %broadcast_in_dim3A_245 : f32 to vector<16xf32>
    %swap3A_247 = arith.constant 576 : index
    %swap3A_248 = tpu.vector_load %arg6[%swap3A_247] {strides = array<i32>} : memref<640xf32, #tpu.memory_space<vmem>>, vector<16xf32>,
    %swap3A_249 = vector.shape_cast %swap3A_248 : vector<16xf32> to vector<16xf32>
    %swap3A_250 = vector.shape_cast %broadcast_in_dim3A_246 : vector<16xf32> to vector<16xf32>
    tpu.vector_store %arg6[%swap3A_247], %swap3A_250 {strides = array<i32>} : memref<640xf32, #tpu.memory_space<vmem>>, vector<16xf32>,
    %broadcast_in_dim3A_251 = arith.constant 0.000000e+00 : f32
    %broadcast_in_dim3A_252 = vector.broadcast %broadcast_in_dim3A_251 : f32 to vector<16xf32>
    %swap3A_253 = arith.constant 592 : index
    %swap3A_254 = tpu.vector_load %arg6[%swap3A_253] {strides = array<i32>} : memref<640xf32, #tpu.memory_space<vmem>>, vector<16xf32>,
    %swap3A_255 = vector.shape_cast %swap3A_254 : vector<16xf32> to vector<16xf32>
    %swap3A_256 = vector.shape_cast %broadcast_in_dim3A_252 : vector<16xf32> to vector<16xf32>
    tpu.vector_store %arg6[%swap3A_253], %swap3A_256 {strides = array<i32>} : memref<640xf32, #tpu.memory_space<vmem>>, vector<16xf32>,
    %broadcast_in_dim3A_257 = arith.constant 0.000000e+00 : f32
    %broadcast_in_dim3A_258 = vector.broadcast %broadcast_in_dim3A_257 : f32 to vector<16xf32>
    %swap3A_259 = arith.constant 608 : index
    %swap3A_260 = tpu.vector_load %arg6[%swap3A_259] {strides = array<i32>} : memref<640xf32, #tpu.memory_space<vmem>>, vector<16xf32>,
    %swap3A_261 = vector.shape_cast %swap3A_260 : vector<16xf32> to vector<16xf32>
    %swap3A_262 = vector.shape_cast %broadcast_in_dim3A_258 : vector<16xf32> to vector<16xf32>
    tpu.vector_store %arg6[%swap3A_259], %swap3A_262 {strides = array<i32>} : memref<640xf32, #tpu.memory_space<vmem>>, vector<16xf32>,
    %broadcast_in_dim3A_263 = arith.constant 0.000000e+00 : f32
    %broadcast_in_dim3A_264 = vector.broadcast %broadcast_in_dim3A_263 : f32 to vector<16xf32>
    %swap3A_265 = arith.constant 624 : index
    %swap3A_266 = tpu.vector_load %arg6[%swap3A_265] {strides = array<i32>} : memref<640xf32, #tpu.memory_space<vmem>>, vector<16xf32>,
    %swap3A_267 = vector.shape_cast %swap3A_266 : vector<16xf32> to vector<16xf32>
    %swap3A_268 = vector.shape_cast %broadcast_in_dim3A_264 : vector<16xf32> to vector<16xf32>
    tpu.vector_store %arg6[%swap3A_265], %swap3A_268 {strides = array<i32>} : memref<640xf32, #tpu.memory_space<vmem>>, vector<16xf32>,
    %mul3A_269 = arith.constant 640 : i32
    %mul3A_270 = arith.muli %arg1, %mul3A_269 : i32
    "tpu.region"() ({
      %run_scoped3A = tpu.sem_alloc : memref<!tpu.dma_semaphore, #tpu.memory_space<semaphore_mem>>
      %dma_start3A = tpu.memref_slice %arg7[%mul3A_270] : memref<10240xf32, #tpu.memory_space<vmem_shared>> -> memref<640xf32, #tpu.memory_space<vmem_shared>>
      %dma_start3A_328 = tpu.memref_slice %arg7[%mul3A_270] : memref<10240xf32, #tpu.memory_space<vmem_shared>> -> memref<640xf32, #tpu.memory_space<vmem_shared>>
      tpu.enqueue_dma source(%arg6 : memref<640xf32, #tpu.memory_space<vmem>>) target(%dma_start3A_328 : memref<640xf32, #tpu.memory_space<vmem_shared>>) target_semaphore(%run_scoped3A : memref<!tpu.dma_semaphore, #tpu.memory_space<semaphore_mem>>)
      %dma_wait3A_329 = tpu.memref_slice %arg7[%mul3A_270] : memref<10240xf32, #tpu.memory_space<vmem_shared>> -> memref<640xf32, #tpu.memory_space<vmem_shared>>
      %dma_wait3A_330 = tpu.memref_slice %arg7[%mul3A_270] : memref<10240xf32, #tpu.memory_space<vmem_shared>> -> memref<640xf32, #tpu.memory_space<vmem_shared>>
      tpu.wait_dma2 semaphore(%run_scoped3A : memref<!tpu.dma_semaphore, #tpu.memory_space<semaphore_mem>>) src(%arg6 : memref<640xf32, #tpu.memory_space<vmem>>) dst(%dma_wait3A_330 : memref<640xf32, #tpu.memory_space<vmem_shared>>)
      tpu.yield
    }) : () -> ()
    %barrier3A = arith.constant 0 : index
    tpu.barrier barrier_id(%barrier3A)
    %scan3A = arith.constant 0 : i32
    %scan3A_271 = arith.constant 0 : i32
    %scan3A_272 = arith.constant 125 : i32
    %scan3A_273 = arith.addi %scan3A_271, %scan3A_272 : i32
    %scan3A_274 = arith.constant 1 : i32
    scf.for %scan3A_328 = %scan3A_271 to %scan3A_273 step %scan3A_274  : i32 {
      %dma_start3A = arith.constant 0 : i32
      %dma_start3A_329 = tpu.memref_slice %arg4[%scan3A_328, %dma_start3A] : memref<125x80xi32, #tpu.memory_space<vmem>> -> memref<1x80xi32, #tpu.memory_space<vmem>>
      %dma_start3A_330 = tpu.memref_squeeze %dma_start3A_329 : memref<1x80xi32, #tpu.memory_space<vmem>> -> memref<80xi32, #tpu.memory_space<vmem>>
      %dma_start3A_331 = arith.constant 0 : i32
      %dma_start3A_332 = tpu.memref_slice %arg7[%dma_start3A_331] : memref<10240xf32, #tpu.memory_space<vmem_shared>> -> memref<10240xf32, #tpu.memory_space<vmem_shared>>
      tpu.enqueue_indirect_dma source(%arg5 : memref<80xf32, #tpu.memory_space<vmem>>) target(%dma_start3A_332 : memref<10240xf32, #tpu.memory_space<vmem_shared>>) offsets(%dma_start3A_330 : memref<80xi32, #tpu.memory_space<vmem>>) semaphore(%arg8 : memref<!tpu.dma_semaphore, #tpu.memory_space<semaphore_mem>>) {add = true}
      %ge3A = arith.constant 8 : i32
      %ge3A_333 = arith.cmpi sge, %scan3A_328, %ge3A : i32
      %convert_element_type3A = arith.extui %ge3A_333 : i1 to i32
      %cond3A = arith.constant 0 : i32
      %cond3A_334 = arith.cmpi ne, %convert_element_type3A, %cond3A : i32
      scf.if %cond3A_334 {
        %dma_wait3A_335 = arith.constant 0 : i32
        %dma_wait3A_336 = arith.constant 0 : i32
        %dma_wait3A_337 = tpu.memref_slice %arg4[%dma_wait3A_335, %dma_wait3A_336] : memref<125x80xi32, #tpu.memory_space<vmem>> -> memref<1x80xi32, #tpu.memory_space<vmem>>
        %dma_wait3A_338 = tpu.memref_squeeze %dma_wait3A_337 : memref<1x80xi32, #tpu.memory_space<vmem>> -> memref<80xi32, #tpu.memory_space<vmem>>
        %dma_wait3A_339 = arith.constant 0 : i32
        %dma_wait3A_340 = tpu.memref_slice %arg7[%dma_wait3A_339] : memref<10240xf32, #tpu.memory_space<vmem_shared>> -> memref<10240xf32, #tpu.memory_space<vmem_shared>>
        tpu.wait_indirect_dma semaphore(%arg8 : memref<!tpu.dma_semaphore, #tpu.memory_space<semaphore_mem>>) src(%arg5 : memref<80xf32, #tpu.memory_space<vmem>>) dst(%dma_wait3A_340 : memref<10240xf32, #tpu.memory_space<vmem_shared>>)
      } else {
      }
    }
    %scan3A_275 = arith.constant 125 : i32
    %dma_wait3A = arith.constant 0 : i32
    %dma_wait3A_276 = arith.constant 0 : i32
    %dma_wait3A_277 = tpu.memref_slice %arg4[%dma_wait3A, %dma_wait3A_276] : memref<125x80xi32, #tpu.memory_space<vmem>> -> memref<1x80xi32, #tpu.memory_space<vmem>>
    %dma_wait3A_278 = tpu.memref_squeeze %dma_wait3A_277 : memref<1x80xi32, #tpu.memory_space<vmem>> -> memref<80xi32, #tpu.memory_space<vmem>>
    %dma_wait3A_279 = arith.constant 0 : i32
    %dma_wait3A_280 = tpu.memref_slice %arg7[%dma_wait3A_279] : memref<10240xf32, #tpu.memory_space<vmem_shared>> -> memref<10240xf32, #tpu.memory_space<vmem_shared>>
    tpu.wait_indirect_dma semaphore(%arg8 : memref<!tpu.dma_semaphore, #tpu.memory_space<semaphore_mem>>) src(%arg5 : memref<80xf32, #tpu.memory_space<vmem>>) dst(%dma_wait3A_280 : memref<10240xf32, #tpu.memory_space<vmem_shared>>)
    %dma_wait3A_281 = arith.constant 0 : i32
    %dma_wait3A_282 = arith.constant 0 : i32
    %dma_wait3A_283 = tpu.memref_slice %arg4[%dma_wait3A_281, %dma_wait3A_282] : memref<125x80xi32, #tpu.memory_space<vmem>> -> memref<1x80xi32, #tpu.memory_space<vmem>>
    %dma_wait3A_284 = tpu.memref_squeeze %dma_wait3A_283 : memref<1x80xi32, #tpu.memory_space<vmem>> -> memref<80xi32, #tpu.memory_space<vmem>>
    %dma_wait3A_285 = arith.constant 0 : i32
    %dma_wait3A_286 = tpu.memref_slice %arg7[%dma_wait3A_285] : memref<10240xf32, #tpu.memory_space<vmem_shared>> -> memref<10240xf32, #tpu.memory_space<vmem_shared>>
    tpu.wait_indirect_dma semaphore(%arg8 : memref<!tpu.dma_semaphore, #tpu.memory_space<semaphore_mem>>) src(%arg5 : memref<80xf32, #tpu.memory_space<vmem>>) dst(%dma_wait3A_286 : memref<10240xf32, #tpu.memory_space<vmem_shared>>)
    %dma_wait3A_287 = arith.constant 0 : i32
    %dma_wait3A_288 = arith.constant 0 : i32
    %dma_wait3A_289 = tpu.memref_slice %arg4[%dma_wait3A_287, %dma_wait3A_288] : memref<125x80xi32, #tpu.memory_space<vmem>> -> memref<1x80xi32, #tpu.memory_space<vmem>>
    %dma_wait3A_290 = tpu.memref_squeeze %dma_wait3A_289 : memref<1x80xi32, #tpu.memory_space<vmem>> -> memref<80xi32, #tpu.memory_space<vmem>>
    %dma_wait3A_291 = arith.constant 0 : i32
    %dma_wait3A_292 = tpu.memref_slice %arg7[%dma_wait3A_291] : memref<10240xf32, #tpu.memory_space<vmem_shared>> -> memref<10240xf32, #tpu.memory_space<vmem_shared>>
    tpu.wait_indirect_dma semaphore(%arg8 : memref<!tpu.dma_semaphore, #tpu.memory_space<semaphore_mem>>) src(%arg5 : memref<80xf32, #tpu.memory_space<vmem>>) dst(%dma_wait3A_292 : memref<10240xf32, #tpu.memory_space<vmem_shared>>)
    %dma_wait3A_293 = arith.constant 0 : i32
    %dma_wait3A_294 = arith.constant 0 : i32
    %dma_wait3A_295 = tpu.memref_slice %arg4[%dma_wait3A_293, %dma_wait3A_294] : memref<125x80xi32, #tpu.memory_space<vmem>> -> memref<1x80xi32, #tpu.memory_space<vmem>>
    %dma_wait3A_296 = tpu.memref_squeeze %dma_wait3A_295 : memref<1x80xi32, #tpu.memory_space<vmem>> -> memref<80xi32, #tpu.memory_space<vmem>>
    %dma_wait3A_297 = arith.constant 0 : i32
    %dma_wait3A_298 = tpu.memref_slice %arg7[%dma_wait3A_297] : memref<10240xf32, #tpu.memory_space<vmem_shared>> -> memref<10240xf32, #tpu.memory_space<vmem_shared>>
    tpu.wait_indirect_dma semaphore(%arg8 : memref<!tpu.dma_semaphore, #tpu.memory_space<semaphore_mem>>) src(%arg5 : memref<80xf32, #tpu.memory_space<vmem>>) dst(%dma_wait3A_298 : memref<10240xf32, #tpu.memory_space<vmem_shared>>)
    %dma_wait3A_299 = arith.constant 0 : i32
    %dma_wait3A_300 = arith.constant 0 : i32
    %dma_wait3A_301 = tpu.memref_slice %arg4[%dma_wait3A_299, %dma_wait3A_300] : memref<125x80xi32, #tpu.memory_space<vmem>> -> memref<1x80xi32, #tpu.memory_space<vmem>>
    %dma_wait3A_302 = tpu.memref_squeeze %dma_wait3A_301 : memref<1x80xi32, #tpu.memory_space<vmem>> -> memref<80xi32, #tpu.memory_space<vmem>>
    %dma_wait3A_303 = arith.constant 0 : i32
    %dma_wait3A_304 = tpu.memref_slice %arg7[%dma_wait3A_303] : memref<10240xf32, #tpu.memory_space<vmem_shared>> -> memref<10240xf32, #tpu.memory_space<vmem_shared>>
    tpu.wait_indirect_dma semaphore(%arg8 : memref<!tpu.dma_semaphore, #tpu.memory_space<semaphore_mem>>) src(%arg5 : memref<80xf32, #tpu.memory_space<vmem>>) dst(%dma_wait3A_304 : memref<10240xf32, #tpu.memory_space<vmem_shared>>)
    %dma_wait3A_305 = arith.constant 0 : i32
    %dma_wait3A_306 = arith.constant 0 : i32
    %dma_wait3A_307 = tpu.memref_slice %arg4[%dma_wait3A_305, %dma_wait3A_306] : memref<125x80xi32, #tpu.memory_space<vmem>> -> memref<1x80xi32, #tpu.memory_space<vmem>>
    %dma_wait3A_308 = tpu.memref_squeeze %dma_wait3A_307 : memref<1x80xi32, #tpu.memory_space<vmem>> -> memref<80xi32, #tpu.memory_space<vmem>>
    %dma_wait3A_309 = arith.constant 0 : i32
    %dma_wait3A_310 = tpu.memref_slice %arg7[%dma_wait3A_309] : memref<10240xf32, #tpu.memory_space<vmem_shared>> -> memref<10240xf32, #tpu.memory_space<vmem_shared>>
    tpu.wait_indirect_dma semaphore(%arg8 : memref<!tpu.dma_semaphore, #tpu.memory_space<semaphore_mem>>) src(%arg5 : memref<80xf32, #tpu.memory_space<vmem>>) dst(%dma_wait3A_310 : memref<10240xf32, #tpu.memory_space<vmem_shared>>)
    %dma_wait3A_311 = arith.constant 0 : i32
    %dma_wait3A_312 = arith.constant 0 : i32
    %dma_wait3A_313 = tpu.memref_slice %arg4[%dma_wait3A_311, %dma_wait3A_312] : memref<125x80xi32, #tpu.memory_space<vmem>> -> memref<1x80xi32, #tpu.memory_space<vmem>>
    %dma_wait3A_314 = tpu.memref_squeeze %dma_wait3A_313 : memref<1x80xi32, #tpu.memory_space<vmem>> -> memref<80xi32, #tpu.memory_space<vmem>>
    %dma_wait3A_315 = arith.constant 0 : i32
    %dma_wait3A_316 = tpu.memref_slice %arg7[%dma_wait3A_315] : memref<10240xf32, #tpu.memory_space<vmem_shared>> -> memref<10240xf32, #tpu.memory_space<vmem_shared>>
    tpu.wait_indirect_dma semaphore(%arg8 : memref<!tpu.dma_semaphore, #tpu.memory_space<semaphore_mem>>) src(%arg5 : memref<80xf32, #tpu.memory_space<vmem>>) dst(%dma_wait3A_316 : memref<10240xf32, #tpu.memory_space<vmem_shared>>)
    %dma_wait3A_317 = arith.constant 0 : i32
    %dma_wait3A_318 = arith.constant 0 : i32
    %dma_wait3A_319 = tpu.memref_slice %arg4[%dma_wait3A_317, %dma_wait3A_318] : memref<125x80xi32, #tpu.memory_space<vmem>> -> memref<1x80xi32, #tpu.memory_space<vmem>>
    %dma_wait3A_320 = tpu.memref_squeeze %dma_wait3A_319 : memref<1x80xi32, #tpu.memory_space<vmem>> -> memref<80xi32, #tpu.memory_space<vmem>>
    %dma_wait3A_321 = arith.constant 0 : i32
    %dma_wait3A_322 = tpu.memref_slice %arg7[%dma_wait3A_321] : memref<10240xf32, #tpu.memory_space<vmem_shared>> -> memref<10240xf32, #tpu.memory_space<vmem_shared>>
    tpu.wait_indirect_dma semaphore(%arg8 : memref<!tpu.dma_semaphore, #tpu.memory_space<semaphore_mem>>) src(%arg5 : memref<80xf32, #tpu.memory_space<vmem>>) dst(%dma_wait3A_322 : memref<10240xf32, #tpu.memory_space<vmem_shared>>)
    %barrier3A_323 = arith.constant 0 : index
    tpu.barrier barrier_id(%barrier3A_323)
    %mul3A_324 = arith.constant 640 : i32
    %mul3A_325 = arith.muli %arg1, %mul3A_324 : i32
    %mul3A_326 = arith.constant 640 : i32
    %mul3A_327 = arith.muli %arg1, %mul3A_326 : i32
    "tpu.region"() ({
      %run_scoped3A = tpu.sem_alloc : memref<!tpu.dma_semaphore, #tpu.memory_space<semaphore_mem>>
      %dma_start3A = tpu.memref_slice %arg3[%arg0, %mul3A_327] : memref<2x10240xf32, #tpu.memory_space<hbm>> -> memref<1x640xf32, #tpu.memory_space<hbm>>
      %dma_start3A_328 = tpu.memref_squeeze %dma_start3A : memref<1x640xf32, #tpu.memory_space<hbm>> -> memref<640xf32, #tpu.memory_space<hbm>>
      %dma_start3A_329 = tpu.memref_slice %arg7[%mul3A_325] : memref<10240xf32, #tpu.memory_space<vmem_shared>> -> memref<640xf32, #tpu.memory_space<vmem_shared>>
      tpu.enqueue_dma source(%dma_start3A_329 : memref<640xf32, #tpu.memory_space<vmem_shared>>) target(%dma_start3A_328 : memref<640xf32, #tpu.memory_space<hbm>>) target_semaphore(%run_scoped3A : memref<!tpu.dma_semaphore, #tpu.memory_space<semaphore_mem>>)
      %dma_wait3A_330 = tpu.memref_slice %arg3[%arg0, %mul3A_327] : memref<2x10240xf32, #tpu.memory_space<hbm>> -> memref<1x640xf32, #tpu.memory_space<hbm>>
      %dma_wait3A_331 = tpu.memref_squeeze %dma_wait3A_330 : memref<1x640xf32, #tpu.memory_space<hbm>> -> memref<640xf32, #tpu.memory_space<hbm>>
      %dma_wait3A_332 = tpu.memref_slice %arg7[%mul3A_325] : memref<10240xf32, #tpu.memory_space<vmem_shared>> -> memref<640xf32, #tpu.memory_space<vmem_shared>>
      tpu.wait_dma2 semaphore(%run_scoped3A : memref<!tpu.dma_semaphore, #tpu.memory_space<semaphore_mem>>) src(%dma_wait3A_332 : memref<640xf32, #tpu.memory_space<vmem_shared>>) dst(%dma_wait3A_331 : memref<640xf32, #tpu.memory_space<hbm>>)
      tpu.yield
    }) : () -> ()
    return
  }
}

#map = affine_map<(d0, d1) -> (0, 0)>
#map1 = affine_map<(d0, d1) -> (0, 0, 0, 0)>
module attributes {stable_mosaic.version = 14 : i64} {
  func.func @k(%arg0: i32, %arg1: i32, %arg2: memref<10240x128xf32, #tpu.memory_space<hbm>>, %arg3: memref<32x5x25x80xi32, #tpu.memory_space<hbm>>, %arg4: memref<32x5x25x80xi32, #tpu.memory_space<hbm>>, %arg5: memref<10240x128xf32, #tpu.memory_space<hbm>>, %arg6: memref<10240x128xf32, #tpu.memory_space<hbm>>, %arg7: memref<25x80xi32, #tpu.memory_space<vmem>>, %arg8: memref<25x80xi32, #tpu.memory_space<vmem>>, %arg9: memref<25x80xi32, #tpu.memory_space<vmem>>, %arg10: memref<25x80xi32, #tpu.memory_space<vmem>>, %arg11: memref<80x128xf32, #tpu.memory_space<vmem>>, %arg12: memref<80x128xf32, #tpu.memory_space<vmem>>, %arg13: memref<10240x128xf32, #tpu.memory_space<vmem_shared>>, %arg14: memref<!tpu.dma_semaphore, #tpu.memory_space<semaphore_mem>>, %arg15: memref<!tpu.dma_semaphore, #tpu.memory_space<semaphore_mem>>, %arg16: memref<!tpu.dma_semaphore, #tpu.memory_space<semaphore_mem>>) attributes {dimension_semantics = [#tpu.dimension_semantics<core_parallel>, #tpu.dimension_semantics<subcore_parallel>], iteration_bounds = array<i64: 2, 16>, scalar_prefetch = 0 : i64, scratch_operands = 10 : i64, tpu.core_type = #tpu.core_type<sc_vector_subcore>, window_params = [{transform_indices = #map}, {transform_indices = #map1}, {transform_indices = #map1}, {transform_indices = #map}, {transform_indices = #map}]} {
    %mul3A = arith.constant 16 : i32
    %mul3A_0 = arith.muli %arg0, %mul3A : i32
    %add3A = arith.addi %mul3A_0, %arg1 : i32
    %scan3A = arith.constant 0 : i32
    %scan3A_1 = arith.constant 0 : i32
    %scan3A_2 = arith.constant 80 : i32
    %scan3A_3 = arith.addi %scan3A_1, %scan3A_2 : i32
    %scan3A_4 = arith.constant 1 : i32
    scf.for %scan3A_374 = %scan3A_1 to %scan3A_3 step %scan3A_4  : i32 {
      %broadcast_in_dim3A = arith.constant 0.000000e+00 : f32
      %broadcast_in_dim3A_375 = vector.broadcast %broadcast_in_dim3A : f32 to vector<16xf32>
      %swap3A = arith.index_cast %scan3A_374 : i32 to index
      %swap3A_376 = arith.constant 0 : index
      %swap3A_377 = tpu.vector_load %arg11[%swap3A, %swap3A_376] {strides = array<i32>} : memref<80x128xf32, #tpu.memory_space<vmem>>, vector<1x16xf32>,
      %swap3A_378 = vector.shape_cast %swap3A_377 : vector<1x16xf32> to vector<16xf32>
      %swap3A_379 = vector.shape_cast %broadcast_in_dim3A_375 : vector<16xf32> to vector<1x16xf32>
      tpu.vector_store %arg11[%swap3A, %swap3A_376], %swap3A_379 {strides = array<i32>} : memref<80x128xf32, #tpu.memory_space<vmem>>, vector<1x16xf32>,
      %broadcast_in_dim3A_380 = arith.constant 0.000000e+00 : f32
      %broadcast_in_dim3A_381 = vector.broadcast %broadcast_in_dim3A_380 : f32 to vector<16xf32>
      %swap3A_382 = arith.index_cast %scan3A_374 : i32 to index
      %swap3A_383 = arith.constant 16 : index
      %swap3A_384 = tpu.vector_load %arg11[%swap3A_382, %swap3A_383] {strides = array<i32>} : memref<80x128xf32, #tpu.memory_space<vmem>>, vector<1x16xf32>,
      %swap3A_385 = vector.shape_cast %swap3A_384 : vector<1x16xf32> to vector<16xf32>
      %swap3A_386 = vector.shape_cast %broadcast_in_dim3A_381 : vector<16xf32> to vector<1x16xf32>
      tpu.vector_store %arg11[%swap3A_382, %swap3A_383], %swap3A_386 {strides = array<i32>} : memref<80x128xf32, #tpu.memory_space<vmem>>, vector<1x16xf32>,
      %broadcast_in_dim3A_387 = arith.constant 0.000000e+00 : f32
      %broadcast_in_dim3A_388 = vector.broadcast %broadcast_in_dim3A_387 : f32 to vector<16xf32>
      %swap3A_389 = arith.index_cast %scan3A_374 : i32 to index
      %swap3A_390 = arith.constant 32 : index
      %swap3A_391 = tpu.vector_load %arg11[%swap3A_389, %swap3A_390] {strides = array<i32>} : memref<80x128xf32, #tpu.memory_space<vmem>>, vector<1x16xf32>,
      %swap3A_392 = vector.shape_cast %swap3A_391 : vector<1x16xf32> to vector<16xf32>
      %swap3A_393 = vector.shape_cast %broadcast_in_dim3A_388 : vector<16xf32> to vector<1x16xf32>
      tpu.vector_store %arg11[%swap3A_389, %swap3A_390], %swap3A_393 {strides = array<i32>} : memref<80x128xf32, #tpu.memory_space<vmem>>, vector<1x16xf32>,
      %broadcast_in_dim3A_394 = arith.constant 0.000000e+00 : f32
      %broadcast_in_dim3A_395 = vector.broadcast %broadcast_in_dim3A_394 : f32 to vector<16xf32>
      %swap3A_396 = arith.index_cast %scan3A_374 : i32 to index
      %swap3A_397 = arith.constant 48 : index
      %swap3A_398 = tpu.vector_load %arg11[%swap3A_396, %swap3A_397] {strides = array<i32>} : memref<80x128xf32, #tpu.memory_space<vmem>>, vector<1x16xf32>,
      %swap3A_399 = vector.shape_cast %swap3A_398 : vector<1x16xf32> to vector<16xf32>
      %swap3A_400 = vector.shape_cast %broadcast_in_dim3A_395 : vector<16xf32> to vector<1x16xf32>
      tpu.vector_store %arg11[%swap3A_396, %swap3A_397], %swap3A_400 {strides = array<i32>} : memref<80x128xf32, #tpu.memory_space<vmem>>, vector<1x16xf32>,
      %broadcast_in_dim3A_401 = arith.constant 0.000000e+00 : f32
      %broadcast_in_dim3A_402 = vector.broadcast %broadcast_in_dim3A_401 : f32 to vector<16xf32>
      %swap3A_403 = arith.index_cast %scan3A_374 : i32 to index
      %swap3A_404 = arith.constant 64 : index
      %swap3A_405 = tpu.vector_load %arg11[%swap3A_403, %swap3A_404] {strides = array<i32>} : memref<80x128xf32, #tpu.memory_space<vmem>>, vector<1x16xf32>,
      %swap3A_406 = vector.shape_cast %swap3A_405 : vector<1x16xf32> to vector<16xf32>
      %swap3A_407 = vector.shape_cast %broadcast_in_dim3A_402 : vector<16xf32> to vector<1x16xf32>
      tpu.vector_store %arg11[%swap3A_403, %swap3A_404], %swap3A_407 {strides = array<i32>} : memref<80x128xf32, #tpu.memory_space<vmem>>, vector<1x16xf32>,
      %broadcast_in_dim3A_408 = arith.constant 0.000000e+00 : f32
      %broadcast_in_dim3A_409 = vector.broadcast %broadcast_in_dim3A_408 : f32 to vector<16xf32>
      %swap3A_410 = arith.index_cast %scan3A_374 : i32 to index
      %swap3A_411 = arith.constant 80 : index
      %swap3A_412 = tpu.vector_load %arg11[%swap3A_410, %swap3A_411] {strides = array<i32>} : memref<80x128xf32, #tpu.memory_space<vmem>>, vector<1x16xf32>,
      %swap3A_413 = vector.shape_cast %swap3A_412 : vector<1x16xf32> to vector<16xf32>
      %swap3A_414 = vector.shape_cast %broadcast_in_dim3A_409 : vector<16xf32> to vector<1x16xf32>
      tpu.vector_store %arg11[%swap3A_410, %swap3A_411], %swap3A_414 {strides = array<i32>} : memref<80x128xf32, #tpu.memory_space<vmem>>, vector<1x16xf32>,
      %broadcast_in_dim3A_415 = arith.constant 0.000000e+00 : f32
      %broadcast_in_dim3A_416 = vector.broadcast %broadcast_in_dim3A_415 : f32 to vector<16xf32>
      %swap3A_417 = arith.index_cast %scan3A_374 : i32 to index
      %swap3A_418 = arith.constant 96 : index
      %swap3A_419 = tpu.vector_load %arg11[%swap3A_417, %swap3A_418] {strides = array<i32>} : memref<80x128xf32, #tpu.memory_space<vmem>>, vector<1x16xf32>,
      %swap3A_420 = vector.shape_cast %swap3A_419 : vector<1x16xf32> to vector<16xf32>
      %swap3A_421 = vector.shape_cast %broadcast_in_dim3A_416 : vector<16xf32> to vector<1x16xf32>
      tpu.vector_store %arg11[%swap3A_417, %swap3A_418], %swap3A_421 {strides = array<i32>} : memref<80x128xf32, #tpu.memory_space<vmem>>, vector<1x16xf32>,
      %broadcast_in_dim3A_422 = arith.constant 0.000000e+00 : f32
      %broadcast_in_dim3A_423 = vector.broadcast %broadcast_in_dim3A_422 : f32 to vector<16xf32>
      %swap3A_424 = arith.index_cast %scan3A_374 : i32 to index
      %swap3A_425 = arith.constant 112 : index
      %swap3A_426 = tpu.vector_load %arg11[%swap3A_424, %swap3A_425] {strides = array<i32>} : memref<80x128xf32, #tpu.memory_space<vmem>>, vector<1x16xf32>,
      %swap3A_427 = vector.shape_cast %swap3A_426 : vector<1x16xf32> to vector<16xf32>
      %swap3A_428 = vector.shape_cast %broadcast_in_dim3A_423 : vector<16xf32> to vector<1x16xf32>
      tpu.vector_store %arg11[%swap3A_424, %swap3A_425], %swap3A_428 {strides = array<i32>} : memref<80x128xf32, #tpu.memory_space<vmem>>, vector<1x16xf32>,
    }
    %scan3A_5 = arith.constant 80 : i32
    %mul3A_6 = arith.constant 640 : i32
    %mul3A_7 = arith.muli %arg1, %mul3A_6 : i32
    %add3A_8 = arith.constant 0 : i32
    %add3A_9 = arith.addi %mul3A_7, %add3A_8 : i32
    %dma_start3A = arith.constant 0 : i32
    %dma_start3A_10 = tpu.memref_slice %arg13[%add3A_9, %dma_start3A] : memref<10240x128xf32, #tpu.memory_space<vmem_shared>> -> memref<80x128xf32, #tpu.memory_space<vmem_shared>>
    %dma_start3A_11 = arith.constant 0 : i32
    %dma_start3A_12 = tpu.memref_slice %arg13[%add3A_9, %dma_start3A_11] : memref<10240x128xf32, #tpu.memory_space<vmem_shared>> -> memref<80x128xf32, #tpu.memory_space<vmem_shared>>
    tpu.enqueue_dma source(%arg11 : memref<80x128xf32, #tpu.memory_space<vmem>>) target(%dma_start3A_12 : memref<80x128xf32, #tpu.memory_space<vmem_shared>>) target_semaphore(%arg14 : memref<!tpu.dma_semaphore, #tpu.memory_space<semaphore_mem>>)
    %mul3A_13 = arith.constant 640 : i32
    %mul3A_14 = arith.muli %arg1, %mul3A_13 : i32
    %add3A_15 = arith.constant 80 : i32
    %add3A_16 = arith.addi %mul3A_14, %add3A_15 : i32
    %dma_start3A_17 = arith.constant 0 : i32
    %dma_start3A_18 = tpu.memref_slice %arg13[%add3A_16, %dma_start3A_17] : memref<10240x128xf32, #tpu.memory_space<vmem_shared>> -> memref<80x128xf32, #tpu.memory_space<vmem_shared>>
    %dma_start3A_19 = arith.constant 0 : i32
    %dma_start3A_20 = tpu.memref_slice %arg13[%add3A_16, %dma_start3A_19] : memref<10240x128xf32, #tpu.memory_space<vmem_shared>> -> memref<80x128xf32, #tpu.memory_space<vmem_shared>>
    tpu.enqueue_dma source(%arg11 : memref<80x128xf32, #tpu.memory_space<vmem>>) target(%dma_start3A_20 : memref<80x128xf32, #tpu.memory_space<vmem_shared>>) target_semaphore(%arg14 : memref<!tpu.dma_semaphore, #tpu.memory_space<semaphore_mem>>)
    %mul3A_21 = arith.constant 640 : i32
    %mul3A_22 = arith.muli %arg1, %mul3A_21 : i32
    %add3A_23 = arith.constant 160 : i32
    %add3A_24 = arith.addi %mul3A_22, %add3A_23 : i32
    %dma_start3A_25 = arith.constant 0 : i32
    %dma_start3A_26 = tpu.memref_slice %arg13[%add3A_24, %dma_start3A_25] : memref<10240x128xf32, #tpu.memory_space<vmem_shared>> -> memref<80x128xf32, #tpu.memory_space<vmem_shared>>
    %dma_start3A_27 = arith.constant 0 : i32
    %dma_start3A_28 = tpu.memref_slice %arg13[%add3A_24, %dma_start3A_27] : memref<10240x128xf32, #tpu.memory_space<vmem_shared>> -> memref<80x128xf32, #tpu.memory_space<vmem_shared>>
    tpu.enqueue_dma source(%arg11 : memref<80x128xf32, #tpu.memory_space<vmem>>) target(%dma_start3A_28 : memref<80x128xf32, #tpu.memory_space<vmem_shared>>) target_semaphore(%arg14 : memref<!tpu.dma_semaphore, #tpu.memory_space<semaphore_mem>>)
    %mul3A_29 = arith.constant 640 : i32
    %mul3A_30 = arith.muli %arg1, %mul3A_29 : i32
    %add3A_31 = arith.constant 240 : i32
    %add3A_32 = arith.addi %mul3A_30, %add3A_31 : i32
    %dma_start3A_33 = arith.constant 0 : i32
    %dma_start3A_34 = tpu.memref_slice %arg13[%add3A_32, %dma_start3A_33] : memref<10240x128xf32, #tpu.memory_space<vmem_shared>> -> memref<80x128xf32, #tpu.memory_space<vmem_shared>>
    %dma_start3A_35 = arith.constant 0 : i32
    %dma_start3A_36 = tpu.memref_slice %arg13[%add3A_32, %dma_start3A_35] : memref<10240x128xf32, #tpu.memory_space<vmem_shared>> -> memref<80x128xf32, #tpu.memory_space<vmem_shared>>
    tpu.enqueue_dma source(%arg11 : memref<80x128xf32, #tpu.memory_space<vmem>>) target(%dma_start3A_36 : memref<80x128xf32, #tpu.memory_space<vmem_shared>>) target_semaphore(%arg14 : memref<!tpu.dma_semaphore, #tpu.memory_space<semaphore_mem>>)
    %mul3A_37 = arith.constant 640 : i32
    %mul3A_38 = arith.muli %arg1, %mul3A_37 : i32
    %add3A_39 = arith.constant 320 : i32
    %add3A_40 = arith.addi %mul3A_38, %add3A_39 : i32
    %dma_start3A_41 = arith.constant 0 : i32
    %dma_start3A_42 = tpu.memref_slice %arg13[%add3A_40, %dma_start3A_41] : memref<10240x128xf32, #tpu.memory_space<vmem_shared>> -> memref<80x128xf32, #tpu.memory_space<vmem_shared>>
    %dma_start3A_43 = arith.constant 0 : i32
    %dma_start3A_44 = tpu.memref_slice %arg13[%add3A_40, %dma_start3A_43] : memref<10240x128xf32, #tpu.memory_space<vmem_shared>> -> memref<80x128xf32, #tpu.memory_space<vmem_shared>>
    tpu.enqueue_dma source(%arg11 : memref<80x128xf32, #tpu.memory_space<vmem>>) target(%dma_start3A_44 : memref<80x128xf32, #tpu.memory_space<vmem_shared>>) target_semaphore(%arg14 : memref<!tpu.dma_semaphore, #tpu.memory_space<semaphore_mem>>)
    %mul3A_45 = arith.constant 640 : i32
    %mul3A_46 = arith.muli %arg1, %mul3A_45 : i32
    %add3A_47 = arith.constant 400 : i32
    %add3A_48 = arith.addi %mul3A_46, %add3A_47 : i32
    %dma_start3A_49 = arith.constant 0 : i32
    %dma_start3A_50 = tpu.memref_slice %arg13[%add3A_48, %dma_start3A_49] : memref<10240x128xf32, #tpu.memory_space<vmem_shared>> -> memref<80x128xf32, #tpu.memory_space<vmem_shared>>
    %dma_start3A_51 = arith.constant 0 : i32
    %dma_start3A_52 = tpu.memref_slice %arg13[%add3A_48, %dma_start3A_51] : memref<10240x128xf32, #tpu.memory_space<vmem_shared>> -> memref<80x128xf32, #tpu.memory_space<vmem_shared>>
    tpu.enqueue_dma source(%arg11 : memref<80x128xf32, #tpu.memory_space<vmem>>) target(%dma_start3A_52 : memref<80x128xf32, #tpu.memory_space<vmem_shared>>) target_semaphore(%arg14 : memref<!tpu.dma_semaphore, #tpu.memory_space<semaphore_mem>>)
    %mul3A_53 = arith.constant 640 : i32
    %mul3A_54 = arith.muli %arg1, %mul3A_53 : i32
    %add3A_55 = arith.constant 480 : i32
    %add3A_56 = arith.addi %mul3A_54, %add3A_55 : i32
    %dma_start3A_57 = arith.constant 0 : i32
    %dma_start3A_58 = tpu.memref_slice %arg13[%add3A_56, %dma_start3A_57] : memref<10240x128xf32, #tpu.memory_space<vmem_shared>> -> memref<80x128xf32, #tpu.memory_space<vmem_shared>>
    %dma_start3A_59 = arith.constant 0 : i32
    %dma_start3A_60 = tpu.memref_slice %arg13[%add3A_56, %dma_start3A_59] : memref<10240x128xf32, #tpu.memory_space<vmem_shared>> -> memref<80x128xf32, #tpu.memory_space<vmem_shared>>
    tpu.enqueue_dma source(%arg11 : memref<80x128xf32, #tpu.memory_space<vmem>>) target(%dma_start3A_60 : memref<80x128xf32, #tpu.memory_space<vmem_shared>>) target_semaphore(%arg14 : memref<!tpu.dma_semaphore, #tpu.memory_space<semaphore_mem>>)
    %mul3A_61 = arith.constant 640 : i32
    %mul3A_62 = arith.muli %arg1, %mul3A_61 : i32
    %add3A_63 = arith.constant 560 : i32
    %add3A_64 = arith.addi %mul3A_62, %add3A_63 : i32
    %dma_start3A_65 = arith.constant 0 : i32
    %dma_start3A_66 = tpu.memref_slice %arg13[%add3A_64, %dma_start3A_65] : memref<10240x128xf32, #tpu.memory_space<vmem_shared>> -> memref<80x128xf32, #tpu.memory_space<vmem_shared>>
    %dma_start3A_67 = arith.constant 0 : i32
    %dma_start3A_68 = tpu.memref_slice %arg13[%add3A_64, %dma_start3A_67] : memref<10240x128xf32, #tpu.memory_space<vmem_shared>> -> memref<80x128xf32, #tpu.memory_space<vmem_shared>>
    tpu.enqueue_dma source(%arg11 : memref<80x128xf32, #tpu.memory_space<vmem>>) target(%dma_start3A_68 : memref<80x128xf32, #tpu.memory_space<vmem_shared>>) target_semaphore(%arg14 : memref<!tpu.dma_semaphore, #tpu.memory_space<semaphore_mem>>)
    %mul3A_69 = arith.constant 640 : i32
    %mul3A_70 = arith.muli %arg1, %mul3A_69 : i32
    %dma_wait3A = arith.constant 0 : i32
    %dma_wait3A_71 = tpu.memref_slice %arg13[%mul3A_70, %dma_wait3A] : memref<10240x128xf32, #tpu.memory_space<vmem_shared>> -> memref<80x128xf32, #tpu.memory_space<vmem_shared>>
    %dma_wait3A_72 = arith.constant 0 : i32
    %dma_wait3A_73 = tpu.memref_slice %arg13[%mul3A_70, %dma_wait3A_72] : memref<10240x128xf32, #tpu.memory_space<vmem_shared>> -> memref<80x128xf32, #tpu.memory_space<vmem_shared>>
    tpu.wait_dma2 semaphore(%arg14 : memref<!tpu.dma_semaphore, #tpu.memory_space<semaphore_mem>>) src(%arg11 : memref<80x128xf32, #tpu.memory_space<vmem>>) dst(%dma_wait3A_73 : memref<80x128xf32, #tpu.memory_space<vmem_shared>>)
    %mul3A_74 = arith.constant 640 : i32
    %mul3A_75 = arith.muli %arg1, %mul3A_74 : i32
    %dma_wait3A_76 = arith.constant 0 : i32
    %dma_wait3A_77 = tpu.memref_slice %arg13[%mul3A_75, %dma_wait3A_76] : memref<10240x128xf32, #tpu.memory_space<vmem_shared>> -> memref<80x128xf32, #tpu.memory_space<vmem_shared>>
    %dma_wait3A_78 = arith.constant 0 : i32
    %dma_wait3A_79 = tpu.memref_slice %arg13[%mul3A_75, %dma_wait3A_78] : memref<10240x128xf32, #tpu.memory_space<vmem_shared>> -> memref<80x128xf32, #tpu.memory_space<vmem_shared>>
    tpu.wait_dma2 semaphore(%arg14 : memref<!tpu.dma_semaphore, #tpu.memory_space<semaphore_mem>>) src(%arg11 : memref<80x128xf32, #tpu.memory_space<vmem>>) dst(%dma_wait3A_79 : memref<80x128xf32, #tpu.memory_space<vmem_shared>>)
    %mul3A_80 = arith.constant 640 : i32
    %mul3A_81 = arith.muli %arg1, %mul3A_80 : i32
    %dma_wait3A_82 = arith.constant 0 : i32
    %dma_wait3A_83 = tpu.memref_slice %arg13[%mul3A_81, %dma_wait3A_82] : memref<10240x128xf32, #tpu.memory_space<vmem_shared>> -> memref<80x128xf32, #tpu.memory_space<vmem_shared>>
    %dma_wait3A_84 = arith.constant 0 : i32
    %dma_wait3A_85 = tpu.memref_slice %arg13[%mul3A_81, %dma_wait3A_84] : memref<10240x128xf32, #tpu.memory_space<vmem_shared>> -> memref<80x128xf32, #tpu.memory_space<vmem_shared>>
    tpu.wait_dma2 semaphore(%arg14 : memref<!tpu.dma_semaphore, #tpu.memory_space<semaphore_mem>>) src(%arg11 : memref<80x128xf32, #tpu.memory_space<vmem>>) dst(%dma_wait3A_85 : memref<80x128xf32, #tpu.memory_space<vmem_shared>>)
    %mul3A_86 = arith.constant 640 : i32
    %mul3A_87 = arith.muli %arg1, %mul3A_86 : i32
    %dma_wait3A_88 = arith.constant 0 : i32
    %dma_wait3A_89 = tpu.memref_slice %arg13[%mul3A_87, %dma_wait3A_88] : memref<10240x128xf32, #tpu.memory_space<vmem_shared>> -> memref<80x128xf32, #tpu.memory_space<vmem_shared>>
    %dma_wait3A_90 = arith.constant 0 : i32
    %dma_wait3A_91 = tpu.memref_slice %arg13[%mul3A_87, %dma_wait3A_90] : memref<10240x128xf32, #tpu.memory_space<vmem_shared>> -> memref<80x128xf32, #tpu.memory_space<vmem_shared>>
    tpu.wait_dma2 semaphore(%arg14 : memref<!tpu.dma_semaphore, #tpu.memory_space<semaphore_mem>>) src(%arg11 : memref<80x128xf32, #tpu.memory_space<vmem>>) dst(%dma_wait3A_91 : memref<80x128xf32, #tpu.memory_space<vmem_shared>>)
    %mul3A_92 = arith.constant 640 : i32
    %mul3A_93 = arith.muli %arg1, %mul3A_92 : i32
    %dma_wait3A_94 = arith.constant 0 : i32
    %dma_wait3A_95 = tpu.memref_slice %arg13[%mul3A_93, %dma_wait3A_94] : memref<10240x128xf32, #tpu.memory_space<vmem_shared>> -> memref<80x128xf32, #tpu.memory_space<vmem_shared>>
    %dma_wait3A_96 = arith.constant 0 : i32
    %dma_wait3A_97 = tpu.memref_slice %arg13[%mul3A_93, %dma_wait3A_96] : memref<10240x128xf32, #tpu.memory_space<vmem_shared>> -> memref<80x128xf32, #tpu.memory_space<vmem_shared>>
    tpu.wait_dma2 semaphore(%arg14 : memref<!tpu.dma_semaphore, #tpu.memory_space<semaphore_mem>>) src(%arg11 : memref<80x128xf32, #tpu.memory_space<vmem>>) dst(%dma_wait3A_97 : memref<80x128xf32, #tpu.memory_space<vmem_shared>>)
    %mul3A_98 = arith.constant 640 : i32
    %mul3A_99 = arith.muli %arg1, %mul3A_98 : i32
    %dma_wait3A_100 = arith.constant 0 : i32
    %dma_wait3A_101 = tpu.memref_slice %arg13[%mul3A_99, %dma_wait3A_100] : memref<10240x128xf32, #tpu.memory_space<vmem_shared>> -> memref<80x128xf32, #tpu.memory_space<vmem_shared>>
    %dma_wait3A_102 = arith.constant 0 : i32
    %dma_wait3A_103 = tpu.memref_slice %arg13[%mul3A_99, %dma_wait3A_102] : memref<10240x128xf32, #tpu.memory_space<vmem_shared>> -> memref<80x128xf32, #tpu.memory_space<vmem_shared>>
    tpu.wait_dma2 semaphore(%arg14 : memref<!tpu.dma_semaphore, #tpu.memory_space<semaphore_mem>>) src(%arg11 : memref<80x128xf32, #tpu.memory_space<vmem>>) dst(%dma_wait3A_103 : memref<80x128xf32, #tpu.memory_space<vmem_shared>>)
    %mul3A_104 = arith.constant 640 : i32
    %mul3A_105 = arith.muli %arg1, %mul3A_104 : i32
    %dma_wait3A_106 = arith.constant 0 : i32
    %dma_wait3A_107 = tpu.memref_slice %arg13[%mul3A_105, %dma_wait3A_106] : memref<10240x128xf32, #tpu.memory_space<vmem_shared>> -> memref<80x128xf32, #tpu.memory_space<vmem_shared>>
    %dma_wait3A_108 = arith.constant 0 : i32
    %dma_wait3A_109 = tpu.memref_slice %arg13[%mul3A_105, %dma_wait3A_108] : memref<10240x128xf32, #tpu.memory_space<vmem_shared>> -> memref<80x128xf32, #tpu.memory_space<vmem_shared>>
    tpu.wait_dma2 semaphore(%arg14 : memref<!tpu.dma_semaphore, #tpu.memory_space<semaphore_mem>>) src(%arg11 : memref<80x128xf32, #tpu.memory_space<vmem>>) dst(%dma_wait3A_109 : memref<80x128xf32, #tpu.memory_space<vmem_shared>>)
    %mul3A_110 = arith.constant 640 : i32
    %mul3A_111 = arith.muli %arg1, %mul3A_110 : i32
    %dma_wait3A_112 = arith.constant 0 : i32
    %dma_wait3A_113 = tpu.memref_slice %arg13[%mul3A_111, %dma_wait3A_112] : memref<10240x128xf32, #tpu.memory_space<vmem_shared>> -> memref<80x128xf32, #tpu.memory_space<vmem_shared>>
    %dma_wait3A_114 = arith.constant 0 : i32
    %dma_wait3A_115 = tpu.memref_slice %arg13[%mul3A_111, %dma_wait3A_114] : memref<10240x128xf32, #tpu.memory_space<vmem_shared>> -> memref<80x128xf32, #tpu.memory_space<vmem_shared>>
    tpu.wait_dma2 semaphore(%arg14 : memref<!tpu.dma_semaphore, #tpu.memory_space<semaphore_mem>>) src(%arg11 : memref<80x128xf32, #tpu.memory_space<vmem>>) dst(%dma_wait3A_115 : memref<80x128xf32, #tpu.memory_space<vmem_shared>>)
    %barrier3A = arith.constant 0 : index
    tpu.barrier barrier_id(%barrier3A)
    %run_scoped3A = arith.constant 0 : i32
    "tpu.region"() ({
      %run_scoped3A_374 = tpu.sem_alloc : memref<!tpu.dma_semaphore, #tpu.memory_space<semaphore_mem>>
      %dma_start3A_375 = arith.constant 0 : i32
      %dma_start3A_376 = arith.constant 0 : i32
      %dma_start3A_377 = tpu.memref_slice %arg3[%add3A, %run_scoped3A, %dma_start3A_375, %dma_start3A_376] : memref<32x5x25x80xi32, #tpu.memory_space<hbm>> -> memref<1x1x25x80xi32, #tpu.memory_space<hbm>>
      %dma_start3A_378 = tpu.memref_squeeze %dma_start3A_377 : memref<1x1x25x80xi32, #tpu.memory_space<hbm>> -> memref<25x80xi32, #tpu.memory_space<hbm>>
      %dma_start3A_379 = arith.constant 0 : i32
      %dma_start3A_380 = arith.constant 0 : i32
      %dma_start3A_381 = tpu.memref_slice %arg3[%add3A, %run_scoped3A, %dma_start3A_379, %dma_start3A_380] : memref<32x5x25x80xi32, #tpu.memory_space<hbm>> -> memref<1x1x25x80xi32, #tpu.memory_space<hbm>>
      %dma_start3A_382 = tpu.memref_squeeze %dma_start3A_381 : memref<1x1x25x80xi32, #tpu.memory_space<hbm>> -> memref<25x80xi32, #tpu.memory_space<hbm>>
      tpu.enqueue_dma source(%dma_start3A_382 : memref<25x80xi32, #tpu.memory_space<hbm>>) target(%arg7 : memref<25x80xi32, #tpu.memory_space<vmem>>) target_semaphore(%run_scoped3A_374 : memref<!tpu.dma_semaphore, #tpu.memory_space<semaphore_mem>>)
      %dma_wait3A_383 = arith.constant 0 : i32
      %dma_wait3A_384 = arith.constant 0 : i32
      %dma_wait3A_385 = tpu.memref_slice %arg3[%add3A, %run_scoped3A, %dma_wait3A_383, %dma_wait3A_384] : memref<32x5x25x80xi32, #tpu.memory_space<hbm>> -> memref<1x1x25x80xi32, #tpu.memory_space<hbm>>
      %dma_wait3A_386 = tpu.memref_squeeze %dma_wait3A_385 : memref<1x1x25x80xi32, #tpu.memory_space<hbm>> -> memref<25x80xi32, #tpu.memory_space<hbm>>
      %dma_wait3A_387 = arith.constant 0 : i32
      %dma_wait3A_388 = arith.constant 0 : i32
      %dma_wait3A_389 = tpu.memref_slice %arg3[%add3A, %run_scoped3A, %dma_wait3A_387, %dma_wait3A_388] : memref<32x5x25x80xi32, #tpu.memory_space<hbm>> -> memref<1x1x25x80xi32, #tpu.memory_space<hbm>>
      %dma_wait3A_390 = tpu.memref_squeeze %dma_wait3A_389 : memref<1x1x25x80xi32, #tpu.memory_space<hbm>> -> memref<25x80xi32, #tpu.memory_space<hbm>>
      tpu.wait_dma2 semaphore(%run_scoped3A_374 : memref<!tpu.dma_semaphore, #tpu.memory_space<semaphore_mem>>) src(%dma_wait3A_390 : memref<25x80xi32, #tpu.memory_space<hbm>>) dst(%arg7 : memref<25x80xi32, #tpu.memory_space<vmem>>)
      tpu.yield
    }) : () -> ()
    %run_scoped3A_116 = arith.constant 0 : i32
    "tpu.region"() ({
      %run_scoped3A_374 = tpu.sem_alloc : memref<!tpu.dma_semaphore, #tpu.memory_space<semaphore_mem>>
      %dma_start3A_375 = arith.constant 0 : i32
      %dma_start3A_376 = arith.constant 0 : i32
      %dma_start3A_377 = tpu.memref_slice %arg4[%add3A, %run_scoped3A_116, %dma_start3A_375, %dma_start3A_376] : memref<32x5x25x80xi32, #tpu.memory_space<hbm>> -> memref<1x1x25x80xi32, #tpu.memory_space<hbm>>
      %dma_start3A_378 = tpu.memref_squeeze %dma_start3A_377 : memref<1x1x25x80xi32, #tpu.memory_space<hbm>> -> memref<25x80xi32, #tpu.memory_space<hbm>>
      %dma_start3A_379 = arith.constant 0 : i32
      %dma_start3A_380 = arith.constant 0 : i32
      %dma_start3A_381 = tpu.memref_slice %arg4[%add3A, %run_scoped3A_116, %dma_start3A_379, %dma_start3A_380] : memref<32x5x25x80xi32, #tpu.memory_space<hbm>> -> memref<1x1x25x80xi32, #tpu.memory_space<hbm>>
      %dma_start3A_382 = tpu.memref_squeeze %dma_start3A_381 : memref<1x1x25x80xi32, #tpu.memory_space<hbm>> -> memref<25x80xi32, #tpu.memory_space<hbm>>
      tpu.enqueue_dma source(%dma_start3A_382 : memref<25x80xi32, #tpu.memory_space<hbm>>) target(%arg8 : memref<25x80xi32, #tpu.memory_space<vmem>>) target_semaphore(%run_scoped3A_374 : memref<!tpu.dma_semaphore, #tpu.memory_space<semaphore_mem>>)
      %dma_wait3A_383 = arith.constant 0 : i32
      %dma_wait3A_384 = arith.constant 0 : i32
      %dma_wait3A_385 = tpu.memref_slice %arg4[%add3A, %run_scoped3A_116, %dma_wait3A_383, %dma_wait3A_384] : memref<32x5x25x80xi32, #tpu.memory_space<hbm>> -> memref<1x1x25x80xi32, #tpu.memory_space<hbm>>
      %dma_wait3A_386 = tpu.memref_squeeze %dma_wait3A_385 : memref<1x1x25x80xi32, #tpu.memory_space<hbm>> -> memref<25x80xi32, #tpu.memory_space<hbm>>
      %dma_wait3A_387 = arith.constant 0 : i32
      %dma_wait3A_388 = arith.constant 0 : i32
      %dma_wait3A_389 = tpu.memref_slice %arg4[%add3A, %run_scoped3A_116, %dma_wait3A_387, %dma_wait3A_388] : memref<32x5x25x80xi32, #tpu.memory_space<hbm>> -> memref<1x1x25x80xi32, #tpu.memory_space<hbm>>
      %dma_wait3A_390 = tpu.memref_squeeze %dma_wait3A_389 : memref<1x1x25x80xi32, #tpu.memory_space<hbm>> -> memref<25x80xi32, #tpu.memory_space<hbm>>
      tpu.wait_dma2 semaphore(%run_scoped3A_374 : memref<!tpu.dma_semaphore, #tpu.memory_space<semaphore_mem>>) src(%dma_wait3A_390 : memref<25x80xi32, #tpu.memory_space<hbm>>) dst(%arg8 : memref<25x80xi32, #tpu.memory_space<vmem>>)
      tpu.yield
    }) : () -> ()
    %dma_start3A_117 = arith.constant 0 : i32
    %dma_start3A_118 = arith.constant 0 : i32
    %dma_start3A_119 = tpu.memref_slice %arg7[%dma_start3A_117, %dma_start3A_118] : memref<25x80xi32, #tpu.memory_space<vmem>> -> memref<1x80xi32, #tpu.memory_space<vmem>>
    %dma_start3A_120 = tpu.memref_squeeze %dma_start3A_119 : memref<1x80xi32, #tpu.memory_space<vmem>> -> memref<80xi32, #tpu.memory_space<vmem>>
    %dma_start3A_121 = arith.constant 0 : i32
    %dma_start3A_122 = arith.constant 0 : i32
    %dma_start3A_123 = tpu.memref_slice %arg2[%dma_start3A_121, %dma_start3A_122] : memref<10240x128xf32, #tpu.memory_space<hbm>> -> memref<10240x128xf32, #tpu.memory_space<hbm>>
    tpu.enqueue_indirect_dma source(%dma_start3A_123 : memref<10240x128xf32, #tpu.memory_space<hbm>>) target(%arg11 : memref<80x128xf32, #tpu.memory_space<vmem>>) offsets(%dma_start3A_120 : memref<80xi32, #tpu.memory_space<vmem>>) semaphore(%arg14 : memref<!tpu.dma_semaphore, #tpu.memory_space<semaphore_mem>>)
    %dma_start3A_124 = arith.constant 1 : i32
    %dma_start3A_125 = arith.constant 0 : i32
    %dma_start3A_126 = arith.constant 0 : i32
    %dma_start3A_127 = tpu.memref_slice %arg3[%add3A, %dma_start3A_124, %dma_start3A_125, %dma_start3A_126] : memref<32x5x25x80xi32, #tpu.memory_space<hbm>> -> memref<1x1x25x80xi32, #tpu.memory_space<hbm>>
    %dma_start3A_128 = tpu.memref_squeeze %dma_start3A_127 : memref<1x1x25x80xi32, #tpu.memory_space<hbm>> -> memref<25x80xi32, #tpu.memory_space<hbm>>
    %dma_start3A_129 = arith.constant 0 : i32
    %dma_start3A_130 = arith.constant 0 : i32
    %dma_start3A_131 = tpu.memref_slice %arg3[%add3A, %dma_start3A_124, %dma_start3A_129, %dma_start3A_130] : memref<32x5x25x80xi32, #tpu.memory_space<hbm>> -> memref<1x1x25x80xi32, #tpu.memory_space<hbm>>
    %dma_start3A_132 = tpu.memref_squeeze %dma_start3A_131 : memref<1x1x25x80xi32, #tpu.memory_space<hbm>> -> memref<25x80xi32, #tpu.memory_space<hbm>>
    tpu.enqueue_dma source(%dma_start3A_132 : memref<25x80xi32, #tpu.memory_space<hbm>>) target(%arg9 : memref<25x80xi32, #tpu.memory_space<vmem>>) target_semaphore(%arg16 : memref<!tpu.dma_semaphore, #tpu.memory_space<semaphore_mem>>)
    %dma_start3A_133 = arith.constant 1 : i32
    %dma_start3A_134 = arith.constant 0 : i32
    %dma_start3A_135 = arith.constant 0 : i32
    %dma_start3A_136 = tpu.memref_slice %arg4[%add3A, %dma_start3A_133, %dma_start3A_134, %dma_start3A_135] : memref<32x5x25x80xi32, #tpu.memory_space<hbm>> -> memref<1x1x25x80xi32, #tpu.memory_space<hbm>>
    %dma_start3A_137 = tpu.memref_squeeze %dma_start3A_136 : memref<1x1x25x80xi32, #tpu.memory_space<hbm>> -> memref<25x80xi32, #tpu.memory_space<hbm>>
    %dma_start3A_138 = arith.constant 0 : i32
    %dma_start3A_139 = arith.constant 0 : i32
    %dma_start3A_140 = tpu.memref_slice %arg4[%add3A, %dma_start3A_133, %dma_start3A_138, %dma_start3A_139] : memref<32x5x25x80xi32, #tpu.memory_space<hbm>> -> memref<1x1x25x80xi32, #tpu.memory_space<hbm>>
    %dma_start3A_141 = tpu.memref_squeeze %dma_start3A_140 : memref<1x1x25x80xi32, #tpu.memory_space<hbm>> -> memref<25x80xi32, #tpu.memory_space<hbm>>
    tpu.enqueue_dma source(%dma_start3A_141 : memref<25x80xi32, #tpu.memory_space<hbm>>) target(%arg10 : memref<25x80xi32, #tpu.memory_space<vmem>>) target_semaphore(%arg16 : memref<!tpu.dma_semaphore, #tpu.memory_space<semaphore_mem>>)
    %scan3A_142 = arith.constant 0 : i32
    %scan3A_143 = arith.constant 0 : i32
    %scan3A_144 = arith.constant 12 : i32
    %scan3A_145 = arith.addi %scan3A_143, %scan3A_144 : i32
    %scan3A_146 = arith.constant 1 : i32
    scf.for %scan3A_374 = %scan3A_143 to %scan3A_145 step %scan3A_146  : i32 {
      %mul3A_375 = arith.constant 2 : i32
      %mul3A_376 = arith.muli %mul3A_375, %scan3A_374 : i32
      %dma_wait3A_377 = arith.constant 0 : i32
      %dma_wait3A_378 = tpu.memref_slice %arg7[%mul3A_376, %dma_wait3A_377] : memref<25x80xi32, #tpu.memory_space<vmem>> -> memref<1x80xi32, #tpu.memory_space<vmem>>
      %dma_wait3A_379 = tpu.memref_squeeze %dma_wait3A_378 : memref<1x80xi32, #tpu.memory_space<vmem>> -> memref<80xi32, #tpu.memory_space<vmem>>
      %dma_wait3A_380 = arith.constant 0 : i32
      %dma_wait3A_381 = arith.constant 0 : i32
      %dma_wait3A_382 = tpu.memref_slice %arg2[%dma_wait3A_380, %dma_wait3A_381] : memref<10240x128xf32, #tpu.memory_space<hbm>> -> memref<10240x128xf32, #tpu.memory_space<hbm>>
      tpu.wait_indirect_dma semaphore(%arg14 : memref<!tpu.dma_semaphore, #tpu.memory_space<semaphore_mem>>) src(%dma_wait3A_382 : memref<10240x128xf32, #tpu.memory_space<hbm>>) dst(%arg11 : memref<80x128xf32, #tpu.memory_space<vmem>>)
      %add3A_383 = arith.constant 1 : i32
      %add3A_384 = arith.addi %mul3A_376, %add3A_383 : i32
      %dma_start3A_385 = arith.constant 0 : i32
      %dma_start3A_386 = tpu.memref_slice %arg7[%add3A_384, %dma_start3A_385] : memref<25x80xi32, #tpu.memory_space<vmem>> -> memref<1x80xi32, #tpu.memory_space<vmem>>
      %dma_start3A_387 = tpu.memref_squeeze %dma_start3A_386 : memref<1x80xi32, #tpu.memory_space<vmem>> -> memref<80xi32, #tpu.memory_space<vmem>>
      %dma_start3A_388 = arith.constant 0 : i32
      %dma_start3A_389 = arith.constant 0 : i32
      %dma_start3A_390 = tpu.memref_slice %arg2[%dma_start3A_388, %dma_start3A_389] : memref<10240x128xf32, #tpu.memory_space<hbm>> -> memref<10240x128xf32, #tpu.memory_space<hbm>>
      tpu.enqueue_indirect_dma source(%dma_start3A_390 : memref<10240x128xf32, #tpu.memory_space<hbm>>) target(%arg12 : memref<80x128xf32, #tpu.memory_space<vmem>>) offsets(%dma_start3A_387 : memref<80xi32, #tpu.memory_space<vmem>>) semaphore(%arg15 : memref<!tpu.dma_semaphore, #tpu.memory_space<semaphore_mem>>)
      "tpu.region"() ({
        %run_scoped3A_409 = tpu.sem_alloc : memref<!tpu.dma_semaphore, #tpu.memory_space<semaphore_mem>>
        %dma_start3A_410 = arith.constant 0 : i32
        %dma_start3A_411 = tpu.memref_slice %arg8[%mul3A_376, %dma_start3A_410] : memref<25x80xi32, #tpu.memory_space<vmem>> -> memref<1x80xi32, #tpu.memory_space<vmem>>
        %dma_start3A_412 = tpu.memref_squeeze %dma_start3A_411 : memref<1x80xi32, #tpu.memory_space<vmem>> -> memref<80xi32, #tpu.memory_space<vmem>>
        %dma_start3A_413 = arith.constant 0 : i32
        %dma_start3A_414 = arith.constant 0 : i32
        %dma_start3A_415 = tpu.memref_slice %arg13[%dma_start3A_413, %dma_start3A_414] : memref<10240x128xf32, #tpu.memory_space<vmem_shared>> -> memref<10240x128xf32, #tpu.memory_space<vmem_shared>>
        tpu.enqueue_indirect_dma source(%arg11 : memref<80x128xf32, #tpu.memory_space<vmem>>) target(%dma_start3A_415 : memref<10240x128xf32, #tpu.memory_space<vmem_shared>>) offsets(%dma_start3A_412 : memref<80xi32, #tpu.memory_space<vmem>>) semaphore(%run_scoped3A_409 : memref<!tpu.dma_semaphore, #tpu.memory_space<semaphore_mem>>) {add = true}
        %dma_wait3A_416 = arith.constant 0 : i32
        %dma_wait3A_417 = tpu.memref_slice %arg8[%mul3A_376, %dma_wait3A_416] : memref<25x80xi32, #tpu.memory_space<vmem>> -> memref<1x80xi32, #tpu.memory_space<vmem>>
        %dma_wait3A_418 = tpu.memref_squeeze %dma_wait3A_417 : memref<1x80xi32, #tpu.memory_space<vmem>> -> memref<80xi32, #tpu.memory_space<vmem>>
        %dma_wait3A_419 = arith.constant 0 : i32
        %dma_wait3A_420 = arith.constant 0 : i32
        %dma_wait3A_421 = tpu.memref_slice %arg13[%dma_wait3A_419, %dma_wait3A_420] : memref<10240x128xf32, #tpu.memory_space<vmem_shared>> -> memref<10240x128xf32, #tpu.memory_space<vmem_shared>>
        tpu.wait_indirect_dma semaphore(%run_scoped3A_409 : memref<!tpu.dma_semaphore, #tpu.memory_space<semaphore_mem>>) src(%arg11 : memref<80x128xf32, #tpu.memory_space<vmem>>) dst(%dma_wait3A_421 : memref<10240x128xf32, #tpu.memory_space<vmem_shared>>)
        tpu.yield
      }) : () -> ()
      %add3A_391 = arith.constant 1 : i32
      %add3A_392 = arith.addi %mul3A_376, %add3A_391 : i32
      %dma_wait3A_393 = arith.constant 0 : i32
      %dma_wait3A_394 = tpu.memref_slice %arg7[%add3A_392, %dma_wait3A_393] : memref<25x80xi32, #tpu.memory_space<vmem>> -> memref<1x80xi32, #tpu.memory_space<vmem>>
      %dma_wait3A_395 = tpu.memref_squeeze %dma_wait3A_394 : memref<1x80xi32, #tpu.memory_space<vmem>> -> memref<80xi32, #tpu.memory_space<vmem>>
      %dma_wait3A_396 = arith.constant 0 : i32
      %dma_wait3A_397 = arith.constant 0 : i32
      %dma_wait3A_398 = tpu.memref_slice %arg2[%dma_wait3A_396, %dma_wait3A_397] : memref<10240x128xf32, #tpu.memory_space<hbm>> -> memref<10240x128xf32, #tpu.memory_space<hbm>>
      tpu.wait_indirect_dma semaphore(%arg15 : memref<!tpu.dma_semaphore, #tpu.memory_space<semaphore_mem>>) src(%dma_wait3A_398 : memref<10240x128xf32, #tpu.memory_space<hbm>>) dst(%arg12 : memref<80x128xf32, #tpu.memory_space<vmem>>)
      %add3A_399 = arith.constant 2 : i32
      %add3A_400 = arith.addi %mul3A_376, %add3A_399 : i32
      %dma_start3A_401 = arith.constant 0 : i32
      %dma_start3A_402 = tpu.memref_slice %arg7[%add3A_400, %dma_start3A_401] : memref<25x80xi32, #tpu.memory_space<vmem>> -> memref<1x80xi32, #tpu.memory_space<vmem>>
      %dma_start3A_403 = tpu.memref_squeeze %dma_start3A_402 : memref<1x80xi32, #tpu.memory_space<vmem>> -> memref<80xi32, #tpu.memory_space<vmem>>
      %dma_start3A_404 = arith.constant 0 : i32
      %dma_start3A_405 = arith.constant 0 : i32
      %dma_start3A_406 = tpu.memref_slice %arg2[%dma_start3A_404, %dma_start3A_405] : memref<10240x128xf32, #tpu.memory_space<hbm>> -> memref<10240x128xf32, #tpu.memory_space<hbm>>
      tpu.enqueue_indirect_dma source(%dma_start3A_406 : memref<10240x128xf32, #tpu.memory_space<hbm>>) target(%arg11 : memref<80x128xf32, #tpu.memory_space<vmem>>) offsets(%dma_start3A_403 : memref<80xi32, #tpu.memory_space<vmem>>) semaphore(%arg14 : memref<!tpu.dma_semaphore, #tpu.memory_space<semaphore_mem>>)
      %add3A_407 = arith.constant 1 : i32
      %add3A_408 = arith.addi %mul3A_376, %add3A_407 : i32
      "tpu.region"() ({
        %run_scoped3A_409 = tpu.sem_alloc : memref<!tpu.dma_semaphore, #tpu.memory_space<semaphore_mem>>
        %dma_start3A_410 = arith.constant 0 : i32
        %dma_start3A_411 = tpu.memref_slice %arg8[%add3A_408, %dma_start3A_410] : memref<25x80xi32, #tpu.memory_space<vmem>> -> memref<1x80xi32, #tpu.memory_space<vmem>>
        %dma_start3A_412 = tpu.memref_squeeze %dma_start3A_411 : memref<1x80xi32, #tpu.memory_space<vmem>> -> memref<80xi32, #tpu.memory_space<vmem>>
        %dma_start3A_413 = arith.constant 0 : i32
        %dma_start3A_414 = arith.constant 0 : i32
        %dma_start3A_415 = tpu.memref_slice %arg13[%dma_start3A_413, %dma_start3A_414] : memref<10240x128xf32, #tpu.memory_space<vmem_shared>> -> memref<10240x128xf32, #tpu.memory_space<vmem_shared>>
        tpu.enqueue_indirect_dma source(%arg12 : memref<80x128xf32, #tpu.memory_space<vmem>>) target(%dma_start3A_415 : memref<10240x128xf32, #tpu.memory_space<vmem_shared>>) offsets(%dma_start3A_412 : memref<80xi32, #tpu.memory_space<vmem>>) semaphore(%run_scoped3A_409 : memref<!tpu.dma_semaphore, #tpu.memory_space<semaphore_mem>>) {add = true}
        %dma_wait3A_416 = arith.constant 0 : i32
        %dma_wait3A_417 = tpu.memref_slice %arg8[%add3A_408, %dma_wait3A_416] : memref<25x80xi32, #tpu.memory_space<vmem>> -> memref<1x80xi32, #tpu.memory_space<vmem>>
        %dma_wait3A_418 = tpu.memref_squeeze %dma_wait3A_417 : memref<1x80xi32, #tpu.memory_space<vmem>> -> memref<80xi32, #tpu.memory_space<vmem>>
        %dma_wait3A_419 = arith.constant 0 : i32
        %dma_wait3A_420 = arith.constant 0 : i32
        %dma_wait3A_421 = tpu.memref_slice %arg13[%dma_wait3A_419, %dma_wait3A_420] : memref<10240x128xf32, #tpu.memory_space<vmem_shared>> -> memref<10240x128xf32, #tpu.memory_space<vmem_shared>>
        tpu.wait_indirect_dma semaphore(%run_scoped3A_409 : memref<!tpu.dma_semaphore, #tpu.memory_space<semaphore_mem>>) src(%arg12 : memref<80x128xf32, #tpu.memory_space<vmem>>) dst(%dma_wait3A_421 : memref<10240x128xf32, #tpu.memory_space<vmem_shared>>)
        tpu.yield
      }) : () -> ()
    }
    %scan3A_147 = arith.constant 12 : i32
    %dma_wait3A_148 = arith.constant 24 : i32
    %dma_wait3A_149 = arith.constant 0 : i32
    %dma_wait3A_150 = tpu.memref_slice %arg7[%dma_wait3A_148, %dma_wait3A_149] : memref<25x80xi32, #tpu.memory_space<vmem>> -> memref<1x80xi32, #tpu.memory_space<vmem>>
    %dma_wait3A_151 = tpu.memref_squeeze %dma_wait3A_150 : memref<1x80xi32, #tpu.memory_space<vmem>> -> memref<80xi32, #tpu.memory_space<vmem>>
    %dma_wait3A_152 = arith.constant 0 : i32
    %dma_wait3A_153 = arith.constant 0 : i32
    %dma_wait3A_154 = tpu.memref_slice %arg2[%dma_wait3A_152, %dma_wait3A_153] : memref<10240x128xf32, #tpu.memory_space<hbm>> -> memref<10240x128xf32, #tpu.memory_space<hbm>>
    tpu.wait_indirect_dma semaphore(%arg14 : memref<!tpu.dma_semaphore, #tpu.memory_space<semaphore_mem>>) src(%dma_wait3A_154 : memref<10240x128xf32, #tpu.memory_space<hbm>>) dst(%arg11 : memref<80x128xf32, #tpu.memory_space<vmem>>)
    %dma_wait3A_155 = arith.constant 1 : i32
    %dma_wait3A_156 = arith.constant 0 : i32
    %dma_wait3A_157 = arith.constant 0 : i32
    %dma_wait3A_158 = tpu.memref_slice %arg3[%add3A, %dma_wait3A_155, %dma_wait3A_156, %dma_wait3A_157] : memref<32x5x25x80xi32, #tpu.memory_space<hbm>> -> memref<1x1x25x80xi32, #tpu.memory_space<hbm>>
    %dma_wait3A_159 = tpu.memref_squeeze %dma_wait3A_158 : memref<1x1x25x80xi32, #tpu.memory_space<hbm>> -> memref<25x80xi32, #tpu.memory_space<hbm>>
    %dma_wait3A_160 = arith.constant 0 : i32
    %dma_wait3A_161 = arith.constant 0 : i32
    %dma_wait3A_162 = tpu.memref_slice %arg3[%add3A, %dma_wait3A_155, %dma_wait3A_160, %dma_wait3A_161] : memref<32x5x25x80xi32, #tpu.memory_space<hbm>> -> memref<1x1x25x80xi32, #tpu.memory_space<hbm>>
    %dma_wait3A_163 = tpu.memref_squeeze %dma_wait3A_162 : memref<1x1x25x80xi32, #tpu.memory_space<hbm>> -> memref<25x80xi32, #tpu.memory_space<hbm>>
    tpu.wait_dma2 semaphore(%arg16 : memref<!tpu.dma_semaphore, #tpu.memory_space<semaphore_mem>>) src(%dma_wait3A_163 : memref<25x80xi32, #tpu.memory_space<hbm>>) dst(%arg9 : memref<25x80xi32, #tpu.memory_space<vmem>>)
    %dma_wait3A_164 = arith.constant 1 : i32
    %dma_wait3A_165 = arith.constant 0 : i32
    %dma_wait3A_166 = arith.constant 0 : i32
    %dma_wait3A_167 = tpu.memref_slice %arg4[%add3A, %dma_wait3A_164, %dma_wait3A_165, %dma_wait3A_166] : memref<32x5x25x80xi32, #tpu.memory_space<hbm>> -> memref<1x1x25x80xi32, #tpu.memory_space<hbm>>
    %dma_wait3A_168 = tpu.memref_squeeze %dma_wait3A_167 : memref<1x1x25x80xi32, #tpu.memory_space<hbm>> -> memref<25x80xi32, #tpu.memory_space<hbm>>
    %dma_wait3A_169 = arith.constant 0 : i32
    %dma_wait3A_170 = arith.constant 0 : i32
    %dma_wait3A_171 = tpu.memref_slice %arg4[%add3A, %dma_wait3A_164, %dma_wait3A_169, %dma_wait3A_170] : memref<32x5x25x80xi32, #tpu.memory_space<hbm>> -> memref<1x1x25x80xi32, #tpu.memory_space<hbm>>
    %dma_wait3A_172 = tpu.memref_squeeze %dma_wait3A_171 : memref<1x1x25x80xi32, #tpu.memory_space<hbm>> -> memref<25x80xi32, #tpu.memory_space<hbm>>
    tpu.wait_dma2 semaphore(%arg16 : memref<!tpu.dma_semaphore, #tpu.memory_space<semaphore_mem>>) src(%dma_wait3A_172 : memref<25x80xi32, #tpu.memory_space<hbm>>) dst(%arg10 : memref<25x80xi32, #tpu.memory_space<vmem>>)
    %dma_start3A_173 = arith.constant 0 : i32
    %dma_start3A_174 = arith.constant 0 : i32
    %dma_start3A_175 = tpu.memref_slice %arg9[%dma_start3A_173, %dma_start3A_174] : memref<25x80xi32, #tpu.memory_space<vmem>> -> memref<1x80xi32, #tpu.memory_space<vmem>>
    %dma_start3A_176 = tpu.memref_squeeze %dma_start3A_175 : memref<1x80xi32, #tpu.memory_space<vmem>> -> memref<80xi32, #tpu.memory_space<vmem>>
    %dma_start3A_177 = arith.constant 0 : i32
    %dma_start3A_178 = arith.constant 0 : i32
    %dma_start3A_179 = tpu.memref_slice %arg2[%dma_start3A_177, %dma_start3A_178] : memref<10240x128xf32, #tpu.memory_space<hbm>> -> memref<10240x128xf32, #tpu.memory_space<hbm>>
    tpu.enqueue_indirect_dma source(%dma_start3A_179 : memref<10240x128xf32, #tpu.memory_space<hbm>>) target(%arg12 : memref<80x128xf32, #tpu.memory_space<vmem>>) offsets(%dma_start3A_176 : memref<80xi32, #tpu.memory_space<vmem>>) semaphore(%arg15 : memref<!tpu.dma_semaphore, #tpu.memory_space<semaphore_mem>>)
    %run_scoped3A_180 = arith.constant 24 : i32
    "tpu.region"() ({
      %run_scoped3A_374 = tpu.sem_alloc : memref<!tpu.dma_semaphore, #tpu.memory_space<semaphore_mem>>
      %dma_start3A_375 = arith.constant 0 : i32
      %dma_start3A_376 = tpu.memref_slice %arg8[%run_scoped3A_180, %dma_start3A_375] : memref<25x80xi32, #tpu.memory_space<vmem>> -> memref<1x80xi32, #tpu.memory_space<vmem>>
      %dma_start3A_377 = tpu.memref_squeeze %dma_start3A_376 : memref<1x80xi32, #tpu.memory_space<vmem>> -> memref<80xi32, #tpu.memory_space<vmem>>
      %dma_start3A_378 = arith.constant 0 : i32
      %dma_start3A_379 = arith.constant 0 : i32
      %dma_start3A_380 = tpu.memref_slice %arg13[%dma_start3A_378, %dma_start3A_379] : memref<10240x128xf32, #tpu.memory_space<vmem_shared>> -> memref<10240x128xf32, #tpu.memory_space<vmem_shared>>
      tpu.enqueue_indirect_dma source(%arg11 : memref<80x128xf32, #tpu.memory_space<vmem>>) target(%dma_start3A_380 : memref<10240x128xf32, #tpu.memory_space<vmem_shared>>) offsets(%dma_start3A_377 : memref<80xi32, #tpu.memory_space<vmem>>) semaphore(%run_scoped3A_374 : memref<!tpu.dma_semaphore, #tpu.memory_space<semaphore_mem>>) {add = true}
      %dma_wait3A_381 = arith.constant 0 : i32
      %dma_wait3A_382 = tpu.memref_slice %arg8[%run_scoped3A_180, %dma_wait3A_381] : memref<25x80xi32, #tpu.memory_space<vmem>> -> memref<1x80xi32, #tpu.memory_space<vmem>>
      %dma_wait3A_383 = tpu.memref_squeeze %dma_wait3A_382 : memref<1x80xi32, #tpu.memory_space<vmem>> -> memref<80xi32, #tpu.memory_space<vmem>>
      %dma_wait3A_384 = arith.constant 0 : i32
      %dma_wait3A_385 = arith.constant 0 : i32
      %dma_wait3A_386 = tpu.memref_slice %arg13[%dma_wait3A_384, %dma_wait3A_385] : memref<10240x128xf32, #tpu.memory_space<vmem_shared>> -> memref<10240x128xf32, #tpu.memory_space<vmem_shared>>
      tpu.wait_indirect_dma semaphore(%run_scoped3A_374 : memref<!tpu.dma_semaphore, #tpu.memory_space<semaphore_mem>>) src(%arg11 : memref<80x128xf32, #tpu.memory_space<vmem>>) dst(%dma_wait3A_386 : memref<10240x128xf32, #tpu.memory_space<vmem_shared>>)
      tpu.yield
    }) : () -> ()
    %dma_start3A_181 = arith.constant 2 : i32
    %dma_start3A_182 = arith.constant 0 : i32
    %dma_start3A_183 = arith.constant 0 : i32
    %dma_start3A_184 = tpu.memref_slice %arg3[%add3A, %dma_start3A_181, %dma_start3A_182, %dma_start3A_183] : memref<32x5x25x80xi32, #tpu.memory_space<hbm>> -> memref<1x1x25x80xi32, #tpu.memory_space<hbm>>
    %dma_start3A_185 = tpu.memref_squeeze %dma_start3A_184 : memref<1x1x25x80xi32, #tpu.memory_space<hbm>> -> memref<25x80xi32, #tpu.memory_space<hbm>>
    %dma_start3A_186 = arith.constant 0 : i32
    %dma_start3A_187 = arith.constant 0 : i32
    %dma_start3A_188 = tpu.memref_slice %arg3[%add3A, %dma_start3A_181, %dma_start3A_186, %dma_start3A_187] : memref<32x5x25x80xi32, #tpu.memory_space<hbm>> -> memref<1x1x25x80xi32, #tpu.memory_space<hbm>>
    %dma_start3A_189 = tpu.memref_squeeze %dma_start3A_188 : memref<1x1x25x80xi32, #tpu.memory_space<hbm>> -> memref<25x80xi32, #tpu.memory_space<hbm>>
    tpu.enqueue_dma source(%dma_start3A_189 : memref<25x80xi32, #tpu.memory_space<hbm>>) target(%arg7 : memref<25x80xi32, #tpu.memory_space<vmem>>) target_semaphore(%arg16 : memref<!tpu.dma_semaphore, #tpu.memory_space<semaphore_mem>>)
    %dma_start3A_190 = arith.constant 2 : i32
    %dma_start3A_191 = arith.constant 0 : i32
    %dma_start3A_192 = arith.constant 0 : i32
    %dma_start3A_193 = tpu.memref_slice %arg4[%add3A, %dma_start3A_190, %dma_start3A_191, %dma_start3A_192] : memref<32x5x25x80xi32, #tpu.memory_space<hbm>> -> memref<1x1x25x80xi32, #tpu.memory_space<hbm>>
    %dma_start3A_194 = tpu.memref_squeeze %dma_start3A_193 : memref<1x1x25x80xi32, #tpu.memory_space<hbm>> -> memref<25x80xi32, #tpu.memory_space<hbm>>
    %dma_start3A_195 = arith.constant 0 : i32
    %dma_start3A_196 = arith.constant 0 : i32
    %dma_start3A_197 = tpu.memref_slice %arg4[%add3A, %dma_start3A_190, %dma_start3A_195, %dma_start3A_196] : memref<32x5x25x80xi32, #tpu.memory_space<hbm>> -> memref<1x1x25x80xi32, #tpu.memory_space<hbm>>
    %dma_start3A_198 = tpu.memref_squeeze %dma_start3A_197 : memref<1x1x25x80xi32, #tpu.memory_space<hbm>> -> memref<25x80xi32, #tpu.memory_space<hbm>>
    tpu.enqueue_dma source(%dma_start3A_198 : memref<25x80xi32, #tpu.memory_space<hbm>>) target(%arg8 : memref<25x80xi32, #tpu.memory_space<vmem>>) target_semaphore(%arg16 : memref<!tpu.dma_semaphore, #tpu.memory_space<semaphore_mem>>)
    %scan3A_199 = arith.constant 0 : i32
    %scan3A_200 = arith.constant 0 : i32
    %scan3A_201 = arith.constant 12 : i32
    %scan3A_202 = arith.addi %scan3A_200, %scan3A_201 : i32
    %scan3A_203 = arith.constant 1 : i32
    scf.for %scan3A_374 = %scan3A_200 to %scan3A_202 step %scan3A_203  : i32 {
      %mul3A_375 = arith.constant 2 : i32
      %mul3A_376 = arith.muli %mul3A_375, %scan3A_374 : i32
      %dma_wait3A_377 = arith.constant 0 : i32
      %dma_wait3A_378 = tpu.memref_slice %arg9[%mul3A_376, %dma_wait3A_377] : memref<25x80xi32, #tpu.memory_space<vmem>> -> memref<1x80xi32, #tpu.memory_space<vmem>>
      %dma_wait3A_379 = tpu.memref_squeeze %dma_wait3A_378 : memref<1x80xi32, #tpu.memory_space<vmem>> -> memref<80xi32, #tpu.memory_space<vmem>>
      %dma_wait3A_380 = arith.constant 0 : i32
      %dma_wait3A_381 = arith.constant 0 : i32
      %dma_wait3A_382 = tpu.memref_slice %arg2[%dma_wait3A_380, %dma_wait3A_381] : memref<10240x128xf32, #tpu.memory_space<hbm>> -> memref<10240x128xf32, #tpu.memory_space<hbm>>
      tpu.wait_indirect_dma semaphore(%arg15 : memref<!tpu.dma_semaphore, #tpu.memory_space<semaphore_mem>>) src(%dma_wait3A_382 : memref<10240x128xf32, #tpu.memory_space<hbm>>) dst(%arg12 : memref<80x128xf32, #tpu.memory_space<vmem>>)
      %add3A_383 = arith.constant 1 : i32
      %add3A_384 = arith.addi %mul3A_376, %add3A_383 : i32
      %dma_start3A_385 = arith.constant 0 : i32
      %dma_start3A_386 = tpu.memref_slice %arg9[%add3A_384, %dma_start3A_385] : memref<25x80xi32, #tpu.memory_space<vmem>> -> memref<1x80xi32, #tpu.memory_space<vmem>>
      %dma_start3A_387 = tpu.memref_squeeze %dma_start3A_386 : memref<1x80xi32, #tpu.memory_space<vmem>> -> memref<80xi32, #tpu.memory_space<vmem>>
      %dma_start3A_388 = arith.constant 0 : i32
      %dma_start3A_389 = arith.constant 0 : i32
      %dma_start3A_390 = tpu.memref_slice %arg2[%dma_start3A_388, %dma_start3A_389] : memref<10240x128xf32, #tpu.memory_space<hbm>> -> memref<10240x128xf32, #tpu.memory_space<hbm>>
      tpu.enqueue_indirect_dma source(%dma_start3A_390 : memref<10240x128xf32, #tpu.memory_space<hbm>>) target(%arg11 : memref<80x128xf32, #tpu.memory_space<vmem>>) offsets(%dma_start3A_387 : memref<80xi32, #tpu.memory_space<vmem>>) semaphore(%arg14 : memref<!tpu.dma_semaphore, #tpu.memory_space<semaphore_mem>>)
      "tpu.region"() ({
        %run_scoped3A_409 = tpu.sem_alloc : memref<!tpu.dma_semaphore, #tpu.memory_space<semaphore_mem>>
        %dma_start3A_410 = arith.constant 0 : i32
        %dma_start3A_411 = tpu.memref_slice %arg10[%mul3A_376, %dma_start3A_410] : memref<25x80xi32, #tpu.memory_space<vmem>> -> memref<1x80xi32, #tpu.memory_space<vmem>>
        %dma_start3A_412 = tpu.memref_squeeze %dma_start3A_411 : memref<1x80xi32, #tpu.memory_space<vmem>> -> memref<80xi32, #tpu.memory_space<vmem>>
        %dma_start3A_413 = arith.constant 0 : i32
        %dma_start3A_414 = arith.constant 0 : i32
        %dma_start3A_415 = tpu.memref_slice %arg13[%dma_start3A_413, %dma_start3A_414] : memref<10240x128xf32, #tpu.memory_space<vmem_shared>> -> memref<10240x128xf32, #tpu.memory_space<vmem_shared>>
        tpu.enqueue_indirect_dma source(%arg12 : memref<80x128xf32, #tpu.memory_space<vmem>>) target(%dma_start3A_415 : memref<10240x128xf32, #tpu.memory_space<vmem_shared>>) offsets(%dma_start3A_412 : memref<80xi32, #tpu.memory_space<vmem>>) semaphore(%run_scoped3A_409 : memref<!tpu.dma_semaphore, #tpu.memory_space<semaphore_mem>>) {add = true}
        %dma_wait3A_416 = arith.constant 0 : i32
        %dma_wait3A_417 = tpu.memref_slice %arg10[%mul3A_376, %dma_wait3A_416] : memref<25x80xi32, #tpu.memory_space<vmem>> -> memref<1x80xi32, #tpu.memory_space<vmem>>
        %dma_wait3A_418 = tpu.memref_squeeze %dma_wait3A_417 : memref<1x80xi32, #tpu.memory_space<vmem>> -> memref<80xi32, #tpu.memory_space<vmem>>
        %dma_wait3A_419 = arith.constant 0 : i32
        %dma_wait3A_420 = arith.constant 0 : i32
        %dma_wait3A_421 = tpu.memref_slice %arg13[%dma_wait3A_419, %dma_wait3A_420] : memref<10240x128xf32, #tpu.memory_space<vmem_shared>> -> memref<10240x128xf32, #tpu.memory_space<vmem_shared>>
        tpu.wait_indirect_dma semaphore(%run_scoped3A_409 : memref<!tpu.dma_semaphore, #tpu.memory_space<semaphore_mem>>) src(%arg12 : memref<80x128xf32, #tpu.memory_space<vmem>>) dst(%dma_wait3A_421 : memref<10240x128xf32, #tpu.memory_space<vmem_shared>>)
        tpu.yield
      }) : () -> ()
      %add3A_391 = arith.constant 1 : i32
      %add3A_392 = arith.addi %mul3A_376, %add3A_391 : i32
      %dma_wait3A_393 = arith.constant 0 : i32
      %dma_wait3A_394 = tpu.memref_slice %arg9[%add3A_392, %dma_wait3A_393] : memref<25x80xi32, #tpu.memory_space<vmem>> -> memref<1x80xi32, #tpu.memory_space<vmem>>
      %dma_wait3A_395 = tpu.memref_squeeze %dma_wait3A_394 : memref<1x80xi32, #tpu.memory_space<vmem>> -> memref<80xi32, #tpu.memory_space<vmem>>
      %dma_wait3A_396 = arith.constant 0 : i32
      %dma_wait3A_397 = arith.constant 0 : i32
      %dma_wait3A_398 = tpu.memref_slice %arg2[%dma_wait3A_396, %dma_wait3A_397] : memref<10240x128xf32, #tpu.memory_space<hbm>> -> memref<10240x128xf32, #tpu.memory_space<hbm>>
      tpu.wait_indirect_dma semaphore(%arg14 : memref<!tpu.dma_semaphore, #tpu.memory_space<semaphore_mem>>) src(%dma_wait3A_398 : memref<10240x128xf32, #tpu.memory_space<hbm>>) dst(%arg11 : memref<80x128xf32, #tpu.memory_space<vmem>>)
      %add3A_399 = arith.constant 2 : i32
      %add3A_400 = arith.addi %mul3A_376, %add3A_399 : i32
      %dma_start3A_401 = arith.constant 0 : i32
      %dma_start3A_402 = tpu.memref_slice %arg9[%add3A_400, %dma_start3A_401] : memref<25x80xi32, #tpu.memory_space<vmem>> -> memref<1x80xi32, #tpu.memory_space<vmem>>
      %dma_start3A_403 = tpu.memref_squeeze %dma_start3A_402 : memref<1x80xi32, #tpu.memory_space<vmem>> -> memref<80xi32, #tpu.memory_space<vmem>>
      %dma_start3A_404 = arith.constant 0 : i32
      %dma_start3A_405 = arith.constant 0 : i32
      %dma_start3A_406 = tpu.memref_slice %arg2[%dma_start3A_404, %dma_start3A_405] : memref<10240x128xf32, #tpu.memory_space<hbm>> -> memref<10240x128xf32, #tpu.memory_space<hbm>>
      tpu.enqueue_indirect_dma source(%dma_start3A_406 : memref<10240x128xf32, #tpu.memory_space<hbm>>) target(%arg12 : memref<80x128xf32, #tpu.memory_space<vmem>>) offsets(%dma_start3A_403 : memref<80xi32, #tpu.memory_space<vmem>>) semaphore(%arg15 : memref<!tpu.dma_semaphore, #tpu.memory_space<semaphore_mem>>)
      %add3A_407 = arith.constant 1 : i32
      %add3A_408 = arith.addi %mul3A_376, %add3A_407 : i32
      "tpu.region"() ({
        %run_scoped3A_409 = tpu.sem_alloc : memref<!tpu.dma_semaphore, #tpu.memory_space<semaphore_mem>>
        %dma_start3A_410 = arith.constant 0 : i32
        %dma_start3A_411 = tpu.memref_slice %arg10[%add3A_408, %dma_start3A_410] : memref<25x80xi32, #tpu.memory_space<vmem>> -> memref<1x80xi32, #tpu.memory_space<vmem>>
        %dma_start3A_412 = tpu.memref_squeeze %dma_start3A_411 : memref<1x80xi32, #tpu.memory_space<vmem>> -> memref<80xi32, #tpu.memory_space<vmem>>
        %dma_start3A_413 = arith.constant 0 : i32
        %dma_start3A_414 = arith.constant 0 : i32
        %dma_start3A_415 = tpu.memref_slice %arg13[%dma_start3A_413, %dma_start3A_414] : memref<10240x128xf32, #tpu.memory_space<vmem_shared>> -> memref<10240x128xf32, #tpu.memory_space<vmem_shared>>
        tpu.enqueue_indirect_dma source(%arg11 : memref<80x128xf32, #tpu.memory_space<vmem>>) target(%dma_start3A_415 : memref<10240x128xf32, #tpu.memory_space<vmem_shared>>) offsets(%dma_start3A_412 : memref<80xi32, #tpu.memory_space<vmem>>) semaphore(%run_scoped3A_409 : memref<!tpu.dma_semaphore, #tpu.memory_space<semaphore_mem>>) {add = true}
        %dma_wait3A_416 = arith.constant 0 : i32
        %dma_wait3A_417 = tpu.memref_slice %arg10[%add3A_408, %dma_wait3A_416] : memref<25x80xi32, #tpu.memory_space<vmem>> -> memref<1x80xi32, #tpu.memory_space<vmem>>
        %dma_wait3A_418 = tpu.memref_squeeze %dma_wait3A_417 : memref<1x80xi32, #tpu.memory_space<vmem>> -> memref<80xi32, #tpu.memory_space<vmem>>
        %dma_wait3A_419 = arith.constant 0 : i32
        %dma_wait3A_420 = arith.constant 0 : i32
        %dma_wait3A_421 = tpu.memref_slice %arg13[%dma_wait3A_419, %dma_wait3A_420] : memref<10240x128xf32, #tpu.memory_space<vmem_shared>> -> memref<10240x128xf32, #tpu.memory_space<vmem_shared>>
        tpu.wait_indirect_dma semaphore(%run_scoped3A_409 : memref<!tpu.dma_semaphore, #tpu.memory_space<semaphore_mem>>) src(%arg11 : memref<80x128xf32, #tpu.memory_space<vmem>>) dst(%dma_wait3A_421 : memref<10240x128xf32, #tpu.memory_space<vmem_shared>>)
        tpu.yield
      }) : () -> ()
    }
    %scan3A_204 = arith.constant 12 : i32
    %dma_wait3A_205 = arith.constant 24 : i32
    %dma_wait3A_206 = arith.constant 0 : i32
    %dma_wait3A_207 = tpu.memref_slice %arg9[%dma_wait3A_205, %dma_wait3A_206] : memref<25x80xi32, #tpu.memory_space<vmem>> -> memref<1x80xi32, #tpu.memory_space<vmem>>
    %dma_wait3A_208 = tpu.memref_squeeze %dma_wait3A_207 : memref<1x80xi32, #tpu.memory_space<vmem>> -> memref<80xi32, #tpu.memory_space<vmem>>
    %dma_wait3A_209 = arith.constant 0 : i32
    %dma_wait3A_210 = arith.constant 0 : i32
    %dma_wait3A_211 = tpu.memref_slice %arg2[%dma_wait3A_209, %dma_wait3A_210] : memref<10240x128xf32, #tpu.memory_space<hbm>> -> memref<10240x128xf32, #tpu.memory_space<hbm>>
    tpu.wait_indirect_dma semaphore(%arg15 : memref<!tpu.dma_semaphore, #tpu.memory_space<semaphore_mem>>) src(%dma_wait3A_211 : memref<10240x128xf32, #tpu.memory_space<hbm>>) dst(%arg12 : memref<80x128xf32, #tpu.memory_space<vmem>>)
    %dma_wait3A_212 = arith.constant 2 : i32
    %dma_wait3A_213 = arith.constant 0 : i32
    %dma_wait3A_214 = arith.constant 0 : i32
    %dma_wait3A_215 = tpu.memref_slice %arg3[%add3A, %dma_wait3A_212, %dma_wait3A_213, %dma_wait3A_214] : memref<32x5x25x80xi32, #tpu.memory_space<hbm>> -> memref<1x1x25x80xi32, #tpu.memory_space<hbm>>
    %dma_wait3A_216 = tpu.memref_squeeze %dma_wait3A_215 : memref<1x1x25x80xi32, #tpu.memory_space<hbm>> -> memref<25x80xi32, #tpu.memory_space<hbm>>
    %dma_wait3A_217 = arith.constant 0 : i32
    %dma_wait3A_218 = arith.constant 0 : i32
    %dma_wait3A_219 = tpu.memref_slice %arg3[%add3A, %dma_wait3A_212, %dma_wait3A_217, %dma_wait3A_218] : memref<32x5x25x80xi32, #tpu.memory_space<hbm>> -> memref<1x1x25x80xi32, #tpu.memory_space<hbm>>
    %dma_wait3A_220 = tpu.memref_squeeze %dma_wait3A_219 : memref<1x1x25x80xi32, #tpu.memory_space<hbm>> -> memref<25x80xi32, #tpu.memory_space<hbm>>
    tpu.wait_dma2 semaphore(%arg16 : memref<!tpu.dma_semaphore, #tpu.memory_space<semaphore_mem>>) src(%dma_wait3A_220 : memref<25x80xi32, #tpu.memory_space<hbm>>) dst(%arg7 : memref<25x80xi32, #tpu.memory_space<vmem>>)
    %dma_wait3A_221 = arith.constant 2 : i32
    %dma_wait3A_222 = arith.constant 0 : i32
    %dma_wait3A_223 = arith.constant 0 : i32
    %dma_wait3A_224 = tpu.memref_slice %arg4[%add3A, %dma_wait3A_221, %dma_wait3A_222, %dma_wait3A_223] : memref<32x5x25x80xi32, #tpu.memory_space<hbm>> -> memref<1x1x25x80xi32, #tpu.memory_space<hbm>>
    %dma_wait3A_225 = tpu.memref_squeeze %dma_wait3A_224 : memref<1x1x25x80xi32, #tpu.memory_space<hbm>> -> memref<25x80xi32, #tpu.memory_space<hbm>>
    %dma_wait3A_226 = arith.constant 0 : i32
    %dma_wait3A_227 = arith.constant 0 : i32
    %dma_wait3A_228 = tpu.memref_slice %arg4[%add3A, %dma_wait3A_221, %dma_wait3A_226, %dma_wait3A_227] : memref<32x5x25x80xi32, #tpu.memory_space<hbm>> -> memref<1x1x25x80xi32, #tpu.memory_space<hbm>>
    %dma_wait3A_229 = tpu.memref_squeeze %dma_wait3A_228 : memref<1x1x25x80xi32, #tpu.memory_space<hbm>> -> memref<25x80xi32, #tpu.memory_space<hbm>>
    tpu.wait_dma2 semaphore(%arg16 : memref<!tpu.dma_semaphore, #tpu.memory_space<semaphore_mem>>) src(%dma_wait3A_229 : memref<25x80xi32, #tpu.memory_space<hbm>>) dst(%arg8 : memref<25x80xi32, #tpu.memory_space<vmem>>)
    %dma_start3A_230 = arith.constant 0 : i32
    %dma_start3A_231 = arith.constant 0 : i32
    %dma_start3A_232 = tpu.memref_slice %arg7[%dma_start3A_230, %dma_start3A_231] : memref<25x80xi32, #tpu.memory_space<vmem>> -> memref<1x80xi32, #tpu.memory_space<vmem>>
    %dma_start3A_233 = tpu.memref_squeeze %dma_start3A_232 : memref<1x80xi32, #tpu.memory_space<vmem>> -> memref<80xi32, #tpu.memory_space<vmem>>
    %dma_start3A_234 = arith.constant 0 : i32
    %dma_start3A_235 = arith.constant 0 : i32
    %dma_start3A_236 = tpu.memref_slice %arg2[%dma_start3A_234, %dma_start3A_235] : memref<10240x128xf32, #tpu.memory_space<hbm>> -> memref<10240x128xf32, #tpu.memory_space<hbm>>
    tpu.enqueue_indirect_dma source(%dma_start3A_236 : memref<10240x128xf32, #tpu.memory_space<hbm>>) target(%arg11 : memref<80x128xf32, #tpu.memory_space<vmem>>) offsets(%dma_start3A_233 : memref<80xi32, #tpu.memory_space<vmem>>) semaphore(%arg14 : memref<!tpu.dma_semaphore, #tpu.memory_space<semaphore_mem>>)
    %run_scoped3A_237 = arith.constant 24 : i32
    "tpu.region"() ({
      %run_scoped3A_374 = tpu.sem_alloc : memref<!tpu.dma_semaphore, #tpu.memory_space<semaphore_mem>>
      %dma_start3A_375 = arith.constant 0 : i32
      %dma_start3A_376 = tpu.memref_slice %arg10[%run_scoped3A_237, %dma_start3A_375] : memref<25x80xi32, #tpu.memory_space<vmem>> -> memref<1x80xi32, #tpu.memory_space<vmem>>
      %dma_start3A_377 = tpu.memref_squeeze %dma_start3A_376 : memref<1x80xi32, #tpu.memory_space<vmem>> -> memref<80xi32, #tpu.memory_space<vmem>>
      %dma_start3A_378 = arith.constant 0 : i32
      %dma_start3A_379 = arith.constant 0 : i32
      %dma_start3A_380 = tpu.memref_slice %arg13[%dma_start3A_378, %dma_start3A_379] : memref<10240x128xf32, #tpu.memory_space<vmem_shared>> -> memref<10240x128xf32, #tpu.memory_space<vmem_shared>>
      tpu.enqueue_indirect_dma source(%arg12 : memref<80x128xf32, #tpu.memory_space<vmem>>) target(%dma_start3A_380 : memref<10240x128xf32, #tpu.memory_space<vmem_shared>>) offsets(%dma_start3A_377 : memref<80xi32, #tpu.memory_space<vmem>>) semaphore(%run_scoped3A_374 : memref<!tpu.dma_semaphore, #tpu.memory_space<semaphore_mem>>) {add = true}
      %dma_wait3A_381 = arith.constant 0 : i32
      %dma_wait3A_382 = tpu.memref_slice %arg10[%run_scoped3A_237, %dma_wait3A_381] : memref<25x80xi32, #tpu.memory_space<vmem>> -> memref<1x80xi32, #tpu.memory_space<vmem>>
      %dma_wait3A_383 = tpu.memref_squeeze %dma_wait3A_382 : memref<1x80xi32, #tpu.memory_space<vmem>> -> memref<80xi32, #tpu.memory_space<vmem>>
      %dma_wait3A_384 = arith.constant 0 : i32
      %dma_wait3A_385 = arith.constant 0 : i32
      %dma_wait3A_386 = tpu.memref_slice %arg13[%dma_wait3A_384, %dma_wait3A_385] : memref<10240x128xf32, #tpu.memory_space<vmem_shared>> -> memref<10240x128xf32, #tpu.memory_space<vmem_shared>>
      tpu.wait_indirect_dma semaphore(%run_scoped3A_374 : memref<!tpu.dma_semaphore, #tpu.memory_space<semaphore_mem>>) src(%arg12 : memref<80x128xf32, #tpu.memory_space<vmem>>) dst(%dma_wait3A_386 : memref<10240x128xf32, #tpu.memory_space<vmem_shared>>)
      tpu.yield
    }) : () -> ()
    %dma_start3A_238 = arith.constant 3 : i32
    %dma_start3A_239 = arith.constant 0 : i32
    %dma_start3A_240 = arith.constant 0 : i32
    %dma_start3A_241 = tpu.memref_slice %arg3[%add3A, %dma_start3A_238, %dma_start3A_239, %dma_start3A_240] : memref<32x5x25x80xi32, #tpu.memory_space<hbm>> -> memref<1x1x25x80xi32, #tpu.memory_space<hbm>>
    %dma_start3A_242 = tpu.memref_squeeze %dma_start3A_241 : memref<1x1x25x80xi32, #tpu.memory_space<hbm>> -> memref<25x80xi32, #tpu.memory_space<hbm>>
    %dma_start3A_243 = arith.constant 0 : i32
    %dma_start3A_244 = arith.constant 0 : i32
    %dma_start3A_245 = tpu.memref_slice %arg3[%add3A, %dma_start3A_238, %dma_start3A_243, %dma_start3A_244] : memref<32x5x25x80xi32, #tpu.memory_space<hbm>> -> memref<1x1x25x80xi32, #tpu.memory_space<hbm>>
    %dma_start3A_246 = tpu.memref_squeeze %dma_start3A_245 : memref<1x1x25x80xi32, #tpu.memory_space<hbm>> -> memref<25x80xi32, #tpu.memory_space<hbm>>
    tpu.enqueue_dma source(%dma_start3A_246 : memref<25x80xi32, #tpu.memory_space<hbm>>) target(%arg9 : memref<25x80xi32, #tpu.memory_space<vmem>>) target_semaphore(%arg16 : memref<!tpu.dma_semaphore, #tpu.memory_space<semaphore_mem>>)
    %dma_start3A_247 = arith.constant 3 : i32
    %dma_start3A_248 = arith.constant 0 : i32
    %dma_start3A_249 = arith.constant 0 : i32
    %dma_start3A_250 = tpu.memref_slice %arg4[%add3A, %dma_start3A_247, %dma_start3A_248, %dma_start3A_249] : memref<32x5x25x80xi32, #tpu.memory_space<hbm>> -> memref<1x1x25x80xi32, #tpu.memory_space<hbm>>
    %dma_start3A_251 = tpu.memref_squeeze %dma_start3A_250 : memref<1x1x25x80xi32, #tpu.memory_space<hbm>> -> memref<25x80xi32, #tpu.memory_space<hbm>>
    %dma_start3A_252 = arith.constant 0 : i32
    %dma_start3A_253 = arith.constant 0 : i32
    %dma_start3A_254 = tpu.memref_slice %arg4[%add3A, %dma_start3A_247, %dma_start3A_252, %dma_start3A_253] : memref<32x5x25x80xi32, #tpu.memory_space<hbm>> -> memref<1x1x25x80xi32, #tpu.memory_space<hbm>>
    %dma_start3A_255 = tpu.memref_squeeze %dma_start3A_254 : memref<1x1x25x80xi32, #tpu.memory_space<hbm>> -> memref<25x80xi32, #tpu.memory_space<hbm>>
    tpu.enqueue_dma source(%dma_start3A_255 : memref<25x80xi32, #tpu.memory_space<hbm>>) target(%arg10 : memref<25x80xi32, #tpu.memory_space<vmem>>) target_semaphore(%arg16 : memref<!tpu.dma_semaphore, #tpu.memory_space<semaphore_mem>>)
    %scan3A_256 = arith.constant 0 : i32
    %scan3A_257 = arith.constant 0 : i32
    %scan3A_258 = arith.constant 12 : i32
    %scan3A_259 = arith.addi %scan3A_257, %scan3A_258 : i32
    %scan3A_260 = arith.constant 1 : i32
    scf.for %scan3A_374 = %scan3A_257 to %scan3A_259 step %scan3A_260  : i32 {
      %mul3A_375 = arith.constant 2 : i32
      %mul3A_376 = arith.muli %mul3A_375, %scan3A_374 : i32
      %dma_wait3A_377 = arith.constant 0 : i32
      %dma_wait3A_378 = tpu.memref_slice %arg7[%mul3A_376, %dma_wait3A_377] : memref<25x80xi32, #tpu.memory_space<vmem>> -> memref<1x80xi32, #tpu.memory_space<vmem>>
      %dma_wait3A_379 = tpu.memref_squeeze %dma_wait3A_378 : memref<1x80xi32, #tpu.memory_space<vmem>> -> memref<80xi32, #tpu.memory_space<vmem>>
      %dma_wait3A_380 = arith.constant 0 : i32
      %dma_wait3A_381 = arith.constant 0 : i32
      %dma_wait3A_382 = tpu.memref_slice %arg2[%dma_wait3A_380, %dma_wait3A_381] : memref<10240x128xf32, #tpu.memory_space<hbm>> -> memref<10240x128xf32, #tpu.memory_space<hbm>>
      tpu.wait_indirect_dma semaphore(%arg14 : memref<!tpu.dma_semaphore, #tpu.memory_space<semaphore_mem>>) src(%dma_wait3A_382 : memref<10240x128xf32, #tpu.memory_space<hbm>>) dst(%arg11 : memref<80x128xf32, #tpu.memory_space<vmem>>)
      %add3A_383 = arith.constant 1 : i32
      %add3A_384 = arith.addi %mul3A_376, %add3A_383 : i32
      %dma_start3A_385 = arith.constant 0 : i32
      %dma_start3A_386 = tpu.memref_slice %arg7[%add3A_384, %dma_start3A_385] : memref<25x80xi32, #tpu.memory_space<vmem>> -> memref<1x80xi32, #tpu.memory_space<vmem>>
      %dma_start3A_387 = tpu.memref_squeeze %dma_start3A_386 : memref<1x80xi32, #tpu.memory_space<vmem>> -> memref<80xi32, #tpu.memory_space<vmem>>
      %dma_start3A_388 = arith.constant 0 : i32
      %dma_start3A_389 = arith.constant 0 : i32
      %dma_start3A_390 = tpu.memref_slice %arg2[%dma_start3A_388, %dma_start3A_389] : memref<10240x128xf32, #tpu.memory_space<hbm>> -> memref<10240x128xf32, #tpu.memory_space<hbm>>
      tpu.enqueue_indirect_dma source(%dma_start3A_390 : memref<10240x128xf32, #tpu.memory_space<hbm>>) target(%arg12 : memref<80x128xf32, #tpu.memory_space<vmem>>) offsets(%dma_start3A_387 : memref<80xi32, #tpu.memory_space<vmem>>) semaphore(%arg15 : memref<!tpu.dma_semaphore, #tpu.memory_space<semaphore_mem>>)
      "tpu.region"() ({
        %run_scoped3A_409 = tpu.sem_alloc : memref<!tpu.dma_semaphore, #tpu.memory_space<semaphore_mem>>
        %dma_start3A_410 = arith.constant 0 : i32
        %dma_start3A_411 = tpu.memref_slice %arg8[%mul3A_376, %dma_start3A_410] : memref<25x80xi32, #tpu.memory_space<vmem>> -> memref<1x80xi32, #tpu.memory_space<vmem>>
        %dma_start3A_412 = tpu.memref_squeeze %dma_start3A_411 : memref<1x80xi32, #tpu.memory_space<vmem>> -> memref<80xi32, #tpu.memory_space<vmem>>
        %dma_start3A_413 = arith.constant 0 : i32
        %dma_start3A_414 = arith.constant 0 : i32
        %dma_start3A_415 = tpu.memref_slice %arg13[%dma_start3A_413, %dma_start3A_414] : memref<10240x128xf32, #tpu.memory_space<vmem_shared>> -> memref<10240x128xf32, #tpu.memory_space<vmem_shared>>
        tpu.enqueue_indirect_dma source(%arg11 : memref<80x128xf32, #tpu.memory_space<vmem>>) target(%dma_start3A_415 : memref<10240x128xf32, #tpu.memory_space<vmem_shared>>) offsets(%dma_start3A_412 : memref<80xi32, #tpu.memory_space<vmem>>) semaphore(%run_scoped3A_409 : memref<!tpu.dma_semaphore, #tpu.memory_space<semaphore_mem>>) {add = true}
        %dma_wait3A_416 = arith.constant 0 : i32
        %dma_wait3A_417 = tpu.memref_slice %arg8[%mul3A_376, %dma_wait3A_416] : memref<25x80xi32, #tpu.memory_space<vmem>> -> memref<1x80xi32, #tpu.memory_space<vmem>>
        %dma_wait3A_418 = tpu.memref_squeeze %dma_wait3A_417 : memref<1x80xi32, #tpu.memory_space<vmem>> -> memref<80xi32, #tpu.memory_space<vmem>>
        %dma_wait3A_419 = arith.constant 0 : i32
        %dma_wait3A_420 = arith.constant 0 : i32
        %dma_wait3A_421 = tpu.memref_slice %arg13[%dma_wait3A_419, %dma_wait3A_420] : memref<10240x128xf32, #tpu.memory_space<vmem_shared>> -> memref<10240x128xf32, #tpu.memory_space<vmem_shared>>
        tpu.wait_indirect_dma semaphore(%run_scoped3A_409 : memref<!tpu.dma_semaphore, #tpu.memory_space<semaphore_mem>>) src(%arg11 : memref<80x128xf32, #tpu.memory_space<vmem>>) dst(%dma_wait3A_421 : memref<10240x128xf32, #tpu.memory_space<vmem_shared>>)
        tpu.yield
      }) : () -> ()
      %add3A_391 = arith.constant 1 : i32
      %add3A_392 = arith.addi %mul3A_376, %add3A_391 : i32
      %dma_wait3A_393 = arith.constant 0 : i32
      %dma_wait3A_394 = tpu.memref_slice %arg7[%add3A_392, %dma_wait3A_393] : memref<25x80xi32, #tpu.memory_space<vmem>> -> memref<1x80xi32, #tpu.memory_space<vmem>>
      %dma_wait3A_395 = tpu.memref_squeeze %dma_wait3A_394 : memref<1x80xi32, #tpu.memory_space<vmem>> -> memref<80xi32, #tpu.memory_space<vmem>>
      %dma_wait3A_396 = arith.constant 0 : i32
      %dma_wait3A_397 = arith.constant 0 : i32
      %dma_wait3A_398 = tpu.memref_slice %arg2[%dma_wait3A_396, %dma_wait3A_397] : memref<10240x128xf32, #tpu.memory_space<hbm>> -> memref<10240x128xf32, #tpu.memory_space<hbm>>
      tpu.wait_indirect_dma semaphore(%arg15 : memref<!tpu.dma_semaphore, #tpu.memory_space<semaphore_mem>>) src(%dma_wait3A_398 : memref<10240x128xf32, #tpu.memory_space<hbm>>) dst(%arg12 : memref<80x128xf32, #tpu.memory_space<vmem>>)
      %add3A_399 = arith.constant 2 : i32
      %add3A_400 = arith.addi %mul3A_376, %add3A_399 : i32
      %dma_start3A_401 = arith.constant 0 : i32
      %dma_start3A_402 = tpu.memref_slice %arg7[%add3A_400, %dma_start3A_401] : memref<25x80xi32, #tpu.memory_space<vmem>> -> memref<1x80xi32, #tpu.memory_space<vmem>>
      %dma_start3A_403 = tpu.memref_squeeze %dma_start3A_402 : memref<1x80xi32, #tpu.memory_space<vmem>> -> memref<80xi32, #tpu.memory_space<vmem>>
      %dma_start3A_404 = arith.constant 0 : i32
      %dma_start3A_405 = arith.constant 0 : i32
      %dma_start3A_406 = tpu.memref_slice %arg2[%dma_start3A_404, %dma_start3A_405] : memref<10240x128xf32, #tpu.memory_space<hbm>> -> memref<10240x128xf32, #tpu.memory_space<hbm>>
      tpu.enqueue_indirect_dma source(%dma_start3A_406 : memref<10240x128xf32, #tpu.memory_space<hbm>>) target(%arg11 : memref<80x128xf32, #tpu.memory_space<vmem>>) offsets(%dma_start3A_403 : memref<80xi32, #tpu.memory_space<vmem>>) semaphore(%arg14 : memref<!tpu.dma_semaphore, #tpu.memory_space<semaphore_mem>>)
      %add3A_407 = arith.constant 1 : i32
      %add3A_408 = arith.addi %mul3A_376, %add3A_407 : i32
      "tpu.region"() ({
        %run_scoped3A_409 = tpu.sem_alloc : memref<!tpu.dma_semaphore, #tpu.memory_space<semaphore_mem>>
        %dma_start3A_410 = arith.constant 0 : i32
        %dma_start3A_411 = tpu.memref_slice %arg8[%add3A_408, %dma_start3A_410] : memref<25x80xi32, #tpu.memory_space<vmem>> -> memref<1x80xi32, #tpu.memory_space<vmem>>
        %dma_start3A_412 = tpu.memref_squeeze %dma_start3A_411 : memref<1x80xi32, #tpu.memory_space<vmem>> -> memref<80xi32, #tpu.memory_space<vmem>>
        %dma_start3A_413 = arith.constant 0 : i32
        %dma_start3A_414 = arith.constant 0 : i32
        %dma_start3A_415 = tpu.memref_slice %arg13[%dma_start3A_413, %dma_start3A_414] : memref<10240x128xf32, #tpu.memory_space<vmem_shared>> -> memref<10240x128xf32, #tpu.memory_space<vmem_shared>>
        tpu.enqueue_indirect_dma source(%arg12 : memref<80x128xf32, #tpu.memory_space<vmem>>) target(%dma_start3A_415 : memref<10240x128xf32, #tpu.memory_space<vmem_shared>>) offsets(%dma_start3A_412 : memref<80xi32, #tpu.memory_space<vmem>>) semaphore(%run_scoped3A_409 : memref<!tpu.dma_semaphore, #tpu.memory_space<semaphore_mem>>) {add = true}
        %dma_wait3A_416 = arith.constant 0 : i32
        %dma_wait3A_417 = tpu.memref_slice %arg8[%add3A_408, %dma_wait3A_416] : memref<25x80xi32, #tpu.memory_space<vmem>> -> memref<1x80xi32, #tpu.memory_space<vmem>>
        %dma_wait3A_418 = tpu.memref_squeeze %dma_wait3A_417 : memref<1x80xi32, #tpu.memory_space<vmem>> -> memref<80xi32, #tpu.memory_space<vmem>>
        %dma_wait3A_419 = arith.constant 0 : i32
        %dma_wait3A_420 = arith.constant 0 : i32
        %dma_wait3A_421 = tpu.memref_slice %arg13[%dma_wait3A_419, %dma_wait3A_420] : memref<10240x128xf32, #tpu.memory_space<vmem_shared>> -> memref<10240x128xf32, #tpu.memory_space<vmem_shared>>
        tpu.wait_indirect_dma semaphore(%run_scoped3A_409 : memref<!tpu.dma_semaphore, #tpu.memory_space<semaphore_mem>>) src(%arg12 : memref<80x128xf32, #tpu.memory_space<vmem>>) dst(%dma_wait3A_421 : memref<10240x128xf32, #tpu.memory_space<vmem_shared>>)
        tpu.yield
      }) : () -> ()
    }
    %scan3A_261 = arith.constant 12 : i32
    %dma_wait3A_262 = arith.constant 24 : i32
    %dma_wait3A_263 = arith.constant 0 : i32
    %dma_wait3A_264 = tpu.memref_slice %arg7[%dma_wait3A_262, %dma_wait3A_263] : memref<25x80xi32, #tpu.memory_space<vmem>> -> memref<1x80xi32, #tpu.memory_space<vmem>>
    %dma_wait3A_265 = tpu.memref_squeeze %dma_wait3A_264 : memref<1x80xi32, #tpu.memory_space<vmem>> -> memref<80xi32, #tpu.memory_space<vmem>>
    %dma_wait3A_266 = arith.constant 0 : i32
    %dma_wait3A_267 = arith.constant 0 : i32
    %dma_wait3A_268 = tpu.memref_slice %arg2[%dma_wait3A_266, %dma_wait3A_267] : memref<10240x128xf32, #tpu.memory_space<hbm>> -> memref<10240x128xf32, #tpu.memory_space<hbm>>
    tpu.wait_indirect_dma semaphore(%arg14 : memref<!tpu.dma_semaphore, #tpu.memory_space<semaphore_mem>>) src(%dma_wait3A_268 : memref<10240x128xf32, #tpu.memory_space<hbm>>) dst(%arg11 : memref<80x128xf32, #tpu.memory_space<vmem>>)
    %dma_wait3A_269 = arith.constant 3 : i32
    %dma_wait3A_270 = arith.constant 0 : i32
    %dma_wait3A_271 = arith.constant 0 : i32
    %dma_wait3A_272 = tpu.memref_slice %arg3[%add3A, %dma_wait3A_269, %dma_wait3A_270, %dma_wait3A_271] : memref<32x5x25x80xi32, #tpu.memory_space<hbm>> -> memref<1x1x25x80xi32, #tpu.memory_space<hbm>>
    %dma_wait3A_273 = tpu.memref_squeeze %dma_wait3A_272 : memref<1x1x25x80xi32, #tpu.memory_space<hbm>> -> memref<25x80xi32, #tpu.memory_space<hbm>>
    %dma_wait3A_274 = arith.constant 0 : i32
    %dma_wait3A_275 = arith.constant 0 : i32
    %dma_wait3A_276 = tpu.memref_slice %arg3[%add3A, %dma_wait3A_269, %dma_wait3A_274, %dma_wait3A_275] : memref<32x5x25x80xi32, #tpu.memory_space<hbm>> -> memref<1x1x25x80xi32, #tpu.memory_space<hbm>>
    %dma_wait3A_277 = tpu.memref_squeeze %dma_wait3A_276 : memref<1x1x25x80xi32, #tpu.memory_space<hbm>> -> memref<25x80xi32, #tpu.memory_space<hbm>>
    tpu.wait_dma2 semaphore(%arg16 : memref<!tpu.dma_semaphore, #tpu.memory_space<semaphore_mem>>) src(%dma_wait3A_277 : memref<25x80xi32, #tpu.memory_space<hbm>>) dst(%arg9 : memref<25x80xi32, #tpu.memory_space<vmem>>)
    %dma_wait3A_278 = arith.constant 3 : i32
    %dma_wait3A_279 = arith.constant 0 : i32
    %dma_wait3A_280 = arith.constant 0 : i32
    %dma_wait3A_281 = tpu.memref_slice %arg4[%add3A, %dma_wait3A_278, %dma_wait3A_279, %dma_wait3A_280] : memref<32x5x25x80xi32, #tpu.memory_space<hbm>> -> memref<1x1x25x80xi32, #tpu.memory_space<hbm>>
    %dma_wait3A_282 = tpu.memref_squeeze %dma_wait3A_281 : memref<1x1x25x80xi32, #tpu.memory_space<hbm>> -> memref<25x80xi32, #tpu.memory_space<hbm>>
    %dma_wait3A_283 = arith.constant 0 : i32
    %dma_wait3A_284 = arith.constant 0 : i32
    %dma_wait3A_285 = tpu.memref_slice %arg4[%add3A, %dma_wait3A_278, %dma_wait3A_283, %dma_wait3A_284] : memref<32x5x25x80xi32, #tpu.memory_space<hbm>> -> memref<1x1x25x80xi32, #tpu.memory_space<hbm>>
    %dma_wait3A_286 = tpu.memref_squeeze %dma_wait3A_285 : memref<1x1x25x80xi32, #tpu.memory_space<hbm>> -> memref<25x80xi32, #tpu.memory_space<hbm>>
    tpu.wait_dma2 semaphore(%arg16 : memref<!tpu.dma_semaphore, #tpu.memory_space<semaphore_mem>>) src(%dma_wait3A_286 : memref<25x80xi32, #tpu.memory_space<hbm>>) dst(%arg10 : memref<25x80xi32, #tpu.memory_space<vmem>>)
    %dma_start3A_287 = arith.constant 0 : i32
    %dma_start3A_288 = arith.constant 0 : i32
    %dma_start3A_289 = tpu.memref_slice %arg9[%dma_start3A_287, %dma_start3A_288] : memref<25x80xi32, #tpu.memory_space<vmem>> -> memref<1x80xi32, #tpu.memory_space<vmem>>
    %dma_start3A_290 = tpu.memref_squeeze %dma_start3A_289 : memref<1x80xi32, #tpu.memory_space<vmem>> -> memref<80xi32, #tpu.memory_space<vmem>>
    %dma_start3A_291 = arith.constant 0 : i32
    %dma_start3A_292 = arith.constant 0 : i32
    %dma_start3A_293 = tpu.memref_slice %arg2[%dma_start3A_291, %dma_start3A_292] : memref<10240x128xf32, #tpu.memory_space<hbm>> -> memref<10240x128xf32, #tpu.memory_space<hbm>>
    tpu.enqueue_indirect_dma source(%dma_start3A_293 : memref<10240x128xf32, #tpu.memory_space<hbm>>) target(%arg12 : memref<80x128xf32, #tpu.memory_space<vmem>>) offsets(%dma_start3A_290 : memref<80xi32, #tpu.memory_space<vmem>>) semaphore(%arg15 : memref<!tpu.dma_semaphore, #tpu.memory_space<semaphore_mem>>)
    %run_scoped3A_294 = arith.constant 24 : i32
    "tpu.region"() ({
      %run_scoped3A_374 = tpu.sem_alloc : memref<!tpu.dma_semaphore, #tpu.memory_space<semaphore_mem>>
      %dma_start3A_375 = arith.constant 0 : i32
      %dma_start3A_376 = tpu.memref_slice %arg8[%run_scoped3A_294, %dma_start3A_375] : memref<25x80xi32, #tpu.memory_space<vmem>> -> memref<1x80xi32, #tpu.memory_space<vmem>>
      %dma_start3A_377 = tpu.memref_squeeze %dma_start3A_376 : memref<1x80xi32, #tpu.memory_space<vmem>> -> memref<80xi32, #tpu.memory_space<vmem>>
      %dma_start3A_378 = arith.constant 0 : i32
      %dma_start3A_379 = arith.constant 0 : i32
      %dma_start3A_380 = tpu.memref_slice %arg13[%dma_start3A_378, %dma_start3A_379] : memref<10240x128xf32, #tpu.memory_space<vmem_shared>> -> memref<10240x128xf32, #tpu.memory_space<vmem_shared>>
      tpu.enqueue_indirect_dma source(%arg11 : memref<80x128xf32, #tpu.memory_space<vmem>>) target(%dma_start3A_380 : memref<10240x128xf32, #tpu.memory_space<vmem_shared>>) offsets(%dma_start3A_377 : memref<80xi32, #tpu.memory_space<vmem>>) semaphore(%run_scoped3A_374 : memref<!tpu.dma_semaphore, #tpu.memory_space<semaphore_mem>>) {add = true}
      %dma_wait3A_381 = arith.constant 0 : i32
      %dma_wait3A_382 = tpu.memref_slice %arg8[%run_scoped3A_294, %dma_wait3A_381] : memref<25x80xi32, #tpu.memory_space<vmem>> -> memref<1x80xi32, #tpu.memory_space<vmem>>
      %dma_wait3A_383 = tpu.memref_squeeze %dma_wait3A_382 : memref<1x80xi32, #tpu.memory_space<vmem>> -> memref<80xi32, #tpu.memory_space<vmem>>
      %dma_wait3A_384 = arith.constant 0 : i32
      %dma_wait3A_385 = arith.constant 0 : i32
      %dma_wait3A_386 = tpu.memref_slice %arg13[%dma_wait3A_384, %dma_wait3A_385] : memref<10240x128xf32, #tpu.memory_space<vmem_shared>> -> memref<10240x128xf32, #tpu.memory_space<vmem_shared>>
      tpu.wait_indirect_dma semaphore(%run_scoped3A_374 : memref<!tpu.dma_semaphore, #tpu.memory_space<semaphore_mem>>) src(%arg11 : memref<80x128xf32, #tpu.memory_space<vmem>>) dst(%dma_wait3A_386 : memref<10240x128xf32, #tpu.memory_space<vmem_shared>>)
      tpu.yield
    }) : () -> ()
    %dma_start3A_295 = arith.constant 4 : i32
    %dma_start3A_296 = arith.constant 0 : i32
    %dma_start3A_297 = arith.constant 0 : i32
    %dma_start3A_298 = tpu.memref_slice %arg3[%add3A, %dma_start3A_295, %dma_start3A_296, %dma_start3A_297] : memref<32x5x25x80xi32, #tpu.memory_space<hbm>> -> memref<1x1x25x80xi32, #tpu.memory_space<hbm>>
    %dma_start3A_299 = tpu.memref_squeeze %dma_start3A_298 : memref<1x1x25x80xi32, #tpu.memory_space<hbm>> -> memref<25x80xi32, #tpu.memory_space<hbm>>
    %dma_start3A_300 = arith.constant 0 : i32
    %dma_start3A_301 = arith.constant 0 : i32
    %dma_start3A_302 = tpu.memref_slice %arg3[%add3A, %dma_start3A_295, %dma_start3A_300, %dma_start3A_301] : memref<32x5x25x80xi32, #tpu.memory_space<hbm>> -> memref<1x1x25x80xi32, #tpu.memory_space<hbm>>
    %dma_start3A_303 = tpu.memref_squeeze %dma_start3A_302 : memref<1x1x25x80xi32, #tpu.memory_space<hbm>> -> memref<25x80xi32, #tpu.memory_space<hbm>>
    tpu.enqueue_dma source(%dma_start3A_303 : memref<25x80xi32, #tpu.memory_space<hbm>>) target(%arg7 : memref<25x80xi32, #tpu.memory_space<vmem>>) target_semaphore(%arg16 : memref<!tpu.dma_semaphore, #tpu.memory_space<semaphore_mem>>)
    %dma_start3A_304 = arith.constant 4 : i32
    %dma_start3A_305 = arith.constant 0 : i32
    %dma_start3A_306 = arith.constant 0 : i32
    %dma_start3A_307 = tpu.memref_slice %arg4[%add3A, %dma_start3A_304, %dma_start3A_305, %dma_start3A_306] : memref<32x5x25x80xi32, #tpu.memory_space<hbm>> -> memref<1x1x25x80xi32, #tpu.memory_space<hbm>>
    %dma_start3A_308 = tpu.memref_squeeze %dma_start3A_307 : memref<1x1x25x80xi32, #tpu.memory_space<hbm>> -> memref<25x80xi32, #tpu.memory_space<hbm>>
    %dma_start3A_309 = arith.constant 0 : i32
    %dma_start3A_310 = arith.constant 0 : i32
    %dma_start3A_311 = tpu.memref_slice %arg4[%add3A, %dma_start3A_304, %dma_start3A_309, %dma_start3A_310] : memref<32x5x25x80xi32, #tpu.memory_space<hbm>> -> memref<1x1x25x80xi32, #tpu.memory_space<hbm>>
    %dma_start3A_312 = tpu.memref_squeeze %dma_start3A_311 : memref<1x1x25x80xi32, #tpu.memory_space<hbm>> -> memref<25x80xi32, #tpu.memory_space<hbm>>
    tpu.enqueue_dma source(%dma_start3A_312 : memref<25x80xi32, #tpu.memory_space<hbm>>) target(%arg8 : memref<25x80xi32, #tpu.memory_space<vmem>>) target_semaphore(%arg16 : memref<!tpu.dma_semaphore, #tpu.memory_space<semaphore_mem>>)
    %scan3A_313 = arith.constant 0 : i32
    %scan3A_314 = arith.constant 0 : i32
    %scan3A_315 = arith.constant 12 : i32
    %scan3A_316 = arith.addi %scan3A_314, %scan3A_315 : i32
    %scan3A_317 = arith.constant 1 : i32
    scf.for %scan3A_374 = %scan3A_314 to %scan3A_316 step %scan3A_317  : i32 {
      %mul3A_375 = arith.constant 2 : i32
      %mul3A_376 = arith.muli %mul3A_375, %scan3A_374 : i32
      %dma_wait3A_377 = arith.constant 0 : i32
      %dma_wait3A_378 = tpu.memref_slice %arg9[%mul3A_376, %dma_wait3A_377] : memref<25x80xi32, #tpu.memory_space<vmem>> -> memref<1x80xi32, #tpu.memory_space<vmem>>
      %dma_wait3A_379 = tpu.memref_squeeze %dma_wait3A_378 : memref<1x80xi32, #tpu.memory_space<vmem>> -> memref<80xi32, #tpu.memory_space<vmem>>
      %dma_wait3A_380 = arith.constant 0 : i32
      %dma_wait3A_381 = arith.constant 0 : i32
      %dma_wait3A_382 = tpu.memref_slice %arg2[%dma_wait3A_380, %dma_wait3A_381] : memref<10240x128xf32, #tpu.memory_space<hbm>> -> memref<10240x128xf32, #tpu.memory_space<hbm>>
      tpu.wait_indirect_dma semaphore(%arg15 : memref<!tpu.dma_semaphore, #tpu.memory_space<semaphore_mem>>) src(%dma_wait3A_382 : memref<10240x128xf32, #tpu.memory_space<hbm>>) dst(%arg12 : memref<80x128xf32, #tpu.memory_space<vmem>>)
      %add3A_383 = arith.constant 1 : i32
      %add3A_384 = arith.addi %mul3A_376, %add3A_383 : i32
      %dma_start3A_385 = arith.constant 0 : i32
      %dma_start3A_386 = tpu.memref_slice %arg9[%add3A_384, %dma_start3A_385] : memref<25x80xi32, #tpu.memory_space<vmem>> -> memref<1x80xi32, #tpu.memory_space<vmem>>
      %dma_start3A_387 = tpu.memref_squeeze %dma_start3A_386 : memref<1x80xi32, #tpu.memory_space<vmem>> -> memref<80xi32, #tpu.memory_space<vmem>>
      %dma_start3A_388 = arith.constant 0 : i32
      %dma_start3A_389 = arith.constant 0 : i32
      %dma_start3A_390 = tpu.memref_slice %arg2[%dma_start3A_388, %dma_start3A_389] : memref<10240x128xf32, #tpu.memory_space<hbm>> -> memref<10240x128xf32, #tpu.memory_space<hbm>>
      tpu.enqueue_indirect_dma source(%dma_start3A_390 : memref<10240x128xf32, #tpu.memory_space<hbm>>) target(%arg11 : memref<80x128xf32, #tpu.memory_space<vmem>>) offsets(%dma_start3A_387 : memref<80xi32, #tpu.memory_space<vmem>>) semaphore(%arg14 : memref<!tpu.dma_semaphore, #tpu.memory_space<semaphore_mem>>)
      "tpu.region"() ({
        %run_scoped3A_409 = tpu.sem_alloc : memref<!tpu.dma_semaphore, #tpu.memory_space<semaphore_mem>>
        %dma_start3A_410 = arith.constant 0 : i32
        %dma_start3A_411 = tpu.memref_slice %arg10[%mul3A_376, %dma_start3A_410] : memref<25x80xi32, #tpu.memory_space<vmem>> -> memref<1x80xi32, #tpu.memory_space<vmem>>
        %dma_start3A_412 = tpu.memref_squeeze %dma_start3A_411 : memref<1x80xi32, #tpu.memory_space<vmem>> -> memref<80xi32, #tpu.memory_space<vmem>>
        %dma_start3A_413 = arith.constant 0 : i32
        %dma_start3A_414 = arith.constant 0 : i32
        %dma_start3A_415 = tpu.memref_slice %arg13[%dma_start3A_413, %dma_start3A_414] : memref<10240x128xf32, #tpu.memory_space<vmem_shared>> -> memref<10240x128xf32, #tpu.memory_space<vmem_shared>>
        tpu.enqueue_indirect_dma source(%arg12 : memref<80x128xf32, #tpu.memory_space<vmem>>) target(%dma_start3A_415 : memref<10240x128xf32, #tpu.memory_space<vmem_shared>>) offsets(%dma_start3A_412 : memref<80xi32, #tpu.memory_space<vmem>>) semaphore(%run_scoped3A_409 : memref<!tpu.dma_semaphore, #tpu.memory_space<semaphore_mem>>) {add = true}
        %dma_wait3A_416 = arith.constant 0 : i32
        %dma_wait3A_417 = tpu.memref_slice %arg10[%mul3A_376, %dma_wait3A_416] : memref<25x80xi32, #tpu.memory_space<vmem>> -> memref<1x80xi32, #tpu.memory_space<vmem>>
        %dma_wait3A_418 = tpu.memref_squeeze %dma_wait3A_417 : memref<1x80xi32, #tpu.memory_space<vmem>> -> memref<80xi32, #tpu.memory_space<vmem>>
        %dma_wait3A_419 = arith.constant 0 : i32
        %dma_wait3A_420 = arith.constant 0 : i32
        %dma_wait3A_421 = tpu.memref_slice %arg13[%dma_wait3A_419, %dma_wait3A_420] : memref<10240x128xf32, #tpu.memory_space<vmem_shared>> -> memref<10240x128xf32, #tpu.memory_space<vmem_shared>>
        tpu.wait_indirect_dma semaphore(%run_scoped3A_409 : memref<!tpu.dma_semaphore, #tpu.memory_space<semaphore_mem>>) src(%arg12 : memref<80x128xf32, #tpu.memory_space<vmem>>) dst(%dma_wait3A_421 : memref<10240x128xf32, #tpu.memory_space<vmem_shared>>)
        tpu.yield
      }) : () -> ()
      %add3A_391 = arith.constant 1 : i32
      %add3A_392 = arith.addi %mul3A_376, %add3A_391 : i32
      %dma_wait3A_393 = arith.constant 0 : i32
      %dma_wait3A_394 = tpu.memref_slice %arg9[%add3A_392, %dma_wait3A_393] : memref<25x80xi32, #tpu.memory_space<vmem>> -> memref<1x80xi32, #tpu.memory_space<vmem>>
      %dma_wait3A_395 = tpu.memref_squeeze %dma_wait3A_394 : memref<1x80xi32, #tpu.memory_space<vmem>> -> memref<80xi32, #tpu.memory_space<vmem>>
      %dma_wait3A_396 = arith.constant 0 : i32
      %dma_wait3A_397 = arith.constant 0 : i32
      %dma_wait3A_398 = tpu.memref_slice %arg2[%dma_wait3A_396, %dma_wait3A_397] : memref<10240x128xf32, #tpu.memory_space<hbm>> -> memref<10240x128xf32, #tpu.memory_space<hbm>>
      tpu.wait_indirect_dma semaphore(%arg14 : memref<!tpu.dma_semaphore, #tpu.memory_space<semaphore_mem>>) src(%dma_wait3A_398 : memref<10240x128xf32, #tpu.memory_space<hbm>>) dst(%arg11 : memref<80x128xf32, #tpu.memory_space<vmem>>)
      %add3A_399 = arith.constant 2 : i32
      %add3A_400 = arith.addi %mul3A_376, %add3A_399 : i32
      %dma_start3A_401 = arith.constant 0 : i32
      %dma_start3A_402 = tpu.memref_slice %arg9[%add3A_400, %dma_start3A_401] : memref<25x80xi32, #tpu.memory_space<vmem>> -> memref<1x80xi32, #tpu.memory_space<vmem>>
      %dma_start3A_403 = tpu.memref_squeeze %dma_start3A_402 : memref<1x80xi32, #tpu.memory_space<vmem>> -> memref<80xi32, #tpu.memory_space<vmem>>
      %dma_start3A_404 = arith.constant 0 : i32
      %dma_start3A_405 = arith.constant 0 : i32
      %dma_start3A_406 = tpu.memref_slice %arg2[%dma_start3A_404, %dma_start3A_405] : memref<10240x128xf32, #tpu.memory_space<hbm>> -> memref<10240x128xf32, #tpu.memory_space<hbm>>
      tpu.enqueue_indirect_dma source(%dma_start3A_406 : memref<10240x128xf32, #tpu.memory_space<hbm>>) target(%arg12 : memref<80x128xf32, #tpu.memory_space<vmem>>) offsets(%dma_start3A_403 : memref<80xi32, #tpu.memory_space<vmem>>) semaphore(%arg15 : memref<!tpu.dma_semaphore, #tpu.memory_space<semaphore_mem>>)
      %add3A_407 = arith.constant 1 : i32
      %add3A_408 = arith.addi %mul3A_376, %add3A_407 : i32
      "tpu.region"() ({
        %run_scoped3A_409 = tpu.sem_alloc : memref<!tpu.dma_semaphore, #tpu.memory_space<semaphore_mem>>
        %dma_start3A_410 = arith.constant 0 : i32
        %dma_start3A_411 = tpu.memref_slice %arg10[%add3A_408, %dma_start3A_410] : memref<25x80xi32, #tpu.memory_space<vmem>> -> memref<1x80xi32, #tpu.memory_space<vmem>>
        %dma_start3A_412 = tpu.memref_squeeze %dma_start3A_411 : memref<1x80xi32, #tpu.memory_space<vmem>> -> memref<80xi32, #tpu.memory_space<vmem>>
        %dma_start3A_413 = arith.constant 0 : i32
        %dma_start3A_414 = arith.constant 0 : i32
        %dma_start3A_415 = tpu.memref_slice %arg13[%dma_start3A_413, %dma_start3A_414] : memref<10240x128xf32, #tpu.memory_space<vmem_shared>> -> memref<10240x128xf32, #tpu.memory_space<vmem_shared>>
        tpu.enqueue_indirect_dma source(%arg11 : memref<80x128xf32, #tpu.memory_space<vmem>>) target(%dma_start3A_415 : memref<10240x128xf32, #tpu.memory_space<vmem_shared>>) offsets(%dma_start3A_412 : memref<80xi32, #tpu.memory_space<vmem>>) semaphore(%run_scoped3A_409 : memref<!tpu.dma_semaphore, #tpu.memory_space<semaphore_mem>>) {add = true}
        %dma_wait3A_416 = arith.constant 0 : i32
        %dma_wait3A_417 = tpu.memref_slice %arg10[%add3A_408, %dma_wait3A_416] : memref<25x80xi32, #tpu.memory_space<vmem>> -> memref<1x80xi32, #tpu.memory_space<vmem>>
        %dma_wait3A_418 = tpu.memref_squeeze %dma_wait3A_417 : memref<1x80xi32, #tpu.memory_space<vmem>> -> memref<80xi32, #tpu.memory_space<vmem>>
        %dma_wait3A_419 = arith.constant 0 : i32
        %dma_wait3A_420 = arith.constant 0 : i32
        %dma_wait3A_421 = tpu.memref_slice %arg13[%dma_wait3A_419, %dma_wait3A_420] : memref<10240x128xf32, #tpu.memory_space<vmem_shared>> -> memref<10240x128xf32, #tpu.memory_space<vmem_shared>>
        tpu.wait_indirect_dma semaphore(%run_scoped3A_409 : memref<!tpu.dma_semaphore, #tpu.memory_space<semaphore_mem>>) src(%arg11 : memref<80x128xf32, #tpu.memory_space<vmem>>) dst(%dma_wait3A_421 : memref<10240x128xf32, #tpu.memory_space<vmem_shared>>)
        tpu.yield
      }) : () -> ()
    }
    %scan3A_318 = arith.constant 12 : i32
    %dma_wait3A_319 = arith.constant 24 : i32
    %dma_wait3A_320 = arith.constant 0 : i32
    %dma_wait3A_321 = tpu.memref_slice %arg9[%dma_wait3A_319, %dma_wait3A_320] : memref<25x80xi32, #tpu.memory_space<vmem>> -> memref<1x80xi32, #tpu.memory_space<vmem>>
    %dma_wait3A_322 = tpu.memref_squeeze %dma_wait3A_321 : memref<1x80xi32, #tpu.memory_space<vmem>> -> memref<80xi32, #tpu.memory_space<vmem>>
    %dma_wait3A_323 = arith.constant 0 : i32
    %dma_wait3A_324 = arith.constant 0 : i32
    %dma_wait3A_325 = tpu.memref_slice %arg2[%dma_wait3A_323, %dma_wait3A_324] : memref<10240x128xf32, #tpu.memory_space<hbm>> -> memref<10240x128xf32, #tpu.memory_space<hbm>>
    tpu.wait_indirect_dma semaphore(%arg15 : memref<!tpu.dma_semaphore, #tpu.memory_space<semaphore_mem>>) src(%dma_wait3A_325 : memref<10240x128xf32, #tpu.memory_space<hbm>>) dst(%arg12 : memref<80x128xf32, #tpu.memory_space<vmem>>)
    %dma_wait3A_326 = arith.constant 4 : i32
    %dma_wait3A_327 = arith.constant 0 : i32
    %dma_wait3A_328 = arith.constant 0 : i32
    %dma_wait3A_329 = tpu.memref_slice %arg3[%add3A, %dma_wait3A_326, %dma_wait3A_327, %dma_wait3A_328] : memref<32x5x25x80xi32, #tpu.memory_space<hbm>> -> memref<1x1x25x80xi32, #tpu.memory_space<hbm>>
    %dma_wait3A_330 = tpu.memref_squeeze %dma_wait3A_329 : memref<1x1x25x80xi32, #tpu.memory_space<hbm>> -> memref<25x80xi32, #tpu.memory_space<hbm>>
    %dma_wait3A_331 = arith.constant 0 : i32
    %dma_wait3A_332 = arith.constant 0 : i32
    %dma_wait3A_333 = tpu.memref_slice %arg3[%add3A, %dma_wait3A_326, %dma_wait3A_331, %dma_wait3A_332] : memref<32x5x25x80xi32, #tpu.memory_space<hbm>> -> memref<1x1x25x80xi32, #tpu.memory_space<hbm>>
    %dma_wait3A_334 = tpu.memref_squeeze %dma_wait3A_333 : memref<1x1x25x80xi32, #tpu.memory_space<hbm>> -> memref<25x80xi32, #tpu.memory_space<hbm>>
    tpu.wait_dma2 semaphore(%arg16 : memref<!tpu.dma_semaphore, #tpu.memory_space<semaphore_mem>>) src(%dma_wait3A_334 : memref<25x80xi32, #tpu.memory_space<hbm>>) dst(%arg7 : memref<25x80xi32, #tpu.memory_space<vmem>>)
    %dma_wait3A_335 = arith.constant 4 : i32
    %dma_wait3A_336 = arith.constant 0 : i32
    %dma_wait3A_337 = arith.constant 0 : i32
    %dma_wait3A_338 = tpu.memref_slice %arg4[%add3A, %dma_wait3A_335, %dma_wait3A_336, %dma_wait3A_337] : memref<32x5x25x80xi32, #tpu.memory_space<hbm>> -> memref<1x1x25x80xi32, #tpu.memory_space<hbm>>
    %dma_wait3A_339 = tpu.memref_squeeze %dma_wait3A_338 : memref<1x1x25x80xi32, #tpu.memory_space<hbm>> -> memref<25x80xi32, #tpu.memory_space<hbm>>
    %dma_wait3A_340 = arith.constant 0 : i32
    %dma_wait3A_341 = arith.constant 0 : i32
    %dma_wait3A_342 = tpu.memref_slice %arg4[%add3A, %dma_wait3A_335, %dma_wait3A_340, %dma_wait3A_341] : memref<32x5x25x80xi32, #tpu.memory_space<hbm>> -> memref<1x1x25x80xi32, #tpu.memory_space<hbm>>
    %dma_wait3A_343 = tpu.memref_squeeze %dma_wait3A_342 : memref<1x1x25x80xi32, #tpu.memory_space<hbm>> -> memref<25x80xi32, #tpu.memory_space<hbm>>
    tpu.wait_dma2 semaphore(%arg16 : memref<!tpu.dma_semaphore, #tpu.memory_space<semaphore_mem>>) src(%dma_wait3A_343 : memref<25x80xi32, #tpu.memory_space<hbm>>) dst(%arg8 : memref<25x80xi32, #tpu.memory_space<vmem>>)
    %dma_start3A_344 = arith.constant 0 : i32
    %dma_start3A_345 = arith.constant 0 : i32
    %dma_start3A_346 = tpu.memref_slice %arg7[%dma_start3A_344, %dma_start3A_345] : memref<25x80xi32, #tpu.memory_space<vmem>> -> memref<1x80xi32, #tpu.memory_space<vmem>>
    %dma_start3A_347 = tpu.memref_squeeze %dma_start3A_346 : memref<1x80xi32, #tpu.memory_space<vmem>> -> memref<80xi32, #tpu.memory_space<vmem>>
    %dma_start3A_348 = arith.constant 0 : i32
    %dma_start3A_349 = arith.constant 0 : i32
    %dma_start3A_350 = tpu.memref_slice %arg2[%dma_start3A_348, %dma_start3A_349] : memref<10240x128xf32, #tpu.memory_space<hbm>> -> memref<10240x128xf32, #tpu.memory_space<hbm>>
    tpu.enqueue_indirect_dma source(%dma_start3A_350 : memref<10240x128xf32, #tpu.memory_space<hbm>>) target(%arg11 : memref<80x128xf32, #tpu.memory_space<vmem>>) offsets(%dma_start3A_347 : memref<80xi32, #tpu.memory_space<vmem>>) semaphore(%arg14 : memref<!tpu.dma_semaphore, #tpu.memory_space<semaphore_mem>>)
    %run_scoped3A_351 = arith.constant 24 : i32
    "tpu.region"() ({
      %run_scoped3A_374 = tpu.sem_alloc : memref<!tpu.dma_semaphore, #tpu.memory_space<semaphore_mem>>
      %dma_start3A_375 = arith.constant 0 : i32
      %dma_start3A_376 = tpu.memref_slice %arg10[%run_scoped3A_351, %dma_start3A_375] : memref<25x80xi32, #tpu.memory_space<vmem>> -> memref<1x80xi32, #tpu.memory_space<vmem>>
      %dma_start3A_377 = tpu.memref_squeeze %dma_start3A_376 : memref<1x80xi32, #tpu.memory_space<vmem>> -> memref<80xi32, #tpu.memory_space<vmem>>
      %dma_start3A_378 = arith.constant 0 : i32
      %dma_start3A_379 = arith.constant 0 : i32
      %dma_start3A_380 = tpu.memref_slice %arg13[%dma_start3A_378, %dma_start3A_379] : memref<10240x128xf32, #tpu.memory_space<vmem_shared>> -> memref<10240x128xf32, #tpu.memory_space<vmem_shared>>
      tpu.enqueue_indirect_dma source(%arg12 : memref<80x128xf32, #tpu.memory_space<vmem>>) target(%dma_start3A_380 : memref<10240x128xf32, #tpu.memory_space<vmem_shared>>) offsets(%dma_start3A_377 : memref<80xi32, #tpu.memory_space<vmem>>) semaphore(%run_scoped3A_374 : memref<!tpu.dma_semaphore, #tpu.memory_space<semaphore_mem>>) {add = true}
      %dma_wait3A_381 = arith.constant 0 : i32
      %dma_wait3A_382 = tpu.memref_slice %arg10[%run_scoped3A_351, %dma_wait3A_381] : memref<25x80xi32, #tpu.memory_space<vmem>> -> memref<1x80xi32, #tpu.memory_space<vmem>>
      %dma_wait3A_383 = tpu.memref_squeeze %dma_wait3A_382 : memref<1x80xi32, #tpu.memory_space<vmem>> -> memref<80xi32, #tpu.memory_space<vmem>>
      %dma_wait3A_384 = arith.constant 0 : i32
      %dma_wait3A_385 = arith.constant 0 : i32
      %dma_wait3A_386 = tpu.memref_slice %arg13[%dma_wait3A_384, %dma_wait3A_385] : memref<10240x128xf32, #tpu.memory_space<vmem_shared>> -> memref<10240x128xf32, #tpu.memory_space<vmem_shared>>
      tpu.wait_indirect_dma semaphore(%run_scoped3A_374 : memref<!tpu.dma_semaphore, #tpu.memory_space<semaphore_mem>>) src(%arg12 : memref<80x128xf32, #tpu.memory_space<vmem>>) dst(%dma_wait3A_386 : memref<10240x128xf32, #tpu.memory_space<vmem_shared>>)
      tpu.yield
    }) : () -> ()
    %scan3A_352 = arith.constant 0 : i32
    %scan3A_353 = arith.constant 0 : i32
    %scan3A_354 = arith.constant 12 : i32
    %scan3A_355 = arith.addi %scan3A_353, %scan3A_354 : i32
    %scan3A_356 = arith.constant 1 : i32
    scf.for %scan3A_374 = %scan3A_353 to %scan3A_355 step %scan3A_356  : i32 {
      %mul3A_375 = arith.constant 2 : i32
      %mul3A_376 = arith.muli %mul3A_375, %scan3A_374 : i32
      %dma_wait3A_377 = arith.constant 0 : i32
      %dma_wait3A_378 = tpu.memref_slice %arg7[%mul3A_376, %dma_wait3A_377] : memref<25x80xi32, #tpu.memory_space<vmem>> -> memref<1x80xi32, #tpu.memory_space<vmem>>
      %dma_wait3A_379 = tpu.memref_squeeze %dma_wait3A_378 : memref<1x80xi32, #tpu.memory_space<vmem>> -> memref<80xi32, #tpu.memory_space<vmem>>
      %dma_wait3A_380 = arith.constant 0 : i32
      %dma_wait3A_381 = arith.constant 0 : i32
      %dma_wait3A_382 = tpu.memref_slice %arg2[%dma_wait3A_380, %dma_wait3A_381] : memref<10240x128xf32, #tpu.memory_space<hbm>> -> memref<10240x128xf32, #tpu.memory_space<hbm>>
      tpu.wait_indirect_dma semaphore(%arg14 : memref<!tpu.dma_semaphore, #tpu.memory_space<semaphore_mem>>) src(%dma_wait3A_382 : memref<10240x128xf32, #tpu.memory_space<hbm>>) dst(%arg11 : memref<80x128xf32, #tpu.memory_space<vmem>>)
      %add3A_383 = arith.constant 1 : i32
      %add3A_384 = arith.addi %mul3A_376, %add3A_383 : i32
      %dma_start3A_385 = arith.constant 0 : i32
      %dma_start3A_386 = tpu.memref_slice %arg7[%add3A_384, %dma_start3A_385] : memref<25x80xi32, #tpu.memory_space<vmem>> -> memref<1x80xi32, #tpu.memory_space<vmem>>
      %dma_start3A_387 = tpu.memref_squeeze %dma_start3A_386 : memref<1x80xi32, #tpu.memory_space<vmem>> -> memref<80xi32, #tpu.memory_space<vmem>>
      %dma_start3A_388 = arith.constant 0 : i32
      %dma_start3A_389 = arith.constant 0 : i32
      %dma_start3A_390 = tpu.memref_slice %arg2[%dma_start3A_388, %dma_start3A_389] : memref<10240x128xf32, #tpu.memory_space<hbm>> -> memref<10240x128xf32, #tpu.memory_space<hbm>>
      tpu.enqueue_indirect_dma source(%dma_start3A_390 : memref<10240x128xf32, #tpu.memory_space<hbm>>) target(%arg12 : memref<80x128xf32, #tpu.memory_space<vmem>>) offsets(%dma_start3A_387 : memref<80xi32, #tpu.memory_space<vmem>>) semaphore(%arg15 : memref<!tpu.dma_semaphore, #tpu.memory_space<semaphore_mem>>)
      "tpu.region"() ({
        %run_scoped3A_409 = tpu.sem_alloc : memref<!tpu.dma_semaphore, #tpu.memory_space<semaphore_mem>>
        %dma_start3A_410 = arith.constant 0 : i32
        %dma_start3A_411 = tpu.memref_slice %arg8[%mul3A_376, %dma_start3A_410] : memref<25x80xi32, #tpu.memory_space<vmem>> -> memref<1x80xi32, #tpu.memory_space<vmem>>
        %dma_start3A_412 = tpu.memref_squeeze %dma_start3A_411 : memref<1x80xi32, #tpu.memory_space<vmem>> -> memref<80xi32, #tpu.memory_space<vmem>>
        %dma_start3A_413 = arith.constant 0 : i32
        %dma_start3A_414 = arith.constant 0 : i32
        %dma_start3A_415 = tpu.memref_slice %arg13[%dma_start3A_413, %dma_start3A_414] : memref<10240x128xf32, #tpu.memory_space<vmem_shared>> -> memref<10240x128xf32, #tpu.memory_space<vmem_shared>>
        tpu.enqueue_indirect_dma source(%arg11 : memref<80x128xf32, #tpu.memory_space<vmem>>) target(%dma_start3A_415 : memref<10240x128xf32, #tpu.memory_space<vmem_shared>>) offsets(%dma_start3A_412 : memref<80xi32, #tpu.memory_space<vmem>>) semaphore(%run_scoped3A_409 : memref<!tpu.dma_semaphore, #tpu.memory_space<semaphore_mem>>) {add = true}
        %dma_wait3A_416 = arith.constant 0 : i32
        %dma_wait3A_417 = tpu.memref_slice %arg8[%mul3A_376, %dma_wait3A_416] : memref<25x80xi32, #tpu.memory_space<vmem>> -> memref<1x80xi32, #tpu.memory_space<vmem>>
        %dma_wait3A_418 = tpu.memref_squeeze %dma_wait3A_417 : memref<1x80xi32, #tpu.memory_space<vmem>> -> memref<80xi32, #tpu.memory_space<vmem>>
        %dma_wait3A_419 = arith.constant 0 : i32
        %dma_wait3A_420 = arith.constant 0 : i32
        %dma_wait3A_421 = tpu.memref_slice %arg13[%dma_wait3A_419, %dma_wait3A_420] : memref<10240x128xf32, #tpu.memory_space<vmem_shared>> -> memref<10240x128xf32, #tpu.memory_space<vmem_shared>>
        tpu.wait_indirect_dma semaphore(%run_scoped3A_409 : memref<!tpu.dma_semaphore, #tpu.memory_space<semaphore_mem>>) src(%arg11 : memref<80x128xf32, #tpu.memory_space<vmem>>) dst(%dma_wait3A_421 : memref<10240x128xf32, #tpu.memory_space<vmem_shared>>)
        tpu.yield
      }) : () -> ()
      %add3A_391 = arith.constant 1 : i32
      %add3A_392 = arith.addi %mul3A_376, %add3A_391 : i32
      %dma_wait3A_393 = arith.constant 0 : i32
      %dma_wait3A_394 = tpu.memref_slice %arg7[%add3A_392, %dma_wait3A_393] : memref<25x80xi32, #tpu.memory_space<vmem>> -> memref<1x80xi32, #tpu.memory_space<vmem>>
      %dma_wait3A_395 = tpu.memref_squeeze %dma_wait3A_394 : memref<1x80xi32, #tpu.memory_space<vmem>> -> memref<80xi32, #tpu.memory_space<vmem>>
      %dma_wait3A_396 = arith.constant 0 : i32
      %dma_wait3A_397 = arith.constant 0 : i32
      %dma_wait3A_398 = tpu.memref_slice %arg2[%dma_wait3A_396, %dma_wait3A_397] : memref<10240x128xf32, #tpu.memory_space<hbm>> -> memref<10240x128xf32, #tpu.memory_space<hbm>>
      tpu.wait_indirect_dma semaphore(%arg15 : memref<!tpu.dma_semaphore, #tpu.memory_space<semaphore_mem>>) src(%dma_wait3A_398 : memref<10240x128xf32, #tpu.memory_space<hbm>>) dst(%arg12 : memref<80x128xf32, #tpu.memory_space<vmem>>)
      %add3A_399 = arith.constant 2 : i32
      %add3A_400 = arith.addi %mul3A_376, %add3A_399 : i32
      %dma_start3A_401 = arith.constant 0 : i32
      %dma_start3A_402 = tpu.memref_slice %arg7[%add3A_400, %dma_start3A_401] : memref<25x80xi32, #tpu.memory_space<vmem>> -> memref<1x80xi32, #tpu.memory_space<vmem>>
      %dma_start3A_403 = tpu.memref_squeeze %dma_start3A_402 : memref<1x80xi32, #tpu.memory_space<vmem>> -> memref<80xi32, #tpu.memory_space<vmem>>
      %dma_start3A_404 = arith.constant 0 : i32
      %dma_start3A_405 = arith.constant 0 : i32
      %dma_start3A_406 = tpu.memref_slice %arg2[%dma_start3A_404, %dma_start3A_405] : memref<10240x128xf32, #tpu.memory_space<hbm>> -> memref<10240x128xf32, #tpu.memory_space<hbm>>
      tpu.enqueue_indirect_dma source(%dma_start3A_406 : memref<10240x128xf32, #tpu.memory_space<hbm>>) target(%arg11 : memref<80x128xf32, #tpu.memory_space<vmem>>) offsets(%dma_start3A_403 : memref<80xi32, #tpu.memory_space<vmem>>) semaphore(%arg14 : memref<!tpu.dma_semaphore, #tpu.memory_space<semaphore_mem>>)
      %add3A_407 = arith.constant 1 : i32
      %add3A_408 = arith.addi %mul3A_376, %add3A_407 : i32
      "tpu.region"() ({
        %run_scoped3A_409 = tpu.sem_alloc : memref<!tpu.dma_semaphore, #tpu.memory_space<semaphore_mem>>
        %dma_start3A_410 = arith.constant 0 : i32
        %dma_start3A_411 = tpu.memref_slice %arg8[%add3A_408, %dma_start3A_410] : memref<25x80xi32, #tpu.memory_space<vmem>> -> memref<1x80xi32, #tpu.memory_space<vmem>>
        %dma_start3A_412 = tpu.memref_squeeze %dma_start3A_411 : memref<1x80xi32, #tpu.memory_space<vmem>> -> memref<80xi32, #tpu.memory_space<vmem>>
        %dma_start3A_413 = arith.constant 0 : i32
        %dma_start3A_414 = arith.constant 0 : i32
        %dma_start3A_415 = tpu.memref_slice %arg13[%dma_start3A_413, %dma_start3A_414] : memref<10240x128xf32, #tpu.memory_space<vmem_shared>> -> memref<10240x128xf32, #tpu.memory_space<vmem_shared>>
        tpu.enqueue_indirect_dma source(%arg12 : memref<80x128xf32, #tpu.memory_space<vmem>>) target(%dma_start3A_415 : memref<10240x128xf32, #tpu.memory_space<vmem_shared>>) offsets(%dma_start3A_412 : memref<80xi32, #tpu.memory_space<vmem>>) semaphore(%run_scoped3A_409 : memref<!tpu.dma_semaphore, #tpu.memory_space<semaphore_mem>>) {add = true}
        %dma_wait3A_416 = arith.constant 0 : i32
        %dma_wait3A_417 = tpu.memref_slice %arg8[%add3A_408, %dma_wait3A_416] : memref<25x80xi32, #tpu.memory_space<vmem>> -> memref<1x80xi32, #tpu.memory_space<vmem>>
        %dma_wait3A_418 = tpu.memref_squeeze %dma_wait3A_417 : memref<1x80xi32, #tpu.memory_space<vmem>> -> memref<80xi32, #tpu.memory_space<vmem>>
        %dma_wait3A_419 = arith.constant 0 : i32
        %dma_wait3A_420 = arith.constant 0 : i32
        %dma_wait3A_421 = tpu.memref_slice %arg13[%dma_wait3A_419, %dma_wait3A_420] : memref<10240x128xf32, #tpu.memory_space<vmem_shared>> -> memref<10240x128xf32, #tpu.memory_space<vmem_shared>>
        tpu.wait_indirect_dma semaphore(%run_scoped3A_409 : memref<!tpu.dma_semaphore, #tpu.memory_space<semaphore_mem>>) src(%arg12 : memref<80x128xf32, #tpu.memory_space<vmem>>) dst(%dma_wait3A_421 : memref<10240x128xf32, #tpu.memory_space<vmem_shared>>)
        tpu.yield
      }) : () -> ()
    }
    %scan3A_357 = arith.constant 12 : i32
    %dma_wait3A_358 = arith.constant 24 : i32
    %dma_wait3A_359 = arith.constant 0 : i32
    %dma_wait3A_360 = tpu.memref_slice %arg7[%dma_wait3A_358, %dma_wait3A_359] : memref<25x80xi32, #tpu.memory_space<vmem>> -> memref<1x80xi32, #tpu.memory_space<vmem>>
    %dma_wait3A_361 = tpu.memref_squeeze %dma_wait3A_360 : memref<1x80xi32, #tpu.memory_space<vmem>> -> memref<80xi32, #tpu.memory_space<vmem>>
    %dma_wait3A_362 = arith.constant 0 : i32
    %dma_wait3A_363 = arith.constant 0 : i32
    %dma_wait3A_364 = tpu.memref_slice %arg2[%dma_wait3A_362, %dma_wait3A_363] : memref<10240x128xf32, #tpu.memory_space<hbm>> -> memref<10240x128xf32, #tpu.memory_space<hbm>>
    tpu.wait_indirect_dma semaphore(%arg14 : memref<!tpu.dma_semaphore, #tpu.memory_space<semaphore_mem>>) src(%dma_wait3A_364 : memref<10240x128xf32, #tpu.memory_space<hbm>>) dst(%arg11 : memref<80x128xf32, #tpu.memory_space<vmem>>)
    %run_scoped3A_365 = arith.constant 24 : i32
    "tpu.region"() ({
      %run_scoped3A_374 = tpu.sem_alloc : memref<!tpu.dma_semaphore, #tpu.memory_space<semaphore_mem>>
      %dma_start3A_375 = arith.constant 0 : i32
      %dma_start3A_376 = tpu.memref_slice %arg8[%run_scoped3A_365, %dma_start3A_375] : memref<25x80xi32, #tpu.memory_space<vmem>> -> memref<1x80xi32, #tpu.memory_space<vmem>>
      %dma_start3A_377 = tpu.memref_squeeze %dma_start3A_376 : memref<1x80xi32, #tpu.memory_space<vmem>> -> memref<80xi32, #tpu.memory_space<vmem>>
      %dma_start3A_378 = arith.constant 0 : i32
      %dma_start3A_379 = arith.constant 0 : i32
      %dma_start3A_380 = tpu.memref_slice %arg13[%dma_start3A_378, %dma_start3A_379] : memref<10240x128xf32, #tpu.memory_space<vmem_shared>> -> memref<10240x128xf32, #tpu.memory_space<vmem_shared>>
      tpu.enqueue_indirect_dma source(%arg11 : memref<80x128xf32, #tpu.memory_space<vmem>>) target(%dma_start3A_380 : memref<10240x128xf32, #tpu.memory_space<vmem_shared>>) offsets(%dma_start3A_377 : memref<80xi32, #tpu.memory_space<vmem>>) semaphore(%run_scoped3A_374 : memref<!tpu.dma_semaphore, #tpu.memory_space<semaphore_mem>>) {add = true}
      %dma_wait3A_381 = arith.constant 0 : i32
      %dma_wait3A_382 = tpu.memref_slice %arg8[%run_scoped3A_365, %dma_wait3A_381] : memref<25x80xi32, #tpu.memory_space<vmem>> -> memref<1x80xi32, #tpu.memory_space<vmem>>
      %dma_wait3A_383 = tpu.memref_squeeze %dma_wait3A_382 : memref<1x80xi32, #tpu.memory_space<vmem>> -> memref<80xi32, #tpu.memory_space<vmem>>
      %dma_wait3A_384 = arith.constant 0 : i32
      %dma_wait3A_385 = arith.constant 0 : i32
      %dma_wait3A_386 = tpu.memref_slice %arg13[%dma_wait3A_384, %dma_wait3A_385] : memref<10240x128xf32, #tpu.memory_space<vmem_shared>> -> memref<10240x128xf32, #tpu.memory_space<vmem_shared>>
      tpu.wait_indirect_dma semaphore(%run_scoped3A_374 : memref<!tpu.dma_semaphore, #tpu.memory_space<semaphore_mem>>) src(%arg11 : memref<80x128xf32, #tpu.memory_space<vmem>>) dst(%dma_wait3A_386 : memref<10240x128xf32, #tpu.memory_space<vmem_shared>>)
      tpu.yield
    }) : () -> ()
    %barrier3A_366 = arith.constant 0 : index
    tpu.barrier barrier_id(%barrier3A_366)
    %eq3A = arith.constant 0 : i32
    %eq3A_367 = arith.cmpi eq, %arg0, %eq3A : i32
    %convert_element_type3A = arith.extui %eq3A_367 : i1 to i32
    %cond3A = arith.constant 0 : i32
    %cond3A_368 = arith.cmpi ne, %convert_element_type3A, %cond3A : i32
    scf.if %cond3A_368 {
      %mul3A_374 = arith.constant 640 : i32
      %mul3A_375 = arith.muli %arg1, %mul3A_374 : i32
      %mul3A_376 = arith.constant 640 : i32
      %mul3A_377 = arith.muli %arg1, %mul3A_376 : i32
      "tpu.region"() ({
        %run_scoped3A_378 = tpu.sem_alloc : memref<!tpu.dma_semaphore, #tpu.memory_space<semaphore_mem>>
        %dma_start3A_379 = arith.constant 0 : i32
        %dma_start3A_380 = tpu.memref_slice %arg5[%mul3A_377, %dma_start3A_379] : memref<10240x128xf32, #tpu.memory_space<hbm>> -> memref<640x128xf32, #tpu.memory_space<hbm>>
        %dma_start3A_381 = arith.constant 0 : i32
        %dma_start3A_382 = tpu.memref_slice %arg13[%mul3A_375, %dma_start3A_381] : memref<10240x128xf32, #tpu.memory_space<vmem_shared>> -> memref<640x128xf32, #tpu.memory_space<vmem_shared>>
        tpu.enqueue_dma source(%dma_start3A_382 : memref<640x128xf32, #tpu.memory_space<vmem_shared>>) target(%dma_start3A_380 : memref<640x128xf32, #tpu.memory_space<hbm>>) target_semaphore(%run_scoped3A_378 : memref<!tpu.dma_semaphore, #tpu.memory_space<semaphore_mem>>)
        %dma_wait3A_383 = arith.constant 0 : i32
        %dma_wait3A_384 = tpu.memref_slice %arg5[%mul3A_377, %dma_wait3A_383] : memref<10240x128xf32, #tpu.memory_space<hbm>> -> memref<640x128xf32, #tpu.memory_space<hbm>>
        %dma_wait3A_385 = arith.constant 0 : i32
        %dma_wait3A_386 = tpu.memref_slice %arg13[%mul3A_375, %dma_wait3A_385] : memref<10240x128xf32, #tpu.memory_space<vmem_shared>> -> memref<640x128xf32, #tpu.memory_space<vmem_shared>>
        tpu.wait_dma2 semaphore(%run_scoped3A_378 : memref<!tpu.dma_semaphore, #tpu.memory_space<semaphore_mem>>) src(%dma_wait3A_386 : memref<640x128xf32, #tpu.memory_space<vmem_shared>>) dst(%dma_wait3A_384 : memref<640x128xf32, #tpu.memory_space<hbm>>)
        tpu.yield
      }) : () -> ()
    } else {
    }
    %eq3A_369 = arith.constant 1 : i32
    %eq3A_370 = arith.cmpi eq, %arg0, %eq3A_369 : i32
    %convert_element_type3A_371 = arith.extui %eq3A_370 : i1 to i32
    %cond3A_372 = arith.constant 0 : i32
    %cond3A_373 = arith.cmpi ne, %convert_element_type3A_371, %cond3A_372 : i32
    scf.if %cond3A_373 {
      %mul3A_374 = arith.constant 640 : i32
      %mul3A_375 = arith.muli %arg1, %mul3A_374 : i32
      %mul3A_376 = arith.constant 640 : i32
      %mul3A_377 = arith.muli %arg1, %mul3A_376 : i32
      "tpu.region"() ({
        %run_scoped3A_378 = tpu.sem_alloc : memref<!tpu.dma_semaphore, #tpu.memory_space<semaphore_mem>>
        %dma_start3A_379 = arith.constant 0 : i32
        %dma_start3A_380 = tpu.memref_slice %arg6[%mul3A_377, %dma_start3A_379] : memref<10240x128xf32, #tpu.memory_space<hbm>> -> memref<640x128xf32, #tpu.memory_space<hbm>>
        %dma_start3A_381 = arith.constant 0 : i32
        %dma_start3A_382 = tpu.memref_slice %arg13[%mul3A_375, %dma_start3A_381] : memref<10240x128xf32, #tpu.memory_space<vmem_shared>> -> memref<640x128xf32, #tpu.memory_space<vmem_shared>>
        tpu.enqueue_dma source(%dma_start3A_382 : memref<640x128xf32, #tpu.memory_space<vmem_shared>>) target(%dma_start3A_380 : memref<640x128xf32, #tpu.memory_space<hbm>>) target_semaphore(%run_scoped3A_378 : memref<!tpu.dma_semaphore, #tpu.memory_space<semaphore_mem>>)
        %dma_wait3A_383 = arith.constant 0 : i32
        %dma_wait3A_384 = tpu.memref_slice %arg6[%mul3A_377, %dma_wait3A_383] : memref<10240x128xf32, #tpu.memory_space<hbm>> -> memref<640x128xf32, #tpu.memory_space<hbm>>
        %dma_wait3A_385 = arith.constant 0 : i32
        %dma_wait3A_386 = tpu.memref_slice %arg13[%mul3A_375, %dma_wait3A_385] : memref<10240x128xf32, #tpu.memory_space<vmem_shared>> -> memref<640x128xf32, #tpu.memory_space<vmem_shared>>
        tpu.wait_dma2 semaphore(%run_scoped3A_378 : memref<!tpu.dma_semaphore, #tpu.memory_space<semaphore_mem>>) src(%dma_wait3A_386 : memref<640x128xf32, #tpu.memory_space<vmem_shared>>) dst(%dma_wait3A_384 : memref<640x128xf32, #tpu.memory_space<hbm>>)
        tpu.yield
      }) : () -> ()
    } else {
    }
    return
  }
}

module attributes {stable_mosaic.version = 14 : i64} {
  func.func @_y1_body(%arg0: i32, %arg1: memref<1024x128xf32, #tpu.memory_space<vmem>>, %arg2: memref<128x128xf32, #tpu.memory_space<vmem>>, %arg3: memref<2x1024x1xf32, #tpu.memory_space<vmem>>, %arg4: memref<1024x128xf32, #tpu.memory_space<vmem>>) attributes {dimension_semantics = [#tpu.dimension_semantics<arbitrary>], iteration_bounds = array<i64: 10>, scalar_prefetch = 0 : i64, scratch_operands = 0 : i64, tpu.core_type = #tpu.core_type<tc>, window_params = [{transform_indices = @transform_0, window_bounds = array<i64: 1024, 128>}, {pipeline_mode = #tpu.pipeline_mode<synchronous>, transform_indices = @transform_1, window_bounds = array<i64: 128, 128>}, {transform_indices = @transform_2, window_bounds = array<i64: 2, 1024, 1>}, {transform_indices = @transform_3, window_bounds = array<i64: 1024, 128>}]} {
    %get3A = arith.constant 0 : index
    %get3A_0 = arith.constant 0 : index
    %get3A_1 = arith.constant 0 : index
    %get3A_2 = vector.load %arg3[%get3A, %get3A_0, %get3A_1] : memref<2x1024x1xf32, #tpu.memory_space<vmem>>, vector<1x1024x1xf32>
    %get3A_3 = vector.shape_cast %get3A_2 : vector<1x1024x1xf32> to vector<1024x1xf32>
    %get3A_4 = arith.constant 1 : index
    %get3A_5 = arith.constant 0 : index
    %get3A_6 = arith.constant 0 : index
    %get3A_7 = vector.load %arg3[%get3A_4, %get3A_5, %get3A_6] : memref<2x1024x1xf32, #tpu.memory_space<vmem>>, vector<1x1024x1xf32>
    %get3A_8 = vector.shape_cast %get3A_7 : vector<1x1024x1xf32> to vector<1024x1xf32>
    %add3A = arith.addf %get3A_3, %get3A_8 : vector<1024x1xf32>
    %add3A_9 = arith.constant 1.000000e+00 : f32
    %add3A_10 = vector.broadcast %add3A_9 : f32 to vector<1024x1xf32>
    %add3A_11 = arith.addf %add3A, %add3A_10 : vector<1024x1xf32>
    %rsqrt3A = math.rsqrt %add3A_11 : vector<1024x1xf32>
    %get3A_12 = arith.constant 0 : index
    %get3A_13 = arith.constant 0 : index
    %get3A_14 = vector.load %arg1[%get3A_12, %get3A_13] : memref<1024x128xf32, #tpu.memory_space<vmem>>, vector<1024x128xf32>
    %get3A_15 = arith.constant 0 : index
    %get3A_16 = arith.constant 0 : index
    %get3A_17 = vector.load %arg2[%get3A_15, %get3A_16] : memref<128x128xf32, #tpu.memory_space<vmem>>, vector<128x128xf32>
    %dot_general3A = arith.constant dense<0.000000e+00> : vector<1024x128xf32>
    %dot_general3A_18 = tpu.matmul %get3A_14, %get3A_17, %dot_general3A {dimension_numbers = #tpu.dot_dimension_numbers<[1], [0], [0], [1], [0, 0, 1, 1], [], []>, transpose_lhs_hint = false} : vector<1024x128xf32>, vector<128x128xf32>, vector<1024x128xf32> -> vector<1024x128xf32>
    %mul3A = vector.broadcast %rsqrt3A : vector<1024x1xf32> to vector<1024x128xf32>
    %mul3A_19 = arith.mulf %dot_general3A_18, %mul3A : vector<1024x128xf32>
    %swap3A = arith.constant 0 : index
    %swap3A_20 = arith.constant 0 : index
    %swap3A_21 = vector.load %arg4[%swap3A, %swap3A_20] : memref<1024x128xf32, #tpu.memory_space<vmem>>, vector<1024x128xf32>
    tpu.vector_store %arg4[%swap3A, %swap3A_20], %mul3A_19 {strides = array<i32>} : memref<1024x128xf32, #tpu.memory_space<vmem>>, vector<1024x128xf32>,
    return
  }
  func.func @transform_0(%arg0: i32) -> (i32, i32) {
    %c0_i32 = arith.constant 0 : i32
    %c0_i32_0 = arith.constant 0 : i32
    return %arg0, %c0_i32 : i32, i32
  }
  func.func @transform_1(%arg0: i32) -> (i32, i32) {
    %c0_i32 = arith.constant 0 : i32
    %c0_i32_0 = arith.constant 0 : i32
    %c0_i32_1 = arith.constant 0 : i32
    return %c0_i32, %c0_i32_0 : i32, i32
  }
  func.func @transform_2(%arg0: i32) -> (i32, i32, i32) {
    %c0_i32 = arith.constant 0 : i32
    %c0_i32_0 = arith.constant 0 : i32
    %c0_i32_1 = arith.constant 0 : i32
    return %c0_i32, %arg0, %c0_i32_0 : i32, i32, i32
  }
  func.func @transform_3(%arg0: i32) -> (i32, i32) {
    %c0_i32 = arith.constant 0 : i32
    %c0_i32_0 = arith.constant 0 : i32
    return %arg0, %c0_i32 : i32, i32
  }
}

module attributes {stable_mosaic.version = 14 : i64} {
  func.func @_y2_body(%arg0: i32, %arg1: memref<1024x128xf32, #tpu.memory_space<vmem>>, %arg2: memref<1024x128xf32, #tpu.memory_space<vmem>>, %arg3: memref<1024x128xf32, #tpu.memory_space<vmem>>, %arg4: memref<2x1024x1xf32, #tpu.memory_space<vmem>>, %arg5: memref<1x128xf32, #tpu.memory_space<vmem>>, %arg6: memref<128x64xf32, #tpu.memory_space<vmem>>, %arg7: memref<1024x64xf32, #tpu.memory_space<vmem>>) attributes {dimension_semantics = [#tpu.dimension_semantics<arbitrary>], iteration_bounds = array<i64: 10>, scalar_prefetch = 0 : i64, scratch_operands = 0 : i64, tpu.core_type = #tpu.core_type<tc>, window_params = [{transform_indices = @transform_0, window_bounds = array<i64: 1024, 128>}, {transform_indices = @transform_1, window_bounds = array<i64: 1024, 128>}, {transform_indices = @transform_2, window_bounds = array<i64: 1024, 128>}, {transform_indices = @transform_3, window_bounds = array<i64: 2, 1024, 1>}, {pipeline_mode = #tpu.pipeline_mode<synchronous>, transform_indices = @transform_4, window_bounds = array<i64: 1, 128>}, {pipeline_mode = #tpu.pipeline_mode<synchronous>, transform_indices = @transform_5, window_bounds = array<i64: 128, 64>}, {transform_indices = @transform_6, window_bounds = array<i64: 1024, 64>}]} {
    %get3A = arith.constant 0 : index
    %get3A_0 = arith.constant 0 : index
    %get3A_1 = arith.constant 0 : index
    %get3A_2 = vector.load %arg4[%get3A, %get3A_0, %get3A_1] : memref<2x1024x1xf32, #tpu.memory_space<vmem>>, vector<1x1024x1xf32>
    %get3A_3 = vector.shape_cast %get3A_2 : vector<1x1024x1xf32> to vector<1024x1xf32>
    %get3A_4 = arith.constant 1 : index
    %get3A_5 = arith.constant 0 : index
    %get3A_6 = arith.constant 0 : index
    %get3A_7 = vector.load %arg4[%get3A_4, %get3A_5, %get3A_6] : memref<2x1024x1xf32, #tpu.memory_space<vmem>>, vector<1x1024x1xf32>
    %get3A_8 = vector.shape_cast %get3A_7 : vector<1x1024x1xf32> to vector<1024x1xf32>
    %add3A = arith.addf %get3A_3, %get3A_8 : vector<1024x1xf32>
    %add3A_9 = arith.constant 1.000000e+00 : f32
    %add3A_10 = vector.broadcast %add3A_9 : f32 to vector<1024x1xf32>
    %add3A_11 = arith.addf %add3A, %add3A_10 : vector<1024x1xf32>
    %rsqrt3A = math.rsqrt %add3A_11 : vector<1024x1xf32>
    %get3A_12 = arith.constant 0 : index
    %get3A_13 = arith.constant 0 : index
    %get3A_14 = vector.load %arg1[%get3A_12, %get3A_13] : memref<1024x128xf32, #tpu.memory_space<vmem>>, vector<1024x128xf32>
    %get3A_15 = arith.constant 0 : index
    %get3A_16 = arith.constant 0 : index
    %get3A_17 = vector.load %arg2[%get3A_15, %get3A_16] : memref<1024x128xf32, #tpu.memory_space<vmem>>, vector<1024x128xf32>
    %add3A_18 = arith.addf %get3A_14, %get3A_17 : vector<1024x128xf32>
    %get3A_19 = arith.constant 0 : index
    %get3A_20 = arith.constant 0 : index
    %get3A_21 = vector.load %arg3[%get3A_19, %get3A_20] : memref<1024x128xf32, #tpu.memory_space<vmem>>, vector<1024x128xf32>
    %add3A_22 = arith.addf %add3A_18, %get3A_21 : vector<1024x128xf32>
    %mul3A = vector.broadcast %rsqrt3A : vector<1024x1xf32> to vector<1024x128xf32>
    %mul3A_23 = arith.mulf %mul3A, %add3A_22 : vector<1024x128xf32>
    %get3A_24 = arith.constant 0 : index
    %get3A_25 = arith.constant 0 : index
    %get3A_26 = vector.load %arg5[%get3A_24, %get3A_25] : memref<1x128xf32, #tpu.memory_space<vmem>>, vector<1x128xf32>
    %add3A_27 = vector.broadcast %get3A_26 : vector<1x128xf32> to vector<1024x128xf32>
    %add3A_28 = arith.addf %mul3A_23, %add3A_27 : vector<1024x128xf32>
    %max3A = arith.constant 0.000000e+00 : f32
    %max3A_29 = vector.broadcast %max3A : f32 to vector<1024x128xf32>
    %max3A_30 = arith.maximumf %add3A_28, %max3A_29 : vector<1024x128xf32>
    %get3A_31 = arith.constant 0 : index
    %get3A_32 = arith.constant 0 : index
    %get3A_33 = vector.load %arg6[%get3A_31, %get3A_32] : memref<128x64xf32, #tpu.memory_space<vmem>>, vector<128x64xf32>
    %dot_general3A = arith.constant dense<0.000000e+00> : vector<1024x64xf32>
    %dot_general3A_34 = tpu.matmul %max3A_30, %get3A_33, %dot_general3A {dimension_numbers = #tpu.dot_dimension_numbers<[1], [0], [0], [1], [0, 0, 1, 1], [], []>, transpose_lhs_hint = false} : vector<1024x128xf32>, vector<128x64xf32>, vector<1024x64xf32> -> vector<1024x64xf32>
    %mul3A_35 = vector.broadcast %rsqrt3A : vector<1024x1xf32> to vector<1024x64xf32>
    %mul3A_36 = arith.mulf %dot_general3A_34, %mul3A_35 : vector<1024x64xf32>
    %swap3A = arith.constant 0 : index
    %swap3A_37 = arith.constant 0 : index
    %swap3A_38 = vector.load %arg7[%swap3A, %swap3A_37] : memref<1024x64xf32, #tpu.memory_space<vmem>>, vector<1024x64xf32>
    tpu.vector_store %arg7[%swap3A, %swap3A_37], %mul3A_36 {strides = array<i32>} : memref<1024x64xf32, #tpu.memory_space<vmem>>, vector<1024x64xf32>,
    return
  }
  func.func @transform_0(%arg0: i32) -> (i32, i32) {
    %c0_i32 = arith.constant 0 : i32
    %c0_i32_0 = arith.constant 0 : i32
    return %arg0, %c0_i32 : i32, i32
  }
  func.func @transform_1(%arg0: i32) -> (i32, i32) {
    %c0_i32 = arith.constant 0 : i32
    %c0_i32_0 = arith.constant 0 : i32
    return %arg0, %c0_i32 : i32, i32
  }
  func.func @transform_2(%arg0: i32) -> (i32, i32) {
    %c0_i32 = arith.constant 0 : i32
    %c0_i32_0 = arith.constant 0 : i32
    return %arg0, %c0_i32 : i32, i32
  }
  func.func @transform_3(%arg0: i32) -> (i32, i32, i32) {
    %c0_i32 = arith.constant 0 : i32
    %c0_i32_0 = arith.constant 0 : i32
    %c0_i32_1 = arith.constant 0 : i32
    return %c0_i32, %arg0, %c0_i32_0 : i32, i32, i32
  }
  func.func @transform_4(%arg0: i32) -> (i32, i32) {
    %c0_i32 = arith.constant 0 : i32
    %c0_i32_0 = arith.constant 0 : i32
    %c0_i32_1 = arith.constant 0 : i32
    return %c0_i32, %c0_i32_0 : i32, i32
  }
  func.func @transform_5(%arg0: i32) -> (i32, i32) {
    %c0_i32 = arith.constant 0 : i32
    %c0_i32_0 = arith.constant 0 : i32
    %c0_i32_1 = arith.constant 0 : i32
    return %c0_i32, %c0_i32_0 : i32, i32
  }
  func.func @transform_6(%arg0: i32) -> (i32, i32) {
    %c0_i32 = arith.constant 0 : i32
    %c0_i32_0 = arith.constant 0 : i32
    return %arg0, %c0_i32 : i32, i32
  }
}

module attributes {stable_mosaic.version = 14 : i64} {
  func.func @_final_body(%arg0: i32, %arg1: memref<1024x64xf32, #tpu.memory_space<vmem>>, %arg2: memref<1024x64xf32, #tpu.memory_space<vmem>>, %arg3: memref<1024x64xf32, #tpu.memory_space<vmem>>, %arg4: memref<2x1024x1xf32, #tpu.memory_space<vmem>>, %arg5: memref<1x64xf32, #tpu.memory_space<vmem>>, %arg6: memref<1024x1xf32, #tpu.memory_space<vmem>>, %arg7: memref<8x64xf32, #tpu.memory_space<vmem>>, %arg8: memref<8x64xf32, #tpu.memory_space<vmem>>, %arg9: memref<8x64xf32, #tpu.memory_space<vmem>>) attributes {dimension_semantics = [#tpu.dimension_semantics<arbitrary>], iteration_bounds = array<i64: 10>, scalar_prefetch = 0 : i64, scratch_operands = 2 : i64, tpu.core_type = #tpu.core_type<tc>, window_params = [{transform_indices = @transform_0, window_bounds = array<i64: 1024, 64>}, {transform_indices = @transform_1, window_bounds = array<i64: 1024, 64>}, {transform_indices = @transform_2, window_bounds = array<i64: 1024, 64>}, {transform_indices = @transform_3, window_bounds = array<i64: 2, 1024, 1>}, {pipeline_mode = #tpu.pipeline_mode<synchronous>, transform_indices = @transform_4, window_bounds = array<i64: 1, 64>}, {transform_indices = @transform_5, window_bounds = array<i64: 1024, 1>}, {pipeline_mode = #tpu.pipeline_mode<synchronous>, transform_indices = @transform_6, window_bounds = array<i64: 8, 64>}]} {
    %get3A = arith.constant 0 : index
    %get3A_0 = arith.constant 0 : index
    %get3A_1 = arith.constant 0 : index
    %get3A_2 = vector.load %arg4[%get3A, %get3A_0, %get3A_1] : memref<2x1024x1xf32, #tpu.memory_space<vmem>>, vector<1x1024x1xf32>
    %get3A_3 = vector.shape_cast %get3A_2 : vector<1x1024x1xf32> to vector<1024x1xf32>
    %get3A_4 = arith.constant 1 : index
    %get3A_5 = arith.constant 0 : index
    %get3A_6 = arith.constant 0 : index
    %get3A_7 = vector.load %arg4[%get3A_4, %get3A_5, %get3A_6] : memref<2x1024x1xf32, #tpu.memory_space<vmem>>, vector<1x1024x1xf32>
    %get3A_8 = vector.shape_cast %get3A_7 : vector<1x1024x1xf32> to vector<1024x1xf32>
    %add3A = arith.addf %get3A_3, %get3A_8 : vector<1024x1xf32>
    %add3A_9 = arith.constant 1.000000e+00 : f32
    %add3A_10 = vector.broadcast %add3A_9 : f32 to vector<1024x1xf32>
    %add3A_11 = arith.addf %add3A, %add3A_10 : vector<1024x1xf32>
    %rsqrt3A = math.rsqrt %add3A_11 : vector<1024x1xf32>
    %get3A_12 = arith.constant 0 : index
    %get3A_13 = arith.constant 0 : index
    %get3A_14 = vector.load %arg1[%get3A_12, %get3A_13] : memref<1024x64xf32, #tpu.memory_space<vmem>>, vector<1024x64xf32>
    %get3A_15 = arith.constant 0 : index
    %get3A_16 = arith.constant 0 : index
    %get3A_17 = vector.load %arg2[%get3A_15, %get3A_16] : memref<1024x64xf32, #tpu.memory_space<vmem>>, vector<1024x64xf32>
    %add3A_18 = arith.addf %get3A_14, %get3A_17 : vector<1024x64xf32>
    %get3A_19 = arith.constant 0 : index
    %get3A_20 = arith.constant 0 : index
    %get3A_21 = vector.load %arg3[%get3A_19, %get3A_20] : memref<1024x64xf32, #tpu.memory_space<vmem>>, vector<1024x64xf32>
    %add3A_22 = arith.addf %add3A_18, %get3A_21 : vector<1024x64xf32>
    %mul3A = vector.broadcast %rsqrt3A : vector<1024x1xf32> to vector<1024x64xf32>
    %mul3A_23 = arith.mulf %mul3A, %add3A_22 : vector<1024x64xf32>
    %get3A_24 = arith.constant 0 : index
    %get3A_25 = arith.constant 0 : index
    %get3A_26 = vector.load %arg5[%get3A_24, %get3A_25] : memref<1x64xf32, #tpu.memory_space<vmem>>, vector<1x64xf32>
    %add3A_27 = vector.broadcast %get3A_26 : vector<1x64xf32> to vector<1024x64xf32>
    %add3A_28 = arith.addf %mul3A_23, %add3A_27 : vector<1024x64xf32>
    %get3A_29 = arith.constant 0 : index
    %get3A_30 = arith.constant 0 : index
    %get3A_31 = vector.load %arg6[%get3A_29, %get3A_30] : memref<1024x1xf32, #tpu.memory_space<vmem>>, vector<1024x1xf32>
    %iota3A = tpu.iota {dimensions = array<i32: 1>} : vector<1x8xi32>
    %convert_element_type3A = arith.sitofp %iota3A : vector<1x8xi32> to vector<1x8xf32>
    %eq3A = vector.broadcast %get3A_31 : vector<1024x1xf32> to vector<1024x8xf32>
    %eq3A_32 = vector.broadcast %convert_element_type3A : vector<1x8xf32> to vector<1024x8xf32>
    %eq3A_33 = arith.cmpf oeq, %eq3A, %eq3A_32 : vector<1024x8xf32>
    %convert_element_type3A_34 = arith.extui %eq3A_33 : vector<1024x8xi1> to vector<1024x8xi32>
    %convert_element_type3A_35 = arith.sitofp %convert_element_type3A_34 : vector<1024x8xi32> to vector<1024x8xf32>
    %dot_general3A = arith.constant dense<0.000000e+00> : vector<8x64xf32>
    %dot_general3A_36 = tpu.matmul %convert_element_type3A_35, %add3A_28, %dot_general3A {dimension_numbers = #tpu.dot_dimension_numbers<[0], [0], [1], [1], [0, 1, 1, 1], [], []>, transpose_lhs_hint = false} : vector<1024x8xf32>, vector<1024x64xf32>, vector<8x64xf32> -> vector<8x64xf32>
    %broadcast_in_dim3A = arith.constant 1.000000e+00 : f32
    %broadcast_in_dim3A_37 = vector.broadcast %broadcast_in_dim3A : f32 to vector<1024x1xf32>
    %dot_general3A_38 = arith.constant dense<0.000000e+00> : vector<8x1xf32>
    %dot_general3A_39 = tpu.matmul %convert_element_type3A_35, %broadcast_in_dim3A_37, %dot_general3A_38 {dimension_numbers = #tpu.dot_dimension_numbers<[0], [0], [1], [1], [0, 1, 1, 1], [], []>, transpose_lhs_hint = false} : vector<1024x8xf32>, vector<1024x1xf32>, vector<8x1xf32> -> vector<8x1xf32>
    %eq3A_40 = arith.constant 0 : i32
    %eq3A_41 = arith.cmpi eq, %arg0, %eq3A_40 : i32
    %convert_element_type3A_42 = arith.extui %eq3A_41 : i1 to i32
    %cond3A = arith.constant 0 : i32
    %cond3A_43 = arith.cmpi ne, %convert_element_type3A_42, %cond3A : i32
    scf.if %cond3A_43 {
      %broadcast_in_dim3A_64 = arith.constant 0.000000e+00 : f32
      %broadcast_in_dim3A_65 = vector.broadcast %broadcast_in_dim3A_64 : f32 to vector<8x64xf32>
      %swap3A_66 = arith.constant 0 : index
      %swap3A_67 = arith.constant 0 : index
      %swap3A_68 = vector.load %arg8[%swap3A_66, %swap3A_67] : memref<8x64xf32, #tpu.memory_space<vmem>>, vector<8x64xf32>
      tpu.vector_store %arg8[%swap3A_66, %swap3A_67], %broadcast_in_dim3A_65 {strides = array<i32>} : memref<8x64xf32, #tpu.memory_space<vmem>>, vector<8x64xf32>,
      %broadcast_in_dim3A_69 = arith.constant 0.000000e+00 : f32
      %broadcast_in_dim3A_70 = vector.broadcast %broadcast_in_dim3A_69 : f32 to vector<8x64xf32>
      %swap3A_71 = arith.constant 0 : index
      %swap3A_72 = arith.constant 0 : index
      %swap3A_73 = vector.load %arg9[%swap3A_71, %swap3A_72] : memref<8x64xf32, #tpu.memory_space<vmem>>, vector<8x64xf32>
      tpu.vector_store %arg9[%swap3A_71, %swap3A_72], %broadcast_in_dim3A_70 {strides = array<i32>} : memref<8x64xf32, #tpu.memory_space<vmem>>, vector<8x64xf32>,
    } else {
    }
    %get3A_44 = arith.constant 0 : index
    %get3A_45 = arith.constant 0 : index
    %get3A_46 = vector.load %arg8[%get3A_44, %get3A_45] : memref<8x64xf32, #tpu.memory_space<vmem>>, vector<8x64xf32>
    %add3A_47 = arith.addf %get3A_46, %dot_general3A_36 : vector<8x64xf32>
    %swap3A = arith.constant 0 : index
    %swap3A_48 = arith.constant 0 : index
    %swap3A_49 = vector.load %arg8[%swap3A, %swap3A_48] : memref<8x64xf32, #tpu.memory_space<vmem>>, vector<8x64xf32>
    tpu.vector_store %arg8[%swap3A, %swap3A_48], %add3A_47 {strides = array<i32>} : memref<8x64xf32, #tpu.memory_space<vmem>>, vector<8x64xf32>,
    %get3A_50 = arith.constant 0 : index
    %get3A_51 = arith.constant 0 : index
    %get3A_52 = vector.load %arg9[%get3A_50, %get3A_51] : memref<8x64xf32, #tpu.memory_space<vmem>>, vector<8x64xf32>
    %broadcast_in_dim3A_53 = vector.shape_cast %dot_general3A_39 : vector<8x1xf32> to vector<8x1xf32>
    %broadcast_in_dim3A_54 = vector.broadcast %broadcast_in_dim3A_53 : vector<8x1xf32> to vector<8x64xf32>
    %add3A_55 = arith.addf %get3A_52, %broadcast_in_dim3A_54 : vector<8x64xf32>
    %swap3A_56 = arith.constant 0 : index
    %swap3A_57 = arith.constant 0 : index
    %swap3A_58 = vector.load %arg9[%swap3A_56, %swap3A_57] : memref<8x64xf32, #tpu.memory_space<vmem>>, vector<8x64xf32>
    tpu.vector_store %arg9[%swap3A_56, %swap3A_57], %add3A_55 {strides = array<i32>} : memref<8x64xf32, #tpu.memory_space<vmem>>, vector<8x64xf32>,
    %eq3A_59 = arith.constant 9 : i32
    %eq3A_60 = arith.cmpi eq, %arg0, %eq3A_59 : i32
    %convert_element_type3A_61 = arith.extui %eq3A_60 : i1 to i32
    %cond3A_62 = arith.constant 0 : i32
    %cond3A_63 = arith.cmpi ne, %convert_element_type3A_61, %cond3A_62 : i32
    scf.if %cond3A_63 {
      %get3A_64 = arith.constant 0 : index
      %get3A_65 = arith.constant 0 : index
      %get3A_66 = vector.load %arg8[%get3A_64, %get3A_65] : memref<8x64xf32, #tpu.memory_space<vmem>>, vector<8x64xf32>
      %get3A_67 = arith.constant 0 : index
      %get3A_68 = arith.constant 0 : index
      %get3A_69 = vector.load %arg9[%get3A_67, %get3A_68] : memref<8x64xf32, #tpu.memory_space<vmem>>, vector<8x64xf32>
      %max3A = arith.constant 1.000000e+00 : f32
      %max3A_70 = vector.broadcast %max3A : f32 to vector<8x64xf32>
      %max3A_71 = arith.maximumf %get3A_69, %max3A_70 : vector<8x64xf32>
      %div3A = arith.divf %get3A_66, %max3A_71 : vector<8x64xf32>
      %swap3A_72 = arith.constant 0 : index
      %swap3A_73 = arith.constant 0 : index
      %swap3A_74 = vector.load %arg7[%swap3A_72, %swap3A_73] : memref<8x64xf32, #tpu.memory_space<vmem>>, vector<8x64xf32>
      tpu.vector_store %arg7[%swap3A_72, %swap3A_73], %div3A {strides = array<i32>} : memref<8x64xf32, #tpu.memory_space<vmem>>, vector<8x64xf32>,
    } else {
    }
    return
  }
  func.func @transform_0(%arg0: i32) -> (i32, i32) {
    %c0_i32 = arith.constant 0 : i32
    %c0_i32_0 = arith.constant 0 : i32
    return %arg0, %c0_i32 : i32, i32
  }
  func.func @transform_1(%arg0: i32) -> (i32, i32) {
    %c0_i32 = arith.constant 0 : i32
    %c0_i32_0 = arith.constant 0 : i32
    return %arg0, %c0_i32 : i32, i32
  }
  func.func @transform_2(%arg0: i32) -> (i32, i32) {
    %c0_i32 = arith.constant 0 : i32
    %c0_i32_0 = arith.constant 0 : i32
    return %arg0, %c0_i32 : i32, i32
  }
  func.func @transform_3(%arg0: i32) -> (i32, i32, i32) {
    %c0_i32 = arith.constant 0 : i32
    %c0_i32_0 = arith.constant 0 : i32
    %c0_i32_1 = arith.constant 0 : i32
    return %c0_i32, %arg0, %c0_i32_0 : i32, i32, i32
  }
  func.func @transform_4(%arg0: i32) -> (i32, i32) {
    %c0_i32 = arith.constant 0 : i32
    %c0_i32_0 = arith.constant 0 : i32
    %c0_i32_1 = arith.constant 0 : i32
    return %c0_i32, %c0_i32_0 : i32, i32
  }
  func.func @transform_5(%arg0: i32) -> (i32, i32) {
    %c0_i32 = arith.constant 0 : i32
    %c0_i32_0 = arith.constant 0 : i32
    return %arg0, %c0_i32 : i32, i32
  }
  func.func @transform_6(%arg0: i32) -> (i32, i32) {
    %c0_i32 = arith.constant 0 : i32
    %c0_i32_0 = arith.constant 0 : i32
    %c0_i32_1 = arith.constant 0 : i32
    return %c0_i32, %c0_i32_0 : i32, i32
  }
}

</mosaic_0001>

<sc_bundles>
// kernel: kernel.11.cloned.1.call-start
scs
__scs_entry_jumppad:
0x0: {  	(pc) =	sbr.rel $0x88, $3  }
0x1: {  	(tag) =	ssettag $0x0;
	lr =	simm.s32 $0x1  }
0x2: {  	[smem:$0x3F9A] =	sst lr;
	_ =	strace $0xD0000000  }
0x3: {  	_ = 	snop  }
0x4: {  	_ = 	snop  }
0x5: {  	_ = 	snop  }
0x6: {  	_ = 	snop  }
0x7: {  	_ = 	snop  }
__scs_overlays_trampoline_lowered:
0x8: {  	[smem:$0x3FA9] =	sst s0  }
0x9: {  	[smem:$0x3FAA] =	sst s1  }
0xa: {  	[smem:$0x3FAB] =	sst s2  }
0xb: {  	[smem:$0x3FAC] =	sst s3  }
0xc: {  	[smem:$0x3FAD] =	sst s4  }
0xd: {  	[smem:$0x3FAE] =	sst s5  }
0xe: {  	[smem:$0x3FAF] =	sst s6  }
0xf: {  	[smem:$0x3FB0] =	sst s7  }
0x10: {  	[smem:$0x3FB1] =	sst s8  }
0x11: {  	[smem:$0x3FB2] =	sst s9;
	s0 =	simm.s32 @!p0 $0x0  }
0x12: {  	s1 =	sld [smem:$0x3F98];
	s0 =	simm.s32 @p0 $0x1  }
0x13: {  	[smem:$0x3FB3] =	sst s0;
	s0 =	simm.s32 @!p1 $0x0  }
0x14: {  	s2 =	sld [smem:$0x3F97];
	s0 =	simm.s32 @p1 $0x1  }
0x15: {  	[smem:$0x3FB4] =	sst s0;
	s0 =	simm.s32 @!p2 $0x0  }
0x16: {  	s3 =	sld [smem:$0x3FDB];
	s0 =	simm.s32 @p2 $0x1  }
0x17: {  	s4 =	simm.s32 $0x1BF5;
	[smem:$0x3FB6] =	sst s0  }
0x18: {  	s0 =	sld [smem:$0x3F99];
	_ =	swait.ge [sflag:s4], $0x0  }
0x19: {  	s7 =	sld [smem:$0x3F9A]  }
0x1a: {  	s8 =	sadd.s32 $0xFFFFE003, lr  }
0x1b: {  	s9 =	sadd.s32 $0xFFFFFEF7, lr;
	s5 =	simm.s32 $0xFFFFFFFF;
	p2 =	slt.u32 s8, $0xFFFFF086  }
0x1c: {  	p1 =	slt.u32 s9, $0xF7A;
	s5 =	simm.s32 @!p2 $0x0  }
0x1d: {  	s5 =	simm.s32 @p1 $0x1;
	p0 =	seq.s32 s7, s2  }
0x1e: {  	s7 =	smul.u32 @!p0 $0xF7A, s2;
	p2 =	seq.s32 @!p0 s5, $0x0  }
0x1f: {  	s9 =	smul.u32 $0xF7A, s1;
	s8 =	simm.s32 @!p0 $0x1BF5;
	p2 =	por !p2, p0  }
0x20: {  	[sflag:s8] =	ssyncset.s32 @!p0 $0xFFFFF086;
	s6 =	sadd.s32 @!p0 s3, s7;
	s7 =	simm.s32 @!p0 $0x108  }
0x21: {  	s3 =	sadd.s32 s3, s9;
	s6 =	sadd.s32 @!p0 $0x88, s6;
	s7 =	simm.s32 @p2 $0x1082  }
0x22: {  	[simem:s7], [sflag:s8] =	dma.local @!p0 [hbm:s6], $0xF7A  }
0x23: {  	s9 =	sor.u32 $0xD0000000, s2;
	s6 =	simm.s32 $0x108;
	_ =	swait.ge @!p0 [sflag:s8], $0x0  }
0x24: {  	s3 =	sadd.s32 $0x88, s3;
	s6 =	simm.s32 @!p1 $0x1082;
	[sflag:s4] =	ssyncset.s32 $0xFFFFF086  }
0x25: {  	[simem:s6], [sflag:s4] =	dma.local [hbm:s3], $0xF7A  }
0x26: {  	[smem:$0x3F9A] =	sst s1;
	(tag) =	ssettag s2;
	_ =	strace s9  }
0x27: {  	s1 =	sld [smem:$0x3FAA]  }
0x28: {  	s2 =	sld [smem:$0x3FAB]  }
0x29: {  	s4 =	sld [smem:$0x3FAD]  }
0x2a: {  	p0 =	seq.s32 s5, $0x0;
	s5 =	sld [smem:$0x3FAE]  }
0x2b: {  	s6 =	sld [smem:$0x3FAF]  }
0x2c: {  	s7 =	sld [smem:$0x3FB0]  }
0x2d: {  	s3 =	simm.s32 $0x108;
	s8 =	sld [smem:$0x3FB1]  }
0x2e: {  	s3 =	simm.s32 @!p0 $0x1082;
	s9 =	sld [smem:$0x3FB2]  }
0x2f: {  	lr =	sadd.s32 s0, s3;
	s0 =	sld [smem:$0x3FA9]  }
0x30: {  	s3 =	sld [smem:$0x3FAC]  }
0x31: {  	[smem:$0x3FB5] =	sst s10  }
0x32: {  	s10 =	sld [smem:$0x3FB3];
	_ =	sdelay $0x3  }
0x33: {  	p0 =	seq.s32 s10, $0x1;
	s10 =	sld [smem:$0x3FB5];
	_ =	sdelay $0x3  }
0x34: {  	[smem:$0x3FB5] =	sst s10  }
0x35: {  	s10 =	sld [smem:$0x3FB4];
	_ =	sdelay $0x3  }
0x36: {  	p1 =	seq.s32 s10, $0x1;
	s10 =	sld [smem:$0x3FB5];
	_ =	sdelay $0x3  }
0x37: {  	[smem:$0x3FB5] =	sst s10  }
0x38: {  	s10 =	sld [smem:$0x3FB6]  }
0x39: {  	_ = 	snop;
	(pc) =	sbr.ind lr, $3  }
0x3a: {  	_ = 	snop  }
0x3b: {  	_ = 	snop  }
0x3c: {  	p2 =	seq.s32 s10, $0x1;
	s10 =	sld [smem:$0x3FB5]  }
0x3d: {  	_ =	shalt  }
0x3e: {  	_ =	shalt  }
0x3f: {  	_ =	shalt  }
0x40: {  	_ =	shalt  }
0x41: {  	_ =	shalt  }
0x42: {  	_ =	shalt  }
0x43: {  	_ =	shalt  }
0x44: {  	_ =	shalt  }
0x45: {  	_ =	shalt  }
0x46: {  	_ =	shalt  }
0x47: {  	_ =	shalt  }
0x48: {  	_ =	shalt  }
0x49: {  	_ =	shalt  }
0x4a: {  	_ =	shalt  }
0x4b: {  	_ =	shalt  }
0x4c: {  	_ =	shalt  }
0x4d: {  	_ =	shalt  }
0x4e: {  	_ =	shalt  }
0x4f: {  	_ =	shalt  }
0x50: {  	_ =	shalt  }
0x51: {  	_ =	shalt  }
0x52: {  	_ =	shalt  }
0x53: {  	_ =	shalt  }
0x54: {  	_ =	shalt  }
0x55: {  	_ =	shalt  }
0x56: {  	_ =	shalt  }
0x57: {  	_ =	shalt  }
0x58: {  	_ =	shalt  }
0x59: {  	_ =	shalt  }
0x5a: {  	_ =	shalt  }
0x5b: {  	_ =	shalt  }
0x5c: {  	_ =	shalt  }
0x5d: {  	_ =	shalt  }
0x5e: {  	_ =	shalt  }
0x5f: {  	_ =	shalt  }
0x60: {  	_ =	shalt  }
0x61: {  	_ =	shalt  }
0x62: {  	_ =	shalt  }
0x63: {  	_ =	shalt  }
0x64: {  	_ =	shalt  }
0x65: {  	_ =	shalt  }
0x66: {  	_ =	shalt  }
0x67: {  	_ =	shalt  }
0x68: {  	_ =	shalt  }
0x69: {  	_ =	shalt  }
0x6a: {  	_ =	shalt  }
0x6b: {  	_ =	shalt  }
0x6c: {  	_ =	shalt  }
0x6d: {  	_ =	shalt  }
0x6e: {  	_ =	shalt  }
0x6f: {  	_ =	shalt  }
0x70: {  	_ =	shalt  }
0x71: {  	_ =	shalt  }
0x72: {  	_ =	shalt  }
0x73: {  	_ =	shalt  }
0x74: {  	_ =	shalt  }
0x75: {  	_ =	shalt  }
0x76: {  	_ =	shalt  }
0x77: {  	_ =	shalt  }
0x78: {  	_ =	shalt  }
0x79: {  	_ =	shalt  }
0x7a: {  	_ =	shalt  }
0x7b: {  	_ =	shalt  }
0x7c: {  	_ =	shalt  }
0x7d: {  	_ =	shalt  }
0x7e: {  	_ =	shalt  }
0x7f: {  	_ =	shalt  }
0x80: {  	_ =	shalt  }
0x81: {  	_ =	shalt  }
0x82: {  	_ =	shalt  }
0x83: {  	_ =	shalt  }
0x84: {  	_ =	shalt  }
0x85: {  	_ =	shalt  }
0x86: {  	_ =	shalt  }
0x87: {  	_ =	shalt  }
.Lfunc_end0:
.L_simem_size_0:
called_computation.1_lowered:
.L_overlay_start_0:
0x88: {  	s2 =	sld [smem:$0x3FD9]  }
0x89: {  	s3 =	sld [smem:$0x3FFE];
	_ =	sdelay $0x1  }
0x8a: {  	s1 =	srdreg.scid  }
0x8b: {  	s0 =	sand.u32 $0x1, s1  }
0x8c: {  	s16 =	sshll.u32 s0, $0xA;
	s2 =	sadd.s32 s3, s2  }
0x8d: {  	s2 =	sadd.s32 s2, s16  }
0x8e: {  	[smem:$0x3FC1] =	sst s2  }
0x8f: {  	_ = 	snop  }
0x90: {  	(tm) =	ssettm $0x1  }
0x91: {  	s17 =	sld [smem:$0x3FFB];
	_ =	sdelay $0x3  }
0x92: {  	_ =	strace s17  }
0x93: {  	s2 =	sld [smem:$0x3FFC];
	_ =	sdelay $0x3  }
0x94: {  	_ =	strace s2  }
0x95: {  	s2 =	sld [smem:$0x3FFD];
	_ =	sdelay $0x3  }
0x96: {  	_ =	strace s2  }
0x97: {  	_ =	strace $0x8FFFFFFF  }
0x98: {  	s18 =	sld [smem:$0x3FDB];
	_ =	sdelay $0x1  }
0x99: {  	s19 =	simm.s32 $_scs_section_size  }
0x9a: {  	s4 =	simm.s32 $_size__tile_overlayer_lowered;
	s5 =	simm.s32 $_tile_overlayer_lowered  }
0x9b: {  	s22 =	simm.s32 $0x1BFF;
	s21 =	sshll.u32 s5, $0x1;
	s2 =	sadd.s32 s19, s18  }
0x9c: {  	s6 =	simm.s32 $0x0;
	s20 =	sshll.u32 s4, $0x1;
	s4 =	sadd.s32 s21, s2  }
0x9d: {  	[timem:s6], [sflag:s22] =	dma.local [hbm:s4], s20  }
0x9e: {  	_ =	swait.ge [sflag:s22], s20  }
0x9f: {  	s3 =	ssub.s32 $0x0, s20;
	[sflag:s22] =	ssyncset.done $0x0  }
0xa0: {  	[sflag:s22] =	ssyncadd.s32 s3;
	_ =	sdelay $0x1  }
0xa1: {  	s23 =	simm.s32 $0x1B8B  }
0xa2: {  	_ =	swait.ge [sflag:s23], $0x1  }
0xa3: {  	[sflag:s23] =	ssyncset.done $0x0  }
0xa4: {  	s25 =	simm.s32 $0x1B8E;
	s24 =	sld [smem:$0x3FFE];
	[sflag:s23] =	ssyncadd.s32 $0xFFFFFFFF  }
0xa5: {  	s26 =	simm.s32 $execute0_lowered;
	[smem:$0x3FD2] =	sst s25  }
0xa6: {  	s4 =	sshll.u32 s26, $0x1;
	_ =	strace $0x80000049;
	[dreg:$0x1] =	wrdreg $0xFFFFFFFF  }
0xa7: {  	s28 =	simm.s32 $_size_execute0_lowered;
	s2 =	sadd.s32 s2, s4;
	[dreg:$0x0] =	wrdreg $0x0  }
0xa8: {  	s4 =	sshll.u32 s28, $0x1;
	[dreg:$0x2] =	wrdreg s2  }
0xa9: {  	[dreg:$0x3] =	wrdreg s4  }
0xaa: {  	[dreg:$0x4] =	wrdreg $0xC0  }
0xab: {  	_ =	task [dreg:s6], $0x5FFFF  }
0xac: {  	[dreg:$0x1] =	wrdreg $0xFFFFFFFF  }
0xad: {  	[dreg:$0x0] =	wrdreg $0x60  }
0xae: {  	[dreg:$0x2] =	wrdreg s24  }
0xaf: {  	[dreg:$0x3] =	wrdreg $0x90000  }
0xb0: {  	[dreg:$0x4] =	wrdreg $0x9  }
0xb1: {  	_ =	task.clear_ibuf [dreg:s6], $0x5FFFF;
	_ =	strace $0x90000049  }
0xb2: {  	s29 =	simm.s32 $0x9;
	_ =	strace $0x8000004B  }
0xb3: {  	_ =	swait.ge [sflag:s29], $0x1  }
0xb4: {  	[sflag:s29] =	ssyncadd.s32 $0xFFFFFFFF  }
0xb5: {  	_ =	strace $0x9000004B  }
0xb6: {  	_ =	sfence  }
0xb7: {  	s30 =	sld [smem:$0x0];
	_ =	sdelay $0x2  }
0xb8: {  	s31 =	sshll.u32 s1, $0xD;
	s1 =	sshrl.u32 s1, $0x2  }
0xb9: {  	s3 =	sand.u32 $0x4000, s31;
	s1 =	sadd.s32 s1, s30  }
0xba: {  	s0 =	sor.u32 s3, s0;
	s1 =	sshll.u32 s1, $0x11  }
0xbb: {  	s0 =	sor.u32 s1, s0  }
0xbc: {  	s0 =	sadd.s32 $0x8F2B, s0  }
0xbd: {  	[sflag:s0] =	ssyncadd.remote.s32 $0x1  }
0xbe: {  	_ =	sfence.sel $0xFFFF  }
0xbf: {  	[dreg:$0x0] =	wrdreg $0xFFFFFFFF;
	(pc) =	sbr.abs _section_cstart, $3  }
0xc0: {  	[dreg:$0x1] =	wrdreg $0xFFFFFFFF  }
0xc1: {  	_ =	task.clear_ibuf [dreg:s6], $0x2FFFF;
	_ =	strace $0x9FFFFFFF  }
0xc2: {  	(tm) =	ssettm $0x7FFFFFFF  }
0xc3: {  	_ =	shalt  }
tec
execute0_lowered:
.L_overlay_start_1:
0x0: {  	(tag) =	ssettag $0x1  }
0x1: {  	s0 =	rddreg [dreg:$0x0]  }
0x2: {  	s1 =	rddreg [dreg:$0x1]  }
0x3: {  	s3 =	simm.s32 $0x0;
	s2 =	srdreg.scid;
	s12 =	stileid.u32  }
0x4: {  	s28 =	simm.s32 $0x4;
	s29 =	simm.s32 $0x1000;
	s30 =	simm.s32 $0x50  }
0x5: {  	s31 =	simm.s32 $0x2000;
	[smem:$0x7FF] =	sst s3;
	s4 =	sadd.s32 $0x8B400, s0  }
0x6: {  	s2 =	sand.u32 $0x1, s2;
	s5 =	smul.u32 $0x50000, s12;
	s6 =	sadd.s32 $0x27400, s0  }
0x7: {  	s7 =	sadd.s32 $0x13400, s0;
	s26 =	smul.u32 $0x2800, s12;
	_ =	strace $0x8000004A  }
0x8: {  	s8 =	sshll.u32 s2, $0x4;
	s9 =	ssub.s32 $0x2, s2;
	s5 =	sshrl.u32 s5, $0x2  }
0x9: {  	p0 =	seq.s32 s2, $0x1;
	s2 =	simm.s32 $0xDB400;
	s5 =	sadd.s32 s5, s1  }
0xa: {  	s8 =	sor.u32 s12, s8;
	s10 =	sshrl.u32 s9, $0x1;
	s17 =	sadd.s32 $0x2800, s5  }
0xb: {  	s2 =	simm.s32 @!p0 $0xB3400;
	s18 =	sadd.s32 $0x5000, s5;
	[dreg:$0x3] =	wrdreg s17  }
0xc: {  	s8 =	smul.u32 $0x5000, s8;
	s19 =	sadd.s32 $0x7800, s5;
	[dreg:$0x4] =	wrdreg s18  }
0xd: {  	s9 =	ssub.s32 s9, s10;
	s20 =	sadd.s32 $0xA000, s5;
	[dreg:$0x5] =	wrdreg s19  }
0xe: {  	s0 =	sadd.s32 s2, s0;
	s21 =	sadd.s32 $0xC800, s5;
	[dreg:$0x6] =	wrdreg s20  }
0xf: {  	s2 =	simm.s32 $0x6800;
	s8 =	sshrl.u32 s8, $0x3;
	[dreg:$0x7] =	wrdreg s21  }
0x10: {  	s21 =	sadd.s32 $0xF000, s5;
	s22 =	sadd.s32 s6, s8;
	s23 =	sadd.s32 $0x200, s8  }
0x11: {  	s11 =	sadd.s32 s7, s8;
	s24 =	sadd.s32 $0x400, s8;
	[dreg:$0x8] =	wrdreg s22  }
0x12: {  	s25 =	sadd.s32 $0x600, s8;
	s8 =	sadd.s32 $0x800, s8;
	[dreg:$0x9] =	wrdreg s11  }
0x13: {  	s13 =	sadd.s32 s6, s23;
	s14 =	sadd.s32 s7, s23;
	s15 =	sadd.s32 s6, s24  }
0x14: {  	s16 =	sadd.s32 s7, s24;
	s17 =	sadd.s32 s6, s25;
	s18 =	sadd.s32 s7, s25  }
0x15: {  	s19 =	sadd.s32 s6, s8;
	s20 =	sadd.s32 s7, s8;
	s22 =	sadd.s32 $0x11800, s5  }
0x16: {  	s23 =	smax.u32 s9, $0x1;
	s24 =	sadd.s32 s0, s26;
	s25 =	simm.s32 $0x4000  }
0x17: {  	s26 =	simm.s32 $0x1;
	s0 =	simm.s32 $0x3000;
	s6 =	simm.s32 $0x2  }
0x18: {  	v0 =	vimm.f32 $0.0e+00;
	s7 =	simm.s32 $0x3;
	s8 =	simm.s32 $0x1C00;
	s9 =	simm.s32 $0x3C00  }
.LBB2_1:
0x19: {  	s10 =	simm.s32 $0x0;
	s11 =	simm.s32 $0x200  }
.LBB2_2:
0x1a: {  	p0 =	sne.s32 s11, $0x9E00;
	[tilespmem:s10+$0x4070] =	vst v0  }
0x1b: {  	[tilespmem:s10+$0x4000] =	vst v0  }
0x1c: {  	[tilespmem:s10+$0x4010] =	vst v0  }
.Ltmp0:
0x1d: {  	[tilespmem:s10+$0x4020] =	vst v0;
	(pc) =	sbr.rel @p0 .LBB2_2-.Ltmp0, $4  }
0x1e: {  	[tilespmem:s10+$0x4030] =	vst v0  }
0x1f: {  	[tilespmem:s10+$0x4040] =	vst v0  }
0x20: {  	[tilespmem:s10+$0x4050] =	vst v0  }
0x21: {  	[tilespmem:s10+$0x4060] =	vst v0;
	s10 =	sshra.s32 s11, $0x2;
	s11 =	sadd.s32 $0x200, s11  }
0x22: {  	[tilespmem:s10+$0x4070] =	vst v0  }
0x23: {  	[tilespmem:s10+$0x4000] =	vst v0  }
0x24: {  	[tilespmem:s10+$0x4010] =	vst v0  }
0x25: {  	[tilespmem:s10+$0x4020] =	vst v0  }
0x26: {  	[tilespmem:s10+$0x4030] =	vst v0  }
0x27: {  	[tilespmem:s10+$0x4040] =	vst v0  }
0x28: {  	[tilespmem:s10+$0x4050] =	vst v0  }
0x29: {  	[tilespmem:s10+$0x4060] =	vst v0  }
0x2a: {  	[spmem:s5] =	stream.linear.scatter [tilespmem:s25], [sflag:$0x1], $0x2800, $0x38;
	[tilespmem:$0x1D000] =	vst v63  }
0x2b: {  	s11 =	rddreg [dreg:$0x3]  }
0x2c: {  	[spmem:s11] =	stream.linear.scatter [tilespmem:s25], [sflag:$0x1], $0x2800, $0x38;
	[tilespmem:$0x1D000] =	vst v63  }
0x2d: {  	s12 =	rddreg [dreg:$0x4]  }
0x2e: {  	[spmem:s12] =	stream.linear.scatter [tilespmem:s25], [sflag:$0x1], $0x2800, $0x38;
	[tilespmem:$0x1D000] =	vst v63  }
0x2f: {  	s11 =	rddreg [dreg:$0x5]  }
0x30: {  	[spmem:s11] =	stream.linear.scatter [tilespmem:s25], [sflag:$0x1], $0x2800, $0x38;
	[tilespmem:$0x1D000] =	vst v63  }
0x31: {  	s12 =	rddreg [dreg:$0x6]  }
0x32: {  	[spmem:s12] =	stream.linear.scatter [tilespmem:s25], [sflag:$0x1], $0x2800, $0x38;
	[tilespmem:$0x1D000] =	vst v63  }
0x33: {  	s11 =	rddreg [dreg:$0x7]  }
0x34: {  	[spmem:s11] =	stream.linear.scatter [tilespmem:s25], [sflag:$0x1], $0x2800, $0x38;
	[tilespmem:$0x1D000] =	vst v63  }
0x35: {  	_ = 	snop  }
0x36: {  	[spmem:s21] =	stream.linear.scatter [tilespmem:s25], [sflag:$0x1], $0x2800, $0x38;
	[tilespmem:$0x1D000] =	vst v63  }
0x37: {  	_ = 	snop  }
0x38: {  	[spmem:s22] =	stream.linear.scatter [tilespmem:s25], [sflag:$0x1], $0x2800, $0x38;
	[tilespmem:$0x1D000] =	vst v63  }
0x39: {  	_ =	swait.ge [sflag:s26], $0x2800  }
0x3a: {  	[sflag:s26] =	ssyncset.done $0x0  }
0x3b: {  	[sflag:s26] =	ssyncadd.s32 $0xFFFFD800  }
0x3c: {  	_ =	swait.ge [sflag:s26], $0x2800  }
0x3d: {  	[sflag:s26] =	ssyncset.done $0x0  }
0x3e: {  	[sflag:s26] =	ssyncadd.s32 $0xFFFFD800  }
0x3f: {  	_ =	swait.ge [sflag:s26], $0x2800  }
0x40: {  	[sflag:s26] =	ssyncset.done $0x0  }
0x41: {  	[sflag:s26] =	ssyncadd.s32 $0xFFFFD800  }
0x42: {  	_ =	swait.ge [sflag:s26], $0x2800  }
0x43: {  	[sflag:s26] =	ssyncset.done $0x0  }
0x44: {  	[sflag:s26] =	ssyncadd.s32 $0xFFFFD800  }
0x45: {  	_ =	swait.ge [sflag:s26], $0x2800  }
0x46: {  	[sflag:s26] =	ssyncset.done $0x0  }
0x47: {  	[sflag:s26] =	ssyncadd.s32 $0xFFFFD800  }
0x48: {  	_ =	swait.ge [sflag:s26], $0x2800  }
0x49: {  	[sflag:s26] =	ssyncset.done $0x0  }
0x4a: {  	[sflag:s26] =	ssyncadd.s32 $0xFFFFD800  }
0x4b: {  	_ =	swait.ge [sflag:s26], $0x2800  }
0x4c: {  	[sflag:s26] =	ssyncset.done $0x0  }
0x4d: {  	[sflag:s26] =	ssyncadd.s32 $0xFFFFD800  }
0x4e: {  	_ =	swait.ge [sflag:s26], $0x2800  }
0x4f: {  	[sflag:s26] =	ssyncset.done $0x0  }
0x50: {  	[sflag:s26] =	ssyncadd.s32 $0xFFFFD800  }
0x51: {  	[bflag:$0x0] =	sbarrier.arrive $0xFFFF  }
0x52: {  	s10 =	simm.s32 $0x0;
	s11 =	rddreg [dreg:$0x8]  }
0x53: {  	[tilespmem:s10], [sflag:$0x4] =	stream.linear.gather [hbm4b:s11+s10], $0xC80, $0x38;
	[tilespmem:$0x1D000] =	vst v63  }
0x54: {  	_ =	swait.ge [sflag:s28], $0xC80  }
0x55: {  	[sflag:s28] =	ssyncset.done $0x0  }
0x56: {  	s12 =	rddreg [dreg:$0x9];
	[sflag:s28] =	ssyncadd.s32 $0xFFFFF380  }
0x57: {  	[tilespmem:s29], [sflag:$0x4] =	stream.linear.gather [hbm4b:s12+s10], $0xC80, $0x38;
	[tilespmem:$0x1D000] =	vst v63  }
0x58: {  	_ =	swait.ge [sflag:s28], $0xC80  }
0x59: {  	[sflag:s28] =	ssyncset.done $0x0  }
0x5a: {  	[sflag:s28] =	ssyncadd.s32 $0xFFFFF380  }
0x5b: {  	[tilespmem:s25], [sflag:$0x1] =	stream.indirect.gather [hbm4b:s4+s30], $0x80, s10, s30, $0xb8;
	[tilespmem:$0x1D000] =	vst v63  }
0x5c: {  	_ = 	snop  }
0x5d: {  	[tilespmem:s31], [sflag:$0x3] =	stream.linear.gather [hbm4b:s13+s10], $0xC80, $0x38;
	[tilespmem:$0x1D000] =	vst v63  }
0x5e: {  	_ = 	snop  }
0x5f: {  	[tilespmem:s0], [sflag:$0x3] =	stream.linear.gather [hbm4b:s14+s10], $0xC80, $0x38;
	[tilespmem:$0x1D000] =	vst v63  }
0x60: {  	_ =	swait.ge [sflag:s26], $0x2800  }
0x61: {  	[sflag:s26] =	ssyncset.done $0x0  }
0x62: {  	s11 =	simm.s32 $0x80;
	[sflag:s26] =	ssyncadd.s32 $0xFFFFD800  }
0x63: {  	[tilespmem:s2], [sflag:$0x2] =	stream.indirect.gather [hbm4b:s4+s30], $0x80, s11, s30, $0xb8;
	[tilespmem:$0x1D000] =	vst v63  }
0x64: {  	s12 =	simm.s32 $0x1000  }
0x65: {  	[spmem:s1] =	stream.indirect.scatter.add.f32 [tilespmem:s25], [sflag:$0x4], $0x80, s12, s30, $0xb8;
	[tilespmem:$0x1D000] =	vst v63  }
0x66: {  	_ =	swait.ge [sflag:s28], $0x2800  }
0x67: {  	[sflag:s28] =	ssyncset.done $0x0  }
0x68: {  	[sflag:s28] =	ssyncadd.s32 $0xFFFFD800  }
0x69: {  	_ =	swait.ge [sflag:s6], $0x2800  }
0x6a: {  	[sflag:s6] =	ssyncset.done $0x0  }
0x6b: {  	s11 =	simm.s32 $0x100;
	[sflag:s6] =	ssyncadd.s32 $0xFFFFD800  }
0x6c: {  	[tilespmem:s25], [sflag:$0x1] =	stream.indirect.gather [hbm4b:s4+s30], $0x80, s11, s30, $0xb8;
	[tilespmem:$0x1D000] =	vst v63  }
0x6d: {  	s12 =	simm.s32 $0x1080  }
0x6e: {  	[spmem:s1] =	stream.indirect.scatter.add.f32 [tilespmem:s2], [sflag:$0x4], $0x80, s12, s30, $0xb8;
	[tilespmem:$0x1D000] =	vst v63  }
0x6f: {  	_ =	swait.ge [sflag:s28], $0x2800  }
0x70: {  	s10 =	simm.s32 $0x400;
	[sflag:s28] =	ssyncset.done $0x0  }
.LBB2_4:
0x71: {  	p0 =	sne.s32 s10, $0x2C00  }
0x72: {  	[sflag:s28] =	ssyncadd.s32 $0xFFFFD800;
	s11 =	smov.u32 s10;
	s10 =	sadd.s32 $0x400, s10  }
0x73: {  	_ = 	snop  }
0x74: {  	_ =	swait.ge [sflag:s26], $0x2800  }
0x75: {  	s11 =	sshra.s32 s11, $0x2;
	[sflag:s26] =	ssyncset.done $0x0  }
0x76: {  	s12 =	sadd.s32 $0x80, s11;
	[sflag:s26] =	ssyncadd.s32 $0xFFFFD800  }
0x77: {  	[tilespmem:s2], [sflag:$0x2] =	stream.indirect.gather [hbm4b:s4+s30], $0x80, s12, s30, $0xb8;
	[tilespmem:$0x1D000] =	vst v63  }
0x78: {  	s12 =	sadd.s32 $0x1000, s11  }
0x79: {  	[spmem:s1] =	stream.indirect.scatter.add.f32 [tilespmem:s25], [sflag:$0x4], $0x80, s12, s30, $0xb8;
	[tilespmem:$0x1D000] =	vst v63  }
0x7a: {  	_ =	swait.ge [sflag:s28], $0x2800  }
0x7b: {  	[sflag:s28] =	ssyncset.done $0x0  }
0x7c: {  	[sflag:s28] =	ssyncadd.s32 $0xFFFFD800  }
0x7d: {  	_ =	swait.ge [sflag:s6], $0x2800  }
0x7e: {  	[sflag:s6] =	ssyncset.done $0x0  }
0x7f: {  	s12 =	sadd.s32 $0x100, s11;
	[sflag:s6] =	ssyncadd.s32 $0xFFFFD800  }
0x80: {  	[tilespmem:s25], [sflag:$0x1] =	stream.indirect.gather [hbm4b:s4+s30], $0x80, s12, s30, $0xb8;
	[tilespmem:$0x1D000] =	vst v63  }
.Ltmp1:
0x81: {  	_ = 	snop;
	(pc) =	sbr.rel @p0 .LBB2_4-.Ltmp1, $4  }
0x82: {  	s11 =	sadd.s32 $0x1080, s11  }
0x83: {  	[spmem:s1] =	stream.indirect.scatter.add.f32 [tilespmem:s2], [sflag:$0x4], $0x80, s11, s30, $0xb8;
	[tilespmem:$0x1D000] =	vst v63  }
0x84: {  	_ =	swait.ge [sflag:s28], $0x2800  }
0x85: {  	[sflag:s28] =	ssyncset.done $0x0  }
0x86: {  	[sflag:s28] =	ssyncadd.s32 $0xFFFFD800  }
0x87: {  	_ =	swait.ge [sflag:s26], $0x2800  }
0x88: {  	[sflag:s26] =	ssyncset.done $0x0  }
0x89: {  	[sflag:s26] =	ssyncadd.s32 $0xFFFFD800  }
0x8a: {  	_ =	swait.ge [sflag:s7], $0xC80  }
0x8b: {  	[sflag:s7] =	ssyncset.done $0x0  }
0x8c: {  	[sflag:s7] =	ssyncadd.s32 $0xFFFFF380  }
0x8d: {  	_ =	swait.ge [sflag:s7], $0xC80  }
0x8e: {  	[sflag:s7] =	ssyncset.done $0x0  }
0x8f: {  	[sflag:s7] =	ssyncadd.s32 $0xFFFFF380  }
0x90: {  	[tilespmem:s2], [sflag:$0x2] =	stream.indirect.gather [hbm4b:s4+s30], $0x80, s31, s30, $0xb8;
	[tilespmem:$0x1D000] =	vst v63  }
0x91: {  	_ = 	snop  }
0x92: {  	[spmem:s1] =	stream.indirect.scatter.add.f32 [tilespmem:s25], [sflag:$0x4], $0x80, s8, s30, $0xb8;
	[tilespmem:$0x1D000] =	vst v63  }
0x93: {  	_ =	swait.ge [sflag:s28], $0x2800  }
0x94: {  	[sflag:s28] =	ssyncset.done $0x0  }
0x95: {  	s10 =	simm.s32 $0x0;
	[sflag:s28] =	ssyncadd.s32 $0xFFFFD800  }
0x96: {  	[tilespmem:s10], [sflag:$0x3] =	stream.linear.gather [hbm4b:s15+s10], $0xC80, $0x38;
	[tilespmem:$0x1D000] =	vst v63  }
0x97: {  	_ = 	snop  }
0x98: {  	[tilespmem:s29], [sflag:$0x3] =	stream.linear.gather [hbm4b:s16+s10], $0xC80, $0x38;
	[tilespmem:$0x1D000] =	vst v63  }
0x99: {  	_ =	swait.ge [sflag:s6], $0x2800  }
0x9a: {  	[sflag:s6] =	ssyncset.done $0x0  }
0x9b: {  	s11 =	simm.s32 $0x2080;
	[sflag:s6] =	ssyncadd.s32 $0xFFFFD800  }
0x9c: {  	[tilespmem:s25], [sflag:$0x1] =	stream.indirect.gather [hbm4b:s4+s30], $0x80, s11, s30, $0xb8;
	[tilespmem:$0x1D000] =	vst v63  }
0x9d: {  	s12 =	simm.s32 $0x3000  }
0x9e: {  	[spmem:s1] =	stream.indirect.scatter.add.f32 [tilespmem:s2], [sflag:$0x4], $0x80, s12, s30, $0xb8;
	[tilespmem:$0x1D000] =	vst v63  }
0x9f: {  	_ =	swait.ge [sflag:s28], $0x2800  }
0xa0: {  	[sflag:s28] =	ssyncset.done $0x0  }
0xa1: {  	[sflag:s28] =	ssyncadd.s32 $0xFFFFD800  }
0xa2: {  	_ =	swait.ge [sflag:s26], $0x2800  }
0xa3: {  	[sflag:s26] =	ssyncset.done $0x0  }
0xa4: {  	s11 =	simm.s32 $0x2100;
	[sflag:s26] =	ssyncadd.s32 $0xFFFFD800  }
0xa5: {  	[tilespmem:s2], [sflag:$0x2] =	stream.indirect.gather [hbm4b:s4+s30], $0x80, s11, s30, $0xb8;
	[tilespmem:$0x1D000] =	vst v63  }
0xa6: {  	s12 =	simm.s32 $0x3080  }
0xa7: {  	[spmem:s1] =	stream.indirect.scatter.add.f32 [tilespmem:s25], [sflag:$0x4], $0x80, s12, s30, $0xb8;
	[tilespmem:$0x1D000] =	vst v63  }
0xa8: {  	_ =	swait.ge [sflag:s28], $0x2800  }
0xa9: {  	s10 =	simm.s32 $0x400;
	[sflag:s28] =	ssyncset.done $0x0  }
.LBB2_6:
0xaa: {  	p0 =	sne.s32 s10, $0x2C00  }
0xab: {  	[sflag:s28] =	ssyncadd.s32 $0xFFFFD800;
	s11 =	smov.u32 s10;
	s10 =	sadd.s32 $0x400, s10  }
0xac: {  	_ = 	snop  }
0xad: {  	_ =	swait.ge [sflag:s6], $0x2800  }
0xae: {  	s11 =	sshra.s32 s11, $0x2;
	[sflag:s6] =	ssyncset.done $0x0  }
0xaf: {  	s12 =	sadd.s32 $0x2080, s11;
	[sflag:s6] =	ssyncadd.s32 $0xFFFFD800  }
0xb0: {  	[tilespmem:s25], [sflag:$0x1] =	stream.indirect.gather [hbm4b:s4+s30], $0x80, s12, s30, $0xb8;
	[tilespmem:$0x1D000] =	vst v63  }
0xb1: {  	s12 =	sadd.s32 $0x3000, s11  }
0xb2: {  	[spmem:s1] =	stream.indirect.scatter.add.f32 [tilespmem:s2], [sflag:$0x4], $0x80, s12, s30, $0xb8;
	[tilespmem:$0x1D000] =	vst v63  }
0xb3: {  	_ =	swait.ge [sflag:s28], $0x2800  }
0xb4: {  	[sflag:s28] =	ssyncset.done $0x0  }
0xb5: {  	[sflag:s28] =	ssyncadd.s32 $0xFFFFD800  }
0xb6: {  	_ =	swait.ge [sflag:s26], $0x2800  }
0xb7: {  	[sflag:s26] =	ssyncset.done $0x0  }
0xb8: {  	s12 =	sadd.s32 $0x2100, s11;
	[sflag:s26] =	ssyncadd.s32 $0xFFFFD800  }
0xb9: {  	[tilespmem:s2], [sflag:$0x2] =	stream.indirect.gather [hbm4b:s4+s30], $0x80, s12, s30, $0xb8;
	[tilespmem:$0x1D000] =	vst v63  }
.Ltmp2:
0xba: {  	_ = 	snop;
	(pc) =	sbr.rel @p0 .LBB2_6-.Ltmp2, $4  }
0xbb: {  	s11 =	sadd.s32 $0x3080, s11  }
0xbc: {  	[spmem:s1] =	stream.indirect.scatter.add.f32 [tilespmem:s25], [sflag:$0x4], $0x80, s11, s30, $0xb8;
	[tilespmem:$0x1D000] =	vst v63  }
0xbd: {  	_ =	swait.ge [sflag:s28], $0x2800  }
0xbe: {  	[sflag:s28] =	ssyncset.done $0x0  }
0xbf: {  	[sflag:s28] =	ssyncadd.s32 $0xFFFFD800  }
0xc0: {  	_ =	swait.ge [sflag:s6], $0x2800  }
0xc1: {  	[sflag:s6] =	ssyncset.done $0x0  }
0xc2: {  	[sflag:s6] =	ssyncadd.s32 $0xFFFFD800  }
0xc3: {  	_ =	swait.ge [sflag:s7], $0xC80  }
0xc4: {  	[sflag:s7] =	ssyncset.done $0x0  }
0xc5: {  	[sflag:s7] =	ssyncadd.s32 $0xFFFFF380  }
0xc6: {  	_ =	swait.ge [sflag:s7], $0xC80  }
0xc7: {  	[sflag:s7] =	ssyncset.done $0x0  }
0xc8: {  	s10 =	simm.s32 $0x0;
	[sflag:s7] =	ssyncadd.s32 $0xFFFFF380  }
0xc9: {  	[tilespmem:s25], [sflag:$0x1] =	stream.indirect.gather [hbm4b:s4+s30], $0x80, s10, s30, $0xb8;
	[tilespmem:$0x1D000] =	vst v63  }
0xca: {  	_ = 	snop  }
0xcb: {  	[spmem:s1] =	stream.indirect.scatter.add.f32 [tilespmem:s2], [sflag:$0x4], $0x80, s9, s30, $0xb8;
	[tilespmem:$0x1D000] =	vst v63  }
0xcc: {  	_ =	swait.ge [sflag:s28], $0x2800  }
0xcd: {  	[sflag:s28] =	ssyncset.done $0x0  }
0xce: {  	[sflag:s28] =	ssyncadd.s32 $0xFFFFD800  }
0xcf: {  	[tilespmem:s31], [sflag:$0x3] =	stream.linear.gather [hbm4b:s17+s10], $0xC80, $0x38;
	[tilespmem:$0x1D000] =	vst v63  }
0xd0: {  	_ = 	snop  }
0xd1: {  	[tilespmem:s0], [sflag:$0x3] =	stream.linear.gather [hbm4b:s18+s10], $0xC80, $0x38;
	[tilespmem:$0x1D000] =	vst v63  }
0xd2: {  	_ =	swait.ge [sflag:s26], $0x2800  }
0xd3: {  	[sflag:s26] =	ssyncset.done $0x0  }
0xd4: {  	s11 =	simm.s32 $0x80;
	[sflag:s26] =	ssyncadd.s32 $0xFFFFD800  }
0xd5: {  	[tilespmem:s2], [sflag:$0x2] =	stream.indirect.gather [hbm4b:s4+s30], $0x80, s11, s30, $0xb8;
	[tilespmem:$0x1D000] =	vst v63  }
0xd6: {  	s12 =	simm.s32 $0x1000  }
0xd7: {  	[spmem:s1] =	stream.indirect.scatter.add.f32 [tilespmem:s25], [sflag:$0x4], $0x80, s12, s30, $0xb8;
	[tilespmem:$0x1D000] =	vst v63  }
0xd8: {  	_ =	swait.ge [sflag:s28], $0x2800  }
0xd9: {  	[sflag:s28] =	ssyncset.done $0x0  }
0xda: {  	[sflag:s28] =	ssyncadd.s32 $0xFFFFD800  }
0xdb: {  	_ =	swait.ge [sflag:s6], $0x2800  }
0xdc: {  	[sflag:s6] =	ssyncset.done $0x0  }
0xdd: {  	s11 =	simm.s32 $0x100;
	[sflag:s6] =	ssyncadd.s32 $0xFFFFD800  }
0xde: {  	[tilespmem:s25], [sflag:$0x1] =	stream.indirect.gather [hbm4b:s4+s30], $0x80, s11, s30, $0xb8;
	[tilespmem:$0x1D000] =	vst v63  }
0xdf: {  	s12 =	simm.s32 $0x1080  }
0xe0: {  	[spmem:s1] =	stream.indirect.scatter.add.f32 [tilespmem:s2], [sflag:$0x4], $0x80, s12, s30, $0xb8;
	[tilespmem:$0x1D000] =	vst v63  }
0xe1: {  	_ =	swait.ge [sflag:s28], $0x2800  }
0xe2: {  	s10 =	simm.s32 $0x400;
	[sflag:s28] =	ssyncset.done $0x0  }
.LBB2_8:
0xe3: {  	p0 =	sne.s32 s10, $0x2C00  }
0xe4: {  	[sflag:s28] =	ssyncadd.s32 $0xFFFFD800;
	s11 =	smov.u32 s10;
	s10 =	sadd.s32 $0x400, s10  }
0xe5: {  	_ = 	snop  }
0xe6: {  	_ =	swait.ge [sflag:s26], $0x2800  }
0xe7: {  	s11 =	sshra.s32 s11, $0x2;
	[sflag:s26] =	ssyncset.done $0x0  }
0xe8: {  	s12 =	sadd.s32 $0x80, s11;
	[sflag:s26] =	ssyncadd.s32 $0xFFFFD800  }
0xe9: {  	[tilespmem:s2], [sflag:$0x2] =	stream.indirect.gather [hbm4b:s4+s30], $0x80, s12, s30, $0xb8;
	[tilespmem:$0x1D000] =	vst v63  }
0xea: {  	s12 =	sadd.s32 $0x1000, s11  }
0xeb: {  	[spmem:s1] =	stream.indirect.scatter.add.f32 [tilespmem:s25], [sflag:$0x4], $0x80, s12, s30, $0xb8;
	[tilespmem:$0x1D000] =	vst v63  }
0xec: {  	_ =	swait.ge [sflag:s28], $0x2800  }
0xed: {  	[sflag:s28] =	ssyncset.done $0x0  }
0xee: {  	[sflag:s28] =	ssyncadd.s32 $0xFFFFD800  }
0xef: {  	_ =	swait.ge [sflag:s6], $0x2800  }
0xf0: {  	[sflag:s6] =	ssyncset.done $0x0  }
0xf1: {  	s12 =	sadd.s32 $0x100, s11;
	[sflag:s6] =	ssyncadd.s32 $0xFFFFD800  }
0xf2: {  	[tilespmem:s25], [sflag:$0x1] =	stream.indirect.gather [hbm4b:s4+s30], $0x80, s12, s30, $0xb8;
	[tilespmem:$0x1D000] =	vst v63  }
.Ltmp3:
0xf3: {  	_ = 	snop;
	(pc) =	sbr.rel @p0 .LBB2_8-.Ltmp3, $4  }
0xf4: {  	s11 =	sadd.s32 $0x1080, s11  }
0xf5: {  	[spmem:s1] =	stream.indirect.scatter.add.f32 [tilespmem:s2], [sflag:$0x4], $0x80, s11, s30, $0xb8;
	[tilespmem:$0x1D000] =	vst v63  }
0xf6: {  	_ =	swait.ge [sflag:s28], $0x2800  }
0xf7: {  	[sflag:s28] =	ssyncset.done $0x0  }
0xf8: {  	[sflag:s28] =	ssyncadd.s32 $0xFFFFD800  }
0xf9: {  	_ =	swait.ge [sflag:s26], $0x2800  }
0xfa: {  	[sflag:s26] =	ssyncset.done $0x0  }
0xfb: {  	[sflag:s26] =	ssyncadd.s32 $0xFFFFD800  }
0xfc: {  	_ =	swait.ge [sflag:s7], $0xC80  }
0xfd: {  	[sflag:s7] =	ssyncset.done $0x0  }
0xfe: {  	[sflag:s7] =	ssyncadd.s32 $0xFFFFF380  }
0xff: {  	_ =	swait.ge [sflag:s7], $0xC80  }
0x100: {  	[sflag:s7] =	ssyncset.done $0x0  }
0x101: {  	[sflag:s7] =	ssyncadd.s32 $0xFFFFF380  }
0x102: {  	[tilespmem:s2], [sflag:$0x2] =	stream.indirect.gather [hbm4b:s4+s30], $0x80, s31, s30, $0xb8;
	[tilespmem:$0x1D000] =	vst v63  }
0x103: {  	_ = 	snop  }
0x104: {  	[spmem:s1] =	stream.indirect.scatter.add.f32 [tilespmem:s25], [sflag:$0x4], $0x80, s8, s30, $0xb8;
	[tilespmem:$0x1D000] =	vst v63  }
0x105: {  	_ =	swait.ge [sflag:s28], $0x2800  }
0x106: {  	[sflag:s28] =	ssyncset.done $0x0  }
0x107: {  	s10 =	simm.s32 $0x0;
	[sflag:s28] =	ssyncadd.s32 $0xFFFFD800  }
0x108: {  	[tilespmem:s10], [sflag:$0x3] =	stream.linear.gather [hbm4b:s19+s10], $0xC80, $0x38;
	[tilespmem:$0x1D000] =	vst v63  }
0x109: {  	_ = 	snop  }
0x10a: {  	[tilespmem:s29], [sflag:$0x3] =	stream.linear.gather [hbm4b:s20+s10], $0xC80, $0x38;
	[tilespmem:$0x1D000] =	vst v63  }
0x10b: {  	_ =	swait.ge [sflag:s6], $0x2800  }
0x10c: {  	[sflag:s6] =	ssyncset.done $0x0  }
0x10d: {  	s11 =	simm.s32 $0x2080;
	[sflag:s6] =	ssyncadd.s32 $0xFFFFD800  }
0x10e: {  	[tilespmem:s25], [sflag:$0x1] =	stream.indirect.gather [hbm4b:s4+s30], $0x80, s11, s30, $0xb8;
	[tilespmem:$0x1D000] =	vst v63  }
0x10f: {  	s12 =	simm.s32 $0x3000  }
0x110: {  	[spmem:s1] =	stream.indirect.scatter.add.f32 [tilespmem:s2], [sflag:$0x4], $0x80, s12, s30, $0xb8;
	[tilespmem:$0x1D000] =	vst v63  }
0x111: {  	_ =	swait.ge [sflag:s28], $0x2800  }
0x112: {  	[sflag:s28] =	ssyncset.done $0x0  }
0x113: {  	[sflag:s28] =	ssyncadd.s32 $0xFFFFD800  }
0x114: {  	_ =	swait.ge [sflag:s26], $0x2800  }
0x115: {  	[sflag:s26] =	ssyncset.done $0x0  }
0x116: {  	s11 =	simm.s32 $0x2100;
	[sflag:s26] =	ssyncadd.s32 $0xFFFFD800  }
0x117: {  	[tilespmem:s2], [sflag:$0x2] =	stream.indirect.gather [hbm4b:s4+s30], $0x80, s11, s30, $0xb8;
	[tilespmem:$0x1D000] =	vst v63  }
0x118: {  	s12 =	simm.s32 $0x3080  }
0x119: {  	[spmem:s1] =	stream.indirect.scatter.add.f32 [tilespmem:s25], [sflag:$0x4], $0x80, s12, s30, $0xb8;
	[tilespmem:$0x1D000] =	vst v63  }
0x11a: {  	_ =	swait.ge [sflag:s28], $0x2800  }
0x11b: {  	s10 =	simm.s32 $0x400;
	[sflag:s28] =	ssyncset.done $0x0  }
.LBB2_10:
0x11c: {  	p0 =	sne.s32 s10, $0x2C00  }
0x11d: {  	[sflag:s28] =	ssyncadd.s32 $0xFFFFD800;
	s11 =	smov.u32 s10;
	s10 =	sadd.s32 $0x400, s10  }
0x11e: {  	_ = 	snop  }
0x11f: {  	_ =	swait.ge [sflag:s6], $0x2800  }
0x120: {  	s11 =	sshra.s32 s11, $0x2;
	[sflag:s6] =	ssyncset.done $0x0  }
0x121: {  	s12 =	sadd.s32 $0x2080, s11;
	[sflag:s6] =	ssyncadd.s32 $0xFFFFD800  }
0x122: {  	[tilespmem:s25], [sflag:$0x1] =	stream.indirect.gather [hbm4b:s4+s30], $0x80, s12, s30, $0xb8;
	[tilespmem:$0x1D000] =	vst v63  }
0x123: {  	s12 =	sadd.s32 $0x3000, s11  }
0x124: {  	[spmem:s1] =	stream.indirect.scatter.add.f32 [tilespmem:s2], [sflag:$0x4], $0x80, s12, s30, $0xb8;
	[tilespmem:$0x1D000] =	vst v63  }
0x125: {  	_ =	swait.ge [sflag:s28], $0x2800  }
0x126: {  	[sflag:s28] =	ssyncset.done $0x0  }
0x127: {  	[sflag:s28] =	ssyncadd.s32 $0xFFFFD800  }
0x128: {  	_ =	swait.ge [sflag:s26], $0x2800  }
0x129: {  	[sflag:s26] =	ssyncset.done $0x0  }
0x12a: {  	s12 =	sadd.s32 $0x2100, s11;
	[sflag:s26] =	ssyncadd.s32 $0xFFFFD800  }
0x12b: {  	[tilespmem:s2], [sflag:$0x2] =	stream.indirect.gather [hbm4b:s4+s30], $0x80, s12, s30, $0xb8;
	[tilespmem:$0x1D000] =	vst v63  }
.Ltmp4:
0x12c: {  	_ = 	snop;
	(pc) =	sbr.rel @p0 .LBB2_10-.Ltmp4, $4  }
0x12d: {  	s11 =	sadd.s32 $0x3080, s11  }
0x12e: {  	[spmem:s1] =	stream.indirect.scatter.add.f32 [tilespmem:s25], [sflag:$0x4], $0x80, s11, s30, $0xb8;
	[tilespmem:$0x1D000] =	vst v63  }
0x12f: {  	_ =	swait.ge [sflag:s28], $0x2800  }
0x130: {  	[sflag:s28] =	ssyncset.done $0x0  }
0x131: {  	[sflag:s28] =	ssyncadd.s32 $0xFFFFD800  }
0x132: {  	_ =	swait.ge [sflag:s6], $0x2800  }
0x133: {  	[sflag:s6] =	ssyncset.done $0x0  }
0x134: {  	[sflag:s6] =	ssyncadd.s32 $0xFFFFD800  }
0x135: {  	_ =	swait.ge [sflag:s7], $0xC80  }
0x136: {  	[sflag:s7] =	ssyncset.done $0x0  }
0x137: {  	[sflag:s7] =	ssyncadd.s32 $0xFFFFF380  }
0x138: {  	_ =	swait.ge [sflag:s7], $0xC80  }
0x139: {  	[sflag:s7] =	ssyncset.done $0x0  }
0x13a: {  	s10 =	simm.s32 $0x0;
	[sflag:s7] =	ssyncadd.s32 $0xFFFFF380  }
0x13b: {  	[tilespmem:s25], [sflag:$0x1] =	stream.indirect.gather [hbm4b:s4+s30], $0x80, s10, s30, $0xb8;
	[tilespmem:$0x1D000] =	vst v63  }
0x13c: {  	_ = 	snop  }
0x13d: {  	[spmem:s1] =	stream.indirect.scatter.add.f32 [tilespmem:s2], [sflag:$0x4], $0x80, s9, s30, $0xb8;
	[tilespmem:$0x1D000] =	vst v63  }
0x13e: {  	_ =	swait.ge [sflag:s28], $0x2800  }
0x13f: {  	[sflag:s28] =	ssyncset.done $0x0  }
0x140: {  	[sflag:s28] =	ssyncadd.s32 $0xFFFFD800  }
0x141: {  	_ =	swait.ge [sflag:s26], $0x2800  }
0x142: {  	[sflag:s26] =	ssyncset.done $0x0  }
0x143: {  	s11 =	simm.s32 $0x80;
	[sflag:s26] =	ssyncadd.s32 $0xFFFFD800  }
0x144: {  	[tilespmem:s2], [sflag:$0x2] =	stream.indirect.gather [hbm4b:s4+s30], $0x80, s11, s30, $0xb8;
	[tilespmem:$0x1D000] =	vst v63  }
0x145: {  	s12 =	simm.s32 $0x1000  }
0x146: {  	[spmem:s1] =	stream.indirect.scatter.add.f32 [tilespmem:s25], [sflag:$0x4], $0x80, s12, s30, $0xb8;
	[tilespmem:$0x1D000] =	vst v63  }
0x147: {  	_ =	swait.ge [sflag:s28], $0x2800  }
0x148: {  	[sflag:s28] =	ssyncset.done $0x0  }
0x149: {  	[sflag:s28] =	ssyncadd.s32 $0xFFFFD800  }
0x14a: {  	_ =	swait.ge [sflag:s6], $0x2800  }
0x14b: {  	[sflag:s6] =	ssyncset.done $0x0  }
0x14c: {  	s11 =	simm.s32 $0x100;
	[sflag:s6] =	ssyncadd.s32 $0xFFFFD800  }
0x14d: {  	[tilespmem:s25], [sflag:$0x1] =	stream.indirect.gather [hbm4b:s4+s30], $0x80, s11, s30, $0xb8;
	[tilespmem:$0x1D000] =	vst v63  }
0x14e: {  	s12 =	simm.s32 $0x1080  }
0x14f: {  	[spmem:s1] =	stream.indirect.scatter.add.f32 [tilespmem:s2], [sflag:$0x4], $0x80, s12, s30, $0xb8;
	[tilespmem:$0x1D000] =	vst v63  }
0x150: {  	_ =	swait.ge [sflag:s28], $0x2800  }
0x151: {  	s10 =	simm.s32 $0x400;
	[sflag:s28] =	ssyncset.done $0x0  }
.LBB2_12:
0x152: {  	p0 =	sne.s32 s10, $0x2C00  }
0x153: {  	[sflag:s28] =	ssyncadd.s32 $0xFFFFD800;
	s11 =	smov.u32 s10;
	s10 =	sadd.s32 $0x400, s10  }
0x154: {  	_ = 	snop  }
0x155: {  	_ =	swait.ge [sflag:s26], $0x2800  }
0x156: {  	s11 =	sshra.s32 s11, $0x2;
	[sflag:s26] =	ssyncset.done $0x0  }
0x157: {  	s12 =	sadd.s32 $0x80, s11;
	[sflag:s26] =	ssyncadd.s32 $0xFFFFD800  }
0x158: {  	[tilespmem:s2], [sflag:$0x2] =	stream.indirect.gather [hbm4b:s4+s30], $0x80, s12, s30, $0xb8;
	[tilespmem:$0x1D000] =	vst v63  }
0x159: {  	s12 =	sadd.s32 $0x1000, s11  }
0x15a: {  	[spmem:s1] =	stream.indirect.scatter.add.f32 [tilespmem:s25], [sflag:$0x4], $0x80, s12, s30, $0xb8;
	[tilespmem:$0x1D000] =	vst v63  }
0x15b: {  	_ =	swait.ge [sflag:s28], $0x2800  }
0x15c: {  	[sflag:s28] =	ssyncset.done $0x0  }
0x15d: {  	[sflag:s28] =	ssyncadd.s32 $0xFFFFD800  }
0x15e: {  	_ =	swait.ge [sflag:s6], $0x2800  }
0x15f: {  	[sflag:s6] =	ssyncset.done $0x0  }
0x160: {  	s12 =	sadd.s32 $0x100, s11;
	[sflag:s6] =	ssyncadd.s32 $0xFFFFD800  }
0x161: {  	[tilespmem:s25], [sflag:$0x1] =	stream.indirect.gather [hbm4b:s4+s30], $0x80, s12, s30, $0xb8;
	[tilespmem:$0x1D000] =	vst v63  }
.Ltmp5:
0x162: {  	_ = 	snop;
	(pc) =	sbr.rel @p0 .LBB2_12-.Ltmp5, $4  }
0x163: {  	s11 =	sadd.s32 $0x1080, s11  }
0x164: {  	[spmem:s1] =	stream.indirect.scatter.add.f32 [tilespmem:s2], [sflag:$0x4], $0x80, s11, s30, $0xb8;
	[tilespmem:$0x1D000] =	vst v63  }
0x165: {  	_ =	swait.ge [sflag:s28], $0x2800  }
0x166: {  	[sflag:s28] =	ssyncset.done $0x0  }
0x167: {  	[sflag:s28] =	ssyncadd.s32 $0xFFFFD800  }
0x168: {  	_ =	swait.ge [sflag:s26], $0x2800  }
0x169: {  	[sflag:s26] =	ssyncset.done $0x0  }
0x16a: {  	[sflag:s26] =	ssyncadd.s32 $0xFFFFD800  }
0x16b: {  	[spmem:s1] =	stream.indirect.scatter.add.f32 [tilespmem:s25], [sflag:$0x4], $0x80, s8, s30, $0xb8;
	[tilespmem:$0x1D000] =	vst v63  }
0x16c: {  	s10 =	stileid.u32;
	_ =	swait.ge [sflag:s28], $0x2800  }
0x16d: {  	s11 =	sshrl.u32 s5, $0x3;
	s3 =	sadd.s32 $0x1, s3;
	[sflag:s28] =	ssyncset.done $0x0  }
0x16e: {  	s10 =	sshll.u32 s10, $0x6;
	p0 =	sne.s32 s3, s23;
	[sflag:s28] =	ssyncadd.s32 $0xFFFFD800  }
.Ltmp6:
0x16f: {  	s10 =	sor.u32 $0x1C04, s10;
	[bflag:$0x0] =	sbarrier.arrive $0xFFFF;
	(pc) =	sbr.rel @p0 .LBB2_1-.Ltmp6, $4  }
0x170: {  	[hbm:s24], [sflag:s10] =	dma.local [spmem:s11], $0x2800  }
0x171: {  	_ =	swait.ge [sflag:s28], $0x2800  }
0x172: {  	[sflag:s28] =	ssyncset.done $0x0  }
0x173: {  	[sflag:s28] =	ssyncadd.s32 $0xFFFFD800  }
0x174: {  	_ =	sfence.sel $0x180000  }
0x175: {  	[bflag:$0x0] =	sbarrier.arrive $0xFFFF  }
0x176: {  	_ =	strace $0x9000004A  }
0x177: {  	s0 =	stileid.u32;
	[bflag:$0x2] =	sbarrier.arrive $0xFFFF  }
0x178: {  	p0 =	sne.s32 s0, $0x0;
	s0 =	rddreg [dreg:$0x2]  }
0x179: {  	s0 =	sadd.s32 @!p0 $0x100000, s0  }
0x17a: {  	[sflag:s0] =	ssyncadd.tile.s32 @!p0 $0x1;
	_ =	shalt  }
.Lfunc_end2:
_tile_overlayer_lowered:
.L_overlay_start_2:
0x17b: {  	(tag) =	ssettag $0x2  }
0x17c: {  	s0 =	rddreg [dreg:$0x0];
	s2 =	stileid.u32  }
0x17d: {  	s1 =	rddreg [dreg:$0x1];
	p0 =	sne.s32 s2, $0x0  }
0x17e: {  	s3 =	rddreg [dreg:$0x2];
	[bflag:$0x3] =	sbarrier.arrive $0xFFFF;
	s2 =	simm.s32 @!p0 $0x1C04  }
0x17f: {  	[timem:s3], [sflag:s2] =	dma.local @!p0 [hbm:s0], s1  }
0x180: {  	s0 =	simm.s32 @!p0 $0x4  }
0x181: {  	_ =	swait.ge @!p0 [sflag:s0], s1  }
0x182: {  	s1 =	ssub.s32 @!p0 $0x0, s1;
	[sflag:s0] =	ssyncset.done @!p0 $0x0  }
0x183: {  	[sflag:s0] =	ssyncadd.s32 @!p0 s1  }
0x184: {  	[bflag:$0x3] =	sbarrier.arrive $0xFFFF  }
0x185: {  	_ =	shalt  }

// kernel: kernel.14.cloned.1.call-start
scs
__scs_entry_jumppad:
0x0: {  	(pc) =	sbr.rel $0x88, $3  }
0x1: {  	(tag) =	ssettag $0x0;
	lr =	simm.s32 $0x1  }
0x2: {  	[smem:$0x3F9A] =	sst lr;
	_ =	strace $0xD0000000  }
0x3: {  	_ = 	snop  }
0x4: {  	_ = 	snop  }
0x5: {  	_ = 	snop  }
0x6: {  	_ = 	snop  }
0x7: {  	_ = 	snop  }
__scs_overlays_trampoline_lowered:
0x8: {  	[smem:$0x3FA9] =	sst s0  }
0x9: {  	[smem:$0x3FAA] =	sst s1  }
0xa: {  	[smem:$0x3FAB] =	sst s2  }
0xb: {  	[smem:$0x3FAC] =	sst s3  }
0xc: {  	[smem:$0x3FAD] =	sst s4  }
0xd: {  	[smem:$0x3FAE] =	sst s5  }
0xe: {  	[smem:$0x3FAF] =	sst s6  }
0xf: {  	[smem:$0x3FB0] =	sst s7  }
0x10: {  	[smem:$0x3FB1] =	sst s8  }
0x11: {  	[smem:$0x3FB2] =	sst s9;
	s0 =	simm.s32 @!p0 $0x0  }
0x12: {  	s1 =	sld [smem:$0x3F98];
	s0 =	simm.s32 @p0 $0x1  }
0x13: {  	[smem:$0x3FB3] =	sst s0;
	s0 =	simm.s32 @!p1 $0x0  }
0x14: {  	s2 =	sld [smem:$0x3F97];
	s0 =	simm.s32 @p1 $0x1  }
0x15: {  	[smem:$0x3FB4] =	sst s0;
	s0 =	simm.s32 @!p2 $0x0  }
0x16: {  	s3 =	sld [smem:$0x3FDB];
	s0 =	simm.s32 @p2 $0x1  }
0x17: {  	s4 =	simm.s32 $0x1BF5;
	[smem:$0x3FB6] =	sst s0  }
0x18: {  	s0 =	sld [smem:$0x3F99];
	_ =	swait.ge [sflag:s4], $0x0  }
0x19: {  	s7 =	sld [smem:$0x3F9A]  }
0x1a: {  	s8 =	sadd.s32 $0xFFFFE003, lr  }
0x1b: {  	s9 =	sadd.s32 $0xFFFFFEF7, lr;
	s5 =	simm.s32 $0xFFFFFFFF;
	p2 =	slt.u32 s8, $0xFFFFF086  }
0x1c: {  	p1 =	slt.u32 s9, $0xF7A;
	s5 =	simm.s32 @!p2 $0x0  }
0x1d: {  	s5 =	simm.s32 @p1 $0x1;
	p0 =	seq.s32 s7, s2  }
0x1e: {  	s7 =	smul.u32 @!p0 $0xF7A, s2;
	p2 =	seq.s32 @!p0 s5, $0x0  }
0x1f: {  	s9 =	smul.u32 $0xF7A, s1;
	s8 =	simm.s32 @!p0 $0x1BF5;
	p2 =	por !p2, p0  }
0x20: {  	[sflag:s8] =	ssyncset.s32 @!p0 $0xFFFFF086;
	s6 =	sadd.s32 @!p0 s3, s7;
	s7 =	simm.s32 @!p0 $0x108  }
0x21: {  	s3 =	sadd.s32 s3, s9;
	s6 =	sadd.s32 @!p0 $0x88, s6;
	s7 =	simm.s32 @p2 $0x1082  }
0x22: {  	[simem:s7], [sflag:s8] =	dma.local @!p0 [hbm:s6], $0xF7A  }
0x23: {  	s9 =	sor.u32 $0xD0000000, s2;
	s6 =	simm.s32 $0x108;
	_ =	swait.ge @!p0 [sflag:s8], $0x0  }
0x24: {  	s3 =	sadd.s32 $0x88, s3;
	s6 =	simm.s32 @!p1 $0x1082;
	[sflag:s4] =	ssyncset.s32 $0xFFFFF086  }
0x25: {  	[simem:s6], [sflag:s4] =	dma.local [hbm:s3], $0xF7A  }
0x26: {  	[smem:$0x3F9A] =	sst s1;
	(tag) =	ssettag s2;
	_ =	strace s9  }
0x27: {  	s1 =	sld [smem:$0x3FAA]  }
0x28: {  	s2 =	sld [smem:$0x3FAB]  }
0x29: {  	s4 =	sld [smem:$0x3FAD]  }
0x2a: {  	p0 =	seq.s32 s5, $0x0;
	s5 =	sld [smem:$0x3FAE]  }
0x2b: {  	s6 =	sld [smem:$0x3FAF]  }
0x2c: {  	s7 =	sld [smem:$0x3FB0]  }
0x2d: {  	s3 =	simm.s32 $0x108;
	s8 =	sld [smem:$0x3FB1]  }
0x2e: {  	s3 =	simm.s32 @!p0 $0x1082;
	s9 =	sld [smem:$0x3FB2]  }
0x2f: {  	lr =	sadd.s32 s0, s3;
	s0 =	sld [smem:$0x3FA9]  }
0x30: {  	s3 =	sld [smem:$0x3FAC]  }
0x31: {  	[smem:$0x3FB5] =	sst s10  }
0x32: {  	s10 =	sld [smem:$0x3FB3];
	_ =	sdelay $0x3  }
0x33: {  	p0 =	seq.s32 s10, $0x1;
	s10 =	sld [smem:$0x3FB5];
	_ =	sdelay $0x3  }
0x34: {  	[smem:$0x3FB5] =	sst s10  }
0x35: {  	s10 =	sld [smem:$0x3FB4];
	_ =	sdelay $0x3  }
0x36: {  	p1 =	seq.s32 s10, $0x1;
	s10 =	sld [smem:$0x3FB5];
	_ =	sdelay $0x3  }
0x37: {  	[smem:$0x3FB5] =	sst s10  }
0x38: {  	s10 =	sld [smem:$0x3FB6]  }
0x39: {  	_ = 	snop;
	(pc) =	sbr.ind lr, $3  }
0x3a: {  	_ = 	snop  }
0x3b: {  	_ = 	snop  }
0x3c: {  	p2 =	seq.s32 s10, $0x1;
	s10 =	sld [smem:$0x3FB5]  }
0x3d: {  	_ =	shalt  }
0x3e: {  	_ =	shalt  }
0x3f: {  	_ =	shalt  }
0x40: {  	_ =	shalt  }
0x41: {  	_ =	shalt  }
0x42: {  	_ =	shalt  }
0x43: {  	_ =	shalt  }
0x44: {  	_ =	shalt  }
0x45: {  	_ =	shalt  }
0x46: {  	_ =	shalt  }
0x47: {  	_ =	shalt  }
0x48: {  	_ =	shalt  }
0x49: {  	_ =	shalt  }
0x4a: {  	_ =	shalt  }
0x4b: {  	_ =	shalt  }
0x4c: {  	_ =	shalt  }
0x4d: {  	_ =	shalt  }
0x4e: {  	_ =	shalt  }
0x4f: {  	_ =	shalt  }
0x50: {  	_ =	shalt  }
0x51: {  	_ =	shalt  }
0x52: {  	_ =	shalt  }
0x53: {  	_ =	shalt  }
0x54: {  	_ =	shalt  }
0x55: {  	_ =	shalt  }
0x56: {  	_ =	shalt  }
0x57: {  	_ =	shalt  }
0x58: {  	_ =	shalt  }
0x59: {  	_ =	shalt  }
0x5a: {  	_ =	shalt  }
0x5b: {  	_ =	shalt  }
0x5c: {  	_ =	shalt  }
0x5d: {  	_ =	shalt  }
0x5e: {  	_ =	shalt  }
0x5f: {  	_ =	shalt  }
0x60: {  	_ =	shalt  }
0x61: {  	_ =	shalt  }
0x62: {  	_ =	shalt  }
0x63: {  	_ =	shalt  }
0x64: {  	_ =	shalt  }
0x65: {  	_ =	shalt  }
0x66: {  	_ =	shalt  }
0x67: {  	_ =	shalt  }
0x68: {  	_ =	shalt  }
0x69: {  	_ =	shalt  }
0x6a: {  	_ =	shalt  }
0x6b: {  	_ =	shalt  }
0x6c: {  	_ =	shalt  }
0x6d: {  	_ =	shalt  }
0x6e: {  	_ =	shalt  }
0x6f: {  	_ =	shalt  }
0x70: {  	_ =	shalt  }
0x71: {  	_ =	shalt  }
0x72: {  	_ =	shalt  }
0x73: {  	_ =	shalt  }
0x74: {  	_ =	shalt  }
0x75: {  	_ =	shalt  }
0x76: {  	_ =	shalt  }
0x77: {  	_ =	shalt  }
0x78: {  	_ =	shalt  }
0x79: {  	_ =	shalt  }
0x7a: {  	_ =	shalt  }
0x7b: {  	_ =	shalt  }
0x7c: {  	_ =	shalt  }
0x7d: {  	_ =	shalt  }
0x7e: {  	_ =	shalt  }
0x7f: {  	_ =	shalt  }
0x80: {  	_ =	shalt  }
0x81: {  	_ =	shalt  }
0x82: {  	_ =	shalt  }
0x83: {  	_ =	shalt  }
0x84: {  	_ =	shalt  }
0x85: {  	_ =	shalt  }
0x86: {  	_ =	shalt  }
0x87: {  	_ =	shalt  }
.Lfunc_end0:
.L_simem_size_0:
called_computation.2_lowered:
.L_overlay_start_0:
0x88: {  	s2 =	sld [smem:$0x3FD9]  }
0x89: {  	s3 =	sld [smem:$0x3FFE];
	_ =	sdelay $0x1  }
0x8a: {  	s1 =	srdreg.scid  }
0x8b: {  	s0 =	sand.u32 $0x1, s1  }
0x8c: {  	s16 =	sshll.u32 s0, $0xA;
	s2 =	sadd.s32 s3, s2  }
0x8d: {  	s2 =	sadd.s32 s2, s16  }
0x8e: {  	[smem:$0x3FC1] =	sst s2  }
0x8f: {  	_ = 	snop  }
0x90: {  	(tm) =	ssettm $0x1  }
0x91: {  	s17 =	sld [smem:$0x3FFB];
	_ =	sdelay $0x3  }
0x92: {  	_ =	strace s17  }
0x93: {  	s2 =	sld [smem:$0x3FFC];
	_ =	sdelay $0x3  }
0x94: {  	_ =	strace s2  }
0x95: {  	s2 =	sld [smem:$0x3FFD];
	_ =	sdelay $0x3  }
0x96: {  	_ =	strace s2  }
0x97: {  	_ =	strace $0x8FFFFFFF  }
0x98: {  	s18 =	sld [smem:$0x3FDB];
	_ =	sdelay $0x1  }
0x99: {  	s19 =	simm.s32 $_scs_section_size  }
0x9a: {  	s4 =	simm.s32 $_size__tile_overlayer_lowered;
	s5 =	simm.s32 $_tile_overlayer_lowered  }
0x9b: {  	s22 =	simm.s32 $0x1BFF;
	s21 =	sshll.u32 s5, $0x1;
	s2 =	sadd.s32 s19, s18  }
0x9c: {  	s6 =	simm.s32 $0x0;
	s20 =	sshll.u32 s4, $0x1;
	s4 =	sadd.s32 s21, s2  }
0x9d: {  	[timem:s6], [sflag:s22] =	dma.local [hbm:s4], s20  }
0x9e: {  	_ =	swait.ge [sflag:s22], s20  }
0x9f: {  	s3 =	ssub.s32 $0x0, s20;
	[sflag:s22] =	ssyncset.done $0x0  }
0xa0: {  	[sflag:s22] =	ssyncadd.s32 s3;
	_ =	sdelay $0x1  }
0xa1: {  	s23 =	simm.s32 $0x1B8B  }
0xa2: {  	_ =	swait.ge [sflag:s23], $0x1  }
0xa3: {  	[sflag:s23] =	ssyncset.done $0x0  }
0xa4: {  	s25 =	simm.s32 $0x1B8E;
	s24 =	sld [smem:$0x3FFE];
	[sflag:s23] =	ssyncadd.s32 $0xFFFFFFFF  }
0xa5: {  	s26 =	simm.s32 $execute0_lowered;
	[smem:$0x3FD2] =	sst s25  }
0xa6: {  	s4 =	sshll.u32 s26, $0x1;
	_ =	strace $0x8000004C;
	[dreg:$0x1] =	wrdreg $0xFFFFFFFF  }
0xa7: {  	s28 =	simm.s32 $_size_execute0_lowered;
	s2 =	sadd.s32 s2, s4;
	[dreg:$0x0] =	wrdreg $0x0  }
0xa8: {  	s4 =	sshll.u32 s28, $0x1;
	[dreg:$0x2] =	wrdreg s2  }
0xa9: {  	[dreg:$0x3] =	wrdreg s4  }
0xaa: {  	[dreg:$0x4] =	wrdreg $0xC0  }
0xab: {  	_ =	task [dreg:s6], $0x5FFFF  }
0xac: {  	[dreg:$0x1] =	wrdreg $0xFFFFFFFF  }
0xad: {  	[dreg:$0x0] =	wrdreg $0x60  }
0xae: {  	[dreg:$0x2] =	wrdreg s24  }
0xaf: {  	[dreg:$0x3] =	wrdreg $0x116200  }
0xb0: {  	[dreg:$0x4] =	wrdreg $0x76200  }
0xb1: {  	[dreg:$0x5] =	wrdreg $0x9  }
0xb2: {  	_ =	task.clear_ibuf [dreg:s6], $0x6FFFF;
	_ =	strace $0x9000004C  }
0xb3: {  	s29 =	simm.s32 $0x9;
	_ =	strace $0x8000004E  }
0xb4: {  	_ =	swait.ge [sflag:s29], $0x1  }
0xb5: {  	[sflag:s29] =	ssyncadd.s32 $0xFFFFFFFF  }
0xb6: {  	_ =	strace $0x9000004E  }
0xb7: {  	_ =	sfence  }
0xb8: {  	s30 =	sld [smem:$0x0];
	_ =	sdelay $0x2  }
0xb9: {  	s31 =	sshll.u32 s1, $0xD;
	s1 =	sshrl.u32 s1, $0x2  }
0xba: {  	s3 =	sand.u32 $0x4000, s31;
	s1 =	sadd.s32 s1, s30  }
0xbb: {  	s0 =	sor.u32 s3, s0;
	s1 =	sshll.u32 s1, $0x11  }
0xbc: {  	s0 =	sor.u32 s1, s0  }
0xbd: {  	s0 =	sadd.s32 $0x8F2B, s0  }
0xbe: {  	[sflag:s0] =	ssyncadd.remote.s32 $0x1  }
0xbf: {  	_ =	sfence.sel $0xFFFF  }
0xc0: {  	[dreg:$0x0] =	wrdreg $0xFFFFFFFF;
	(pc) =	sbr.abs _section_cstart, $3  }
0xc1: {  	[dreg:$0x1] =	wrdreg $0xFFFFFFFF  }
0xc2: {  	_ =	task.clear_ibuf [dreg:s6], $0x2FFFF;
	_ =	strace $0x9FFFFFFF  }
0xc3: {  	(tm) =	ssettm $0x7FFFFFFF  }
tec
execute0_lowered:
.L_overlay_start_1:
0x0: {  	(tag) =	ssettag $0x1  }
0x1: {  	s5 =	rddreg [dreg:$0x0]  }
0x2: {  	s1 =	rddreg [dreg:$0x1]  }
0x3: {  	s2 =	rddreg [dreg:$0x2];
	s3 =	srdreg.scid;
	s4 =	simm.s32 $0x0  }
0x4: {  	s21 =	simm.s32 $0x20800;
	s22 =	simm.s32 $0x1;
	s23 =	simm.s32 $0x2  }
0x5: {  	s24 =	simm.s32 $0x3;
	s25 =	simm.s32 $0x2710;
	s26 =	simm.s32 $0x50  }
0x6: {  	s28 =	simm.s32 $0x6220;
	s29 =	simm.s32 $0x4DD0;
	s15 =	sand.u32 $0x1, s3  }
0x7: {  	s3 =	stileid.u32;
	[smem:$0x7FF] =	sst s4;
	s6 =	sshll.u32 s15, $0x4  }
0x8: {  	s8 =	smul.u32 $0xA000, s3;
	_ =	strace $0x8000004D;
	s7 =	ssub.s32 $0x2, s15  }
0x9: {  	s11 =	smul.u32 $0x28000, s3;
	p0 =	seq.s32 s15, $0x1;
	s6 =	sor.u32 s3, s6  }
0xa: {  	s10 =	sshrl.u32 s7, $0x1;
	s21 =	simm.s32 @!p0 $0x8B400;
	s6 =	smul.u32 $0x4E2, s6  }
0xb: {  	s9 =	sshrl.u32 s8, $0x3;
	s18 =	ssub.s32 s7, s10;
	s20 =	sadd.s32 s8, s1  }
0xc: {  	s31 =	sshrl.u32 s11, $0x2;
	s8 =	sadd.s32 s8, s2;
	s19 =	sadd.s32 s9, s5  }
0xd: {  	s16 =	sadd.s32 s31, s2;
	s18 =	smax.u32 s18, $0x1;
	s20 =	sshrl.u32 s20, $0x3  }
0xe: {  	s17 =	sadd.s32 s6, s5;
	s5 =	sshll.u32 s3, $0x6;
	s6 =	sadd.s32 $0xC800, s19  }
0xf: {  	s9 =	sadd.s32 $0x1400, s16;
	s10 =	sadd.s32 $0x2800, s16;
	s11 =	sadd.s32 $0x3C00, s16  }
0x10: {  	s12 =	sadd.s32 $0x5000, s16;
	s13 =	sadd.s32 $0x6400, s16;
	s14 =	sadd.s32 $0x7800, s16  }
0x11: {  	s15 =	sadd.s32 $0x8C00, s16;
	s19 =	sadd.s32 s21, s19;
	s21 =	simm.s32 $0x4E20  }
0x12: {  	v0 =	vimm.f32 $0.0e+00;
	s7 =	sor.u32 $0x1C02, s5;
	s16 =	sadd.s32 $0x103400, s17;
	s17 =	sadd.s32 $0x2A00, s17  }
.LBB2_1:
0x13: {  	s31 =	simm.s32 $0x100;
	s30 =	simm.s32 $0x0  }
.LBB2_2:
0x14: {  	p0 =	sne.s32 s31, $0x4F00;
	[tilespmem:s30+$0x4E50] =	vst v0;
	s0 =	smov.u32 s31;
	s31 =	sadd.s32 $0x100, s31  }
.Ltmp0:
0x15: {  	[tilespmem:s30+$0x4E40] =	vst v0;
	(pc) =	sbr.rel @p0 .LBB2_2-.Ltmp0, $3  }
0x16: {  	[tilespmem:s30+$0x4E20] =	vst v0  }
0x17: {  	[tilespmem:s30+$0x4E30] =	vst v0;
	_ =	sdelay $0x1  }
0x18: {  	s30 =	sshra.s32 s0, $0x2  }
0x19: {  	[tilespmem:s30+$0x4E50] =	vst v0  }
0x1a: {  	[tilespmem:s30+$0x4E40] =	vst v0  }
0x1b: {  	[tilespmem:s30+$0x4E20] =	vst v0  }
0x1c: {  	[tilespmem:s30+$0x4E30] =	vst v0  }
0x1d: {  	[spmem:s20], [sflag:s7] =	dma.local [hbm:s6], $0x1400  }
0x1e: {  	[spmem:s8] =	stream.linear.scatter [tilespmem:s21], [sflag:$0x1], $0x1400, $0x38;
	[tilespmem:$0x1B620] =	vst v63  }
0x1f: {  	_ = 	snop  }
0x20: {  	[spmem:s9] =	stream.linear.scatter [tilespmem:s21], [sflag:$0x1], $0x1400, $0x38;
	[tilespmem:$0x1B620] =	vst v63  }
0x21: {  	_ = 	snop  }
0x22: {  	[spmem:s10] =	stream.linear.scatter [tilespmem:s21], [sflag:$0x1], $0x1400, $0x38;
	[tilespmem:$0x1B620] =	vst v63  }
0x23: {  	_ = 	snop  }
0x24: {  	[spmem:s11] =	stream.linear.scatter [tilespmem:s21], [sflag:$0x1], $0x1400, $0x38;
	[tilespmem:$0x1B620] =	vst v63  }
0x25: {  	_ = 	snop  }
0x26: {  	[spmem:s12] =	stream.linear.scatter [tilespmem:s21], [sflag:$0x1], $0x1400, $0x38;
	[tilespmem:$0x1B620] =	vst v63  }
0x27: {  	_ = 	snop  }
0x28: {  	[spmem:s13] =	stream.linear.scatter [tilespmem:s21], [sflag:$0x1], $0x1400, $0x38;
	[tilespmem:$0x1B620] =	vst v63  }
0x29: {  	_ = 	snop  }
0x2a: {  	[spmem:s14] =	stream.linear.scatter [tilespmem:s21], [sflag:$0x1], $0x1400, $0x38;
	[tilespmem:$0x1B620] =	vst v63  }
0x2b: {  	_ = 	snop  }
0x2c: {  	[spmem:s15] =	stream.linear.scatter [tilespmem:s21], [sflag:$0x1], $0x1400, $0x38;
	[tilespmem:$0x1B620] =	vst v63  }
0x2d: {  	_ =	swait.ge [sflag:s22], $0x1400  }
0x2e: {  	[sflag:s22] =	ssyncset.done $0x0  }
0x2f: {  	[sflag:s22] =	ssyncadd.s32 $0xFFFFEC00  }
0x30: {  	_ =	swait.ge [sflag:s22], $0x1400  }
0x31: {  	[sflag:s22] =	ssyncset.done $0x0  }
0x32: {  	[sflag:s22] =	ssyncadd.s32 $0xFFFFEC00  }
0x33: {  	_ =	swait.ge [sflag:s22], $0x1400  }
0x34: {  	[sflag:s22] =	ssyncset.done $0x0  }
0x35: {  	[sflag:s22] =	ssyncadd.s32 $0xFFFFEC00  }
0x36: {  	_ =	swait.ge [sflag:s22], $0x1400  }
0x37: {  	[sflag:s22] =	ssyncset.done $0x0  }
0x38: {  	[sflag:s22] =	ssyncadd.s32 $0xFFFFEC00  }
0x39: {  	_ =	swait.ge [sflag:s22], $0x1400  }
0x3a: {  	[sflag:s22] =	ssyncset.done $0x0  }
0x3b: {  	[sflag:s22] =	ssyncadd.s32 $0xFFFFEC00  }
0x3c: {  	_ =	swait.ge [sflag:s22], $0x1400  }
0x3d: {  	[sflag:s22] =	ssyncset.done $0x0  }
0x3e: {  	[sflag:s22] =	ssyncadd.s32 $0xFFFFEC00  }
0x3f: {  	_ =	swait.ge [sflag:s22], $0x1400  }
0x40: {  	[sflag:s22] =	ssyncset.done $0x0  }
0x41: {  	[sflag:s22] =	ssyncadd.s32 $0xFFFFEC00  }
0x42: {  	_ =	swait.ge [sflag:s22], $0x1400  }
0x43: {  	[sflag:s22] =	ssyncset.done $0x0  }
0x44: {  	[sflag:s22] =	ssyncadd.s32 $0xFFFFEC00  }
0x45: {  	_ =	swait.ge [sflag:s23], $0x1400  }
0x46: {  	[sflag:s23] =	ssyncset.done $0x0  }
0x47: {  	[sflag:s23] =	ssyncadd.s32 $0xFFFFEC00  }
0x48: {  	s0 =	simm.s32 $0x0;
	[bflag:$0x0] =	sbarrier.arrive $0xFFFF  }
0x49: {  	[tilespmem:s0], [sflag:$0x3] =	stream.linear.gather [hbm4b:s16+s0], $0x2710, $0x38;
	[tilespmem:$0x1B620] =	vst v63  }
0x4a: {  	_ =	swait.ge [sflag:s24], $0x2710  }
0x4b: {  	[sflag:s24] =	ssyncset.done $0x0  }
0x4c: {  	[sflag:s24] =	ssyncadd.s32 $0xFFFFD8F0  }
0x4d: {  	[tilespmem:s25], [sflag:$0x3] =	stream.linear.gather [hbm4b:s17+s0], $0x2710, $0x38;
	[tilespmem:$0x1B620] =	vst v63  }
0x4e: {  	_ =	swait.ge [sflag:s24], $0x2710  }
0x4f: {  	[sflag:s24] =	ssyncset.done $0x0  }
0x50: {  	[sflag:s24] =	ssyncadd.s32 $0xFFFFD8F0  }
0x51: {  	[tilespmem:s21], [sflag:$0x1] =	stream.indirect.gather [spmem:s1], $0x40, s0, s26, $0xb8;
	[tilespmem:$0x1B620] =	vst v63  }
0x52: {  	_ =	swait.ge [sflag:s22], $0x1400  }
0x53: {  	[sflag:s22] =	ssyncset.done $0x0  }
0x54: {  	s31 =	simm.s32 $0x50;
	[sflag:s22] =	ssyncadd.s32 $0xFFFFEC00  }
0x55: {  	[tilespmem:s28], [sflag:$0x2] =	stream.indirect.gather [spmem:s1], $0x40, s31, s26, $0xb8;
	[tilespmem:$0x1B620] =	vst v63  }
0x56: {  	s31 =	simm.s32 $0x2710  }
0x57: {  	[spmem:s2] =	stream.indirect.scatter.add.f32 [tilespmem:s21], [sflag:$0x3], $0x40, s31, s26, $0xb8;
	[tilespmem:$0x1B620] =	vst v63  }
0x58: {  	_ =	swait.ge [sflag:s24], $0x1400  }
0x59: {  	[sflag:s24] =	ssyncset.done $0x0  }
0x5a: {  	[sflag:s24] =	ssyncadd.s32 $0xFFFFEC00  }
0x5b: {  	_ =	swait.ge [sflag:s23], $0x1400  }
0x5c: {  	[sflag:s23] =	ssyncset.done $0x0  }
0x5d: {  	s31 =	simm.s32 $0xA0;
	[sflag:s23] =	ssyncadd.s32 $0xFFFFEC00  }
0x5e: {  	[tilespmem:s21], [sflag:$0x1] =	stream.indirect.gather [spmem:s1], $0x40, s31, s26, $0xb8;
	[tilespmem:$0x1B620] =	vst v63  }
0x5f: {  	s31 =	simm.s32 $0x2760  }
0x60: {  	[spmem:s2] =	stream.indirect.scatter.add.f32 [tilespmem:s28], [sflag:$0x3], $0x40, s31, s26, $0xb8;
	[tilespmem:$0x1B620] =	vst v63  }
0x61: {  	_ =	swait.ge [sflag:s24], $0x1400  }
0x62: {  	s30 =	simm.s32 $0x280;
	[sflag:s24] =	ssyncset.done $0x0  }
.LBB2_4:
0x63: {  	p0 =	sne.s32 s30, $0x9880  }
0x64: {  	[sflag:s24] =	ssyncadd.s32 $0xFFFFEC00;
	s0 =	smov.u32 s30;
	s30 =	sadd.s32 $0x280, s30  }
0x65: {  	_ = 	snop  }
0x66: {  	_ =	swait.ge [sflag:s22], $0x1400  }
0x67: {  	s0 =	sshra.s32 s0, $0x2;
	[sflag:s22] =	ssyncset.done $0x0  }
0x68: {  	s31 =	sadd.s32 $0x50, s0;
	[sflag:s22] =	ssyncadd.s32 $0xFFFFEC00  }
0x69: {  	[tilespmem:s28], [sflag:$0x2] =	stream.indirect.gather [spmem:s1], $0x40, s31, s26, $0xb8;
	[tilespmem:$0x1B620] =	vst v63  }
0x6a: {  	s31 =	sadd.s32 $0x2710, s0  }
0x6b: {  	[spmem:s2] =	stream.indirect.scatter.add.f32 [tilespmem:s21], [sflag:$0x3], $0x40, s31, s26, $0xb8;
	[tilespmem:$0x1B620] =	vst v63  }
0x6c: {  	_ =	swait.ge [sflag:s24], $0x1400  }
0x6d: {  	[sflag:s24] =	ssyncset.done $0x0  }
0x6e: {  	[sflag:s24] =	ssyncadd.s32 $0xFFFFEC00  }
0x6f: {  	_ =	swait.ge [sflag:s23], $0x1400  }
0x70: {  	[sflag:s23] =	ssyncset.done $0x0  }
0x71: {  	s31 =	sadd.s32 $0xA0, s0;
	[sflag:s23] =	ssyncadd.s32 $0xFFFFEC00  }
0x72: {  	[tilespmem:s21], [sflag:$0x1] =	stream.indirect.gather [spmem:s1], $0x40, s31, s26, $0xb8;
	[tilespmem:$0x1B620] =	vst v63  }
.Ltmp1:
0x73: {  	_ = 	snop;
	(pc) =	sbr.rel @p0 .LBB2_4-.Ltmp1, $4  }
0x74: {  	s0 =	sadd.s32 $0x2760, s0  }
0x75: {  	[spmem:s2] =	stream.indirect.scatter.add.f32 [tilespmem:s28], [sflag:$0x3], $0x40, s0, s26, $0xb8;
	[tilespmem:$0x1B620] =	vst v63  }
0x76: {  	_ =	swait.ge [sflag:s24], $0x1400  }
0x77: {  	[sflag:s24] =	ssyncset.done $0x0  }
0x78: {  	[sflag:s24] =	ssyncadd.s32 $0xFFFFEC00  }
0x79: {  	_ =	swait.ge [sflag:s22], $0x1400  }
0x7a: {  	[sflag:s22] =	ssyncset.done $0x0  }
0x7b: {  	[sflag:s22] =	ssyncadd.s32 $0xFFFFEC00  }
0x7c: {  	[spmem:s2] =	stream.indirect.scatter.add.f32 [tilespmem:s21], [sflag:$0x3], $0x40, s29, s26, $0xb8;
	[tilespmem:$0x1B620] =	vst v63  }
0x7d: {  	_ =	swait.ge [sflag:s24], $0x1400  }
0x7e: {  	s4 =	sadd.s32 $0x1, s4;
	[sflag:s24] =	ssyncset.done $0x0  }
0x7f: {  	s0 =	sor.u32 $0x1C03, s5;
	p0 =	sne.s32 s4, s18;
	[sflag:s24] =	ssyncadd.s32 $0xFFFFEC00  }
.Ltmp2:
0x80: {  	s30 =	sshrl.u32 s8, $0x3;
	[bflag:$0x0] =	sbarrier.arrive $0xFFFF;
	(pc) =	sbr.rel @p0 .LBB2_1-.Ltmp2, $4  }
0x81: {  	[hbm:s19], [sflag:s0] =	dma.local [spmem:s30], $0x1400  }
0x82: {  	_ =	swait.ge [sflag:s24], $0x1400  }
0x83: {  	[sflag:s24] =	ssyncset.done $0x0  }
0x84: {  	[sflag:s24] =	ssyncadd.s32 $0xFFFFEC00  }
0x85: {  	_ =	sfence.sel $0x180000  }
0x86: {  	[bflag:$0x0] =	sbarrier.arrive $0xFFFF  }
0x87: {  	_ =	strace $0x9000004D  }
0x88: {  	[bflag:$0x2] =	sbarrier.arrive $0xFFFF  }
0x89: {  	p0 =	sne.s32 s3, $0x0;
	s0 =	rddreg [dreg:$0x3]  }
0x8a: {  	s0 =	sadd.s32 @!p0 $0x100000, s0  }
0x8b: {  	[sflag:s0] =	ssyncadd.tile.s32 @!p0 $0x1;
	_ =	shalt  }
.Lfunc_end2:
_tile_overlayer_lowered:
.L_overlay_start_2:
0x8c: {  	(tag) =	ssettag $0x2  }
0x8d: {  	s0 =	rddreg [dreg:$0x0];
	s2 =	stileid.u32  }
0x8e: {  	s1 =	rddreg [dreg:$0x1];
	p0 =	sne.s32 s2, $0x0  }
0x8f: {  	s3 =	rddreg [dreg:$0x2];
	[bflag:$0x3] =	sbarrier.arrive $0xFFFF;
	s2 =	simm.s32 @!p0 $0x1C03  }
0x90: {  	[timem:s3], [sflag:s2] =	dma.local @!p0 [hbm:s0], s1  }
0x91: {  	s0 =	simm.s32 @!p0 $0x3  }
0x92: {  	_ =	swait.ge @!p0 [sflag:s0], s1  }
0x93: {  	s1 =	ssub.s32 @!p0 $0x0, s1;
	[sflag:s0] =	ssyncset.done @!p0 $0x0  }
0x94: {  	[sflag:s0] =	ssyncadd.s32 @!p0 s1  }
0x95: {  	[bflag:$0x3] =	sbarrier.arrive $0xFFFF  }
0x96: {  	_ =	shalt  }

// kernel: kernel.8.cloned.1.call-start
scs
__scs_entry_jumppad:
0x0: {  	(pc) =	sbr.rel $0x88, $3  }
0x1: {  	(tag) =	ssettag $0x0;
	lr =	simm.s32 $0x1  }
0x2: {  	[smem:$0x3F9A] =	sst lr;
	_ =	strace $0xD0000000  }
0x3: {  	_ = 	snop  }
0x4: {  	_ = 	snop  }
0x5: {  	_ = 	snop  }
0x6: {  	_ = 	snop  }
0x7: {  	_ = 	snop  }
__scs_overlays_trampoline_lowered:
0x8: {  	[smem:$0x3FA9] =	sst s0  }
0x9: {  	[smem:$0x3FAA] =	sst s1  }
0xa: {  	[smem:$0x3FAB] =	sst s2  }
0xb: {  	[smem:$0x3FAC] =	sst s3  }
0xc: {  	[smem:$0x3FAD] =	sst s4  }
0xd: {  	[smem:$0x3FAE] =	sst s5  }
0xe: {  	[smem:$0x3FAF] =	sst s6  }
0xf: {  	[smem:$0x3FB0] =	sst s7  }
0x10: {  	[smem:$0x3FB1] =	sst s8  }
0x11: {  	[smem:$0x3FB2] =	sst s9;
	s0 =	simm.s32 @!p0 $0x0  }
0x12: {  	s1 =	sld [smem:$0x3F98];
	s0 =	simm.s32 @p0 $0x1  }
0x13: {  	[smem:$0x3FB3] =	sst s0;
	s0 =	simm.s32 @!p1 $0x0  }
0x14: {  	s2 =	sld [smem:$0x3F97];
	s0 =	simm.s32 @p1 $0x1  }
0x15: {  	[smem:$0x3FB4] =	sst s0;
	s0 =	simm.s32 @!p2 $0x0  }
0x16: {  	s3 =	sld [smem:$0x3FDB];
	s0 =	simm.s32 @p2 $0x1  }
0x17: {  	s4 =	simm.s32 $0x1BF5;
	[smem:$0x3FB6] =	sst s0  }
0x18: {  	s0 =	sld [smem:$0x3F99];
	_ =	swait.ge [sflag:s4], $0x0  }
0x19: {  	s7 =	sld [smem:$0x3F9A]  }
0x1a: {  	s8 =	sadd.s32 $0xFFFFE003, lr  }
0x1b: {  	s9 =	sadd.s32 $0xFFFFFEF7, lr;
	s5 =	simm.s32 $0xFFFFFFFF;
	p2 =	slt.u32 s8, $0xFFFFF086  }
0x1c: {  	p1 =	slt.u32 s9, $0xF7A;
	s5 =	simm.s32 @!p2 $0x0  }
0x1d: {  	s5 =	simm.s32 @p1 $0x1;
	p0 =	seq.s32 s7, s2  }
0x1e: {  	s7 =	smul.u32 @!p0 $0xF7A, s2;
	p2 =	seq.s32 @!p0 s5, $0x0  }
0x1f: {  	s9 =	smul.u32 $0xF7A, s1;
	s8 =	simm.s32 @!p0 $0x1BF5;
	p2 =	por !p2, p0  }
0x20: {  	[sflag:s8] =	ssyncset.s32 @!p0 $0xFFFFF086;
	s6 =	sadd.s32 @!p0 s3, s7;
	s7 =	simm.s32 @!p0 $0x108  }
0x21: {  	s3 =	sadd.s32 s3, s9;
	s6 =	sadd.s32 @!p0 $0x88, s6;
	s7 =	simm.s32 @p2 $0x1082  }
0x22: {  	[simem:s7], [sflag:s8] =	dma.local @!p0 [hbm:s6], $0xF7A  }
0x23: {  	s9 =	sor.u32 $0xD0000000, s2;
	s6 =	simm.s32 $0x108;
	_ =	swait.ge @!p0 [sflag:s8], $0x0  }
0x24: {  	s3 =	sadd.s32 $0x88, s3;
	s6 =	simm.s32 @!p1 $0x1082;
	[sflag:s4] =	ssyncset.s32 $0xFFFFF086  }
0x25: {  	[simem:s6], [sflag:s4] =	dma.local [hbm:s3], $0xF7A  }
0x26: {  	[smem:$0x3F9A] =	sst s1;
	(tag) =	ssettag s2;
	_ =	strace s9  }
0x27: {  	s1 =	sld [smem:$0x3FAA]  }
0x28: {  	s2 =	sld [smem:$0x3FAB]  }
0x29: {  	s4 =	sld [smem:$0x3FAD]  }
0x2a: {  	p0 =	seq.s32 s5, $0x0;
	s5 =	sld [smem:$0x3FAE]  }
0x2b: {  	s6 =	sld [smem:$0x3FAF]  }
0x2c: {  	s7 =	sld [smem:$0x3FB0]  }
0x2d: {  	s3 =	simm.s32 $0x108;
	s8 =	sld [smem:$0x3FB1]  }
0x2e: {  	s3 =	simm.s32 @!p0 $0x1082;
	s9 =	sld [smem:$0x3FB2]  }
0x2f: {  	lr =	sadd.s32 s0, s3;
	s0 =	sld [smem:$0x3FA9]  }
0x30: {  	s3 =	sld [smem:$0x3FAC]  }
0x31: {  	[smem:$0x3FB5] =	sst s10  }
0x32: {  	s10 =	sld [smem:$0x3FB3];
	_ =	sdelay $0x3  }
0x33: {  	p0 =	seq.s32 s10, $0x1;
	s10 =	sld [smem:$0x3FB5];
	_ =	sdelay $0x3  }
0x34: {  	[smem:$0x3FB5] =	sst s10  }
0x35: {  	s10 =	sld [smem:$0x3FB4];
	_ =	sdelay $0x3  }
0x36: {  	p1 =	seq.s32 s10, $0x1;
	s10 =	sld [smem:$0x3FB5];
	_ =	sdelay $0x3  }
0x37: {  	[smem:$0x3FB5] =	sst s10  }
0x38: {  	s10 =	sld [smem:$0x3FB6]  }
0x39: {  	_ = 	snop;
	(pc) =	sbr.ind lr, $3  }
0x3a: {  	_ = 	snop  }
0x3b: {  	_ = 	snop  }
0x3c: {  	p2 =	seq.s32 s10, $0x1;
	s10 =	sld [smem:$0x3FB5]  }
0x3d: {  	_ =	shalt  }
0x3e: {  	_ =	shalt  }
0x3f: {  	_ =	shalt  }
0x40: {  	_ =	shalt  }
0x41: {  	_ =	shalt  }
0x42: {  	_ =	shalt  }
0x43: {  	_ =	shalt  }
0x44: {  	_ =	shalt  }
0x45: {  	_ =	shalt  }
0x46: {  	_ =	shalt  }
0x47: {  	_ =	shalt  }
0x48: {  	_ =	shalt  }
0x49: {  	_ =	shalt  }
0x4a: {  	_ =	shalt  }
0x4b: {  	_ =	shalt  }
0x4c: {  	_ =	shalt  }
0x4d: {  	_ =	shalt  }
0x4e: {  	_ =	shalt  }
0x4f: {  	_ =	shalt  }
0x50: {  	_ =	shalt  }
0x51: {  	_ =	shalt  }
0x52: {  	_ =	shalt  }
0x53: {  	_ =	shalt  }
0x54: {  	_ =	shalt  }
0x55: {  	_ =	shalt  }
0x56: {  	_ =	shalt  }
0x57: {  	_ =	shalt  }
0x58: {  	_ =	shalt  }
0x59: {  	_ =	shalt  }
0x5a: {  	_ =	shalt  }
0x5b: {  	_ =	shalt  }
0x5c: {  	_ =	shalt  }
0x5d: {  	_ =	shalt  }
0x5e: {  	_ =	shalt  }
0x5f: {  	_ =	shalt  }
0x60: {  	_ =	shalt  }
0x61: {  	_ =	shalt  }
0x62: {  	_ =	shalt  }
0x63: {  	_ =	shalt  }
0x64: {  	_ =	shalt  }
0x65: {  	_ =	shalt  }
0x66: {  	_ =	shalt  }
0x67: {  	_ =	shalt  }
0x68: {  	_ =	shalt  }
0x69: {  	_ =	shalt  }
0x6a: {  	_ =	shalt  }
0x6b: {  	_ =	shalt  }
0x6c: {  	_ =	shalt  }
0x6d: {  	_ =	shalt  }
0x6e: {  	_ =	shalt  }
0x6f: {  	_ =	shalt  }
0x70: {  	_ =	shalt  }
0x71: {  	_ =	shalt  }
0x72: {  	_ =	shalt  }
0x73: {  	_ =	shalt  }
0x74: {  	_ =	shalt  }
0x75: {  	_ =	shalt  }
0x76: {  	_ =	shalt  }
0x77: {  	_ =	shalt  }
0x78: {  	_ =	shalt  }
0x79: {  	_ =	shalt  }
0x7a: {  	_ =	shalt  }
0x7b: {  	_ =	shalt  }
0x7c: {  	_ =	shalt  }
0x7d: {  	_ =	shalt  }
0x7e: {  	_ =	shalt  }
0x7f: {  	_ =	shalt  }
0x80: {  	_ =	shalt  }
0x81: {  	_ =	shalt  }
0x82: {  	_ =	shalt  }
0x83: {  	_ =	shalt  }
0x84: {  	_ =	shalt  }
0x85: {  	_ =	shalt  }
0x86: {  	_ =	shalt  }
0x87: {  	_ =	shalt  }
.Lfunc_end0:
.L_simem_size_0:
called_computation_lowered:
.L_overlay_start_0:
0x88: {  	s2 =	sld [smem:$0x3FD9]  }
0x89: {  	s3 =	sld [smem:$0x3FFE];
	_ =	sdelay $0x1  }
0x8a: {  	s1 =	srdreg.scid  }
0x8b: {  	s0 =	sand.u32 $0x1, s1  }
0x8c: {  	s16 =	sshll.u32 s0, $0xA;
	s2 =	sadd.s32 s3, s2  }
0x8d: {  	s2 =	sadd.s32 s2, s16  }
0x8e: {  	[smem:$0x3FC1] =	sst s2  }
0x8f: {  	_ = 	snop  }
0x90: {  	(tm) =	ssettm $0x1  }
0x91: {  	s17 =	sld [smem:$0x3FFB];
	_ =	sdelay $0x3  }
0x92: {  	_ =	strace s17  }
0x93: {  	s2 =	sld [smem:$0x3FFC];
	_ =	sdelay $0x3  }
0x94: {  	_ =	strace s2  }
0x95: {  	s2 =	sld [smem:$0x3FFD];
	_ =	sdelay $0x3  }
0x96: {  	_ =	strace s2  }
0x97: {  	_ =	strace $0x8FFFFFFF  }
0x98: {  	s18 =	sld [smem:$0x3FDB];
	_ =	sdelay $0x1  }
0x99: {  	s19 =	simm.s32 $_scs_section_size  }
0x9a: {  	s4 =	simm.s32 $_size__tile_overlayer_lowered;
	s5 =	simm.s32 $_tile_overlayer_lowered  }
0x9b: {  	s22 =	simm.s32 $0x1BFF;
	s21 =	sshll.u32 s5, $0x1;
	s2 =	sadd.s32 s19, s18  }
0x9c: {  	s6 =	simm.s32 $0x0;
	s20 =	sshll.u32 s4, $0x1;
	s4 =	sadd.s32 s21, s2  }
0x9d: {  	[timem:s6], [sflag:s22] =	dma.local [hbm:s4], s20  }
0x9e: {  	_ =	swait.ge [sflag:s22], s20  }
0x9f: {  	s3 =	ssub.s32 $0x0, s20;
	[sflag:s22] =	ssyncset.done $0x0  }
0xa0: {  	[sflag:s22] =	ssyncadd.s32 s3;
	_ =	sdelay $0x1  }
0xa1: {  	s23 =	simm.s32 $0x1B8B  }
0xa2: {  	_ =	swait.ge [sflag:s23], $0x1  }
0xa3: {  	[sflag:s23] =	ssyncset.done $0x0  }
0xa4: {  	s25 =	simm.s32 $0x1B8E;
	s24 =	sld [smem:$0x3FFE];
	[sflag:s23] =	ssyncadd.s32 $0xFFFFFFFF  }
0xa5: {  	s26 =	simm.s32 $execute0_lowered;
	[smem:$0x3FD2] =	sst s25  }
0xa6: {  	s4 =	sshll.u32 s26, $0x1;
	_ =	strace $0x80000046;
	[dreg:$0x1] =	wrdreg $0xFFFFFFFF  }
0xa7: {  	s28 =	simm.s32 $_size_execute0_lowered;
	s2 =	sadd.s32 s2, s4;
	[dreg:$0x0] =	wrdreg $0x0  }
0xa8: {  	s4 =	sshll.u32 s28, $0x1;
	[dreg:$0x2] =	wrdreg s2  }
0xa9: {  	[dreg:$0x3] =	wrdreg s4  }
0xaa: {  	[dreg:$0x4] =	wrdreg $0xC0  }
0xab: {  	_ =	task [dreg:s6], $0x5FFFF  }
0xac: {  	[dreg:$0x1] =	wrdreg $0xFFFFFFFF  }
0xad: {  	[dreg:$0x0] =	wrdreg $0x60  }
0xae: {  	[dreg:$0x2] =	wrdreg s24  }
0xaf: {  	[dreg:$0x3] =	wrdreg $0x43000  }
0xb0: {  	[dreg:$0x4] =	wrdreg $0x9  }
0xb1: {  	_ =	task.clear_ibuf [dreg:s6], $0x5FFFF;
	_ =	strace $0x90000046  }
0xb2: {  	s29 =	simm.s32 $0x9;
	_ =	strace $0x80000048  }
0xb3: {  	_ =	swait.ge [sflag:s29], $0x1  }
0xb4: {  	[sflag:s29] =	ssyncadd.s32 $0xFFFFFFFF  }
0xb5: {  	_ =	strace $0x90000048  }
0xb6: {  	_ =	sfence  }
0xb7: {  	s30 =	sld [smem:$0x0];
	_ =	sdelay $0x2  }
0xb8: {  	s31 =	sshll.u32 s1, $0xD;
	s1 =	sshrl.u32 s1, $0x2  }
0xb9: {  	s3 =	sand.u32 $0x4000, s31;
	s1 =	sadd.s32 s1, s30  }
0xba: {  	s0 =	sor.u32 s3, s0;
	s1 =	sshll.u32 s1, $0x11  }
0xbb: {  	s0 =	sor.u32 s1, s0  }
0xbc: {  	s0 =	sadd.s32 $0x8F2B, s0  }
0xbd: {  	[sflag:s0] =	ssyncadd.remote.s32 $0x1  }
0xbe: {  	_ =	sfence.sel $0xFFFF  }
0xbf: {  	[dreg:$0x0] =	wrdreg $0xFFFFFFFF;
	(pc) =	sbr.abs _section_cstart, $3  }
0xc0: {  	[dreg:$0x1] =	wrdreg $0xFFFFFFFF  }
0xc1: {  	_ =	task.clear_ibuf [dreg:s6], $0x2FFFF;
	_ =	strace $0x9FFFFFFF  }
0xc2: {  	(tm) =	ssettm $0x7FFFFFFF  }
0xc3: {  	_ =	shalt  }
tec
execute0_lowered:
.L_overlay_start_1:
0x0: {  	(tag) =	ssettag $0x1  }
0x1: {  	s4 =	rddreg [dreg:$0x0]  }
0x2: {  	s2 =	rddreg [dreg:$0x1]  }
0x3: {  	s0 =	rddreg [dreg:$0x2]  }
0x4: {  	s1 =	stileid.u32;
	s5 =	srdreg.scid  }
0x5: {  	s3 =	simm.s32 $0x0;
	s10 =	simm.s32 $0x50;
	s11 =	simm.s32 $0x4000  }
0x6: {  	s12 =	simm.s32 $0x1;
	s15 =	simm.s32 $0x20;
	s16 =	simm.s32 $0x10  }
0x7: {  	s17 =	simm.s32 $0x0;
	s5 =	sand.u32 $0x1, s5;
	s6 =	smul.u32 $0x500, s1  }
0x8: {  	[smem:$0x7FF] =	sst s3;
	s7 =	sshll.u32 s1, $0xB;
	s9 =	smul.u32 $0xA00, s1  }
0x9: {  	s13 =	sshll.u32 s1, $0x6;
	s8 =	sshll.u32 s5, $0x7;
	_ =	strace $0x80000047  }
0xa: {  	s7 =	sadd.s32 s7, s4;
	s28 =	ssub.s32 $0x2, s5;
	s5 =	sshll.u32 s5, $0xF  }
0xb: {  	s13 =	sor.u32 $0x1C02, s13;
	s6 =	sor.u32 s8, s6;
	s29 =	sshrl.u32 s28, $0x1  }
0xc: {  	s30 =	sadd.s32 s5, s7;
	s31 =	sshrl.u32 s9, $0x2;
	s9 =	simm.s32 $0x4080  }
0xd: {  	s6 =	sshrl.u32 s6, $0x3;
	s8 =	ssub.s32 s28, s29;
	s5 =	sadd.s32 s31, s2  }
0xe: {  	s6 =	sadd.s32 s6, s4;
	s4 =	sadd.s32 $0x2A00, s30;
	s7 =	smax.u32 s8, $0x1  }
0xf: {  	v0 =	vimm.f32 $1.000000000e+00;
	v1 =	vimm.f32 $0.0e+00;
	s8 =	simm.s32 $0x2;
	s14 =	sshrl.u32 s5, $0x3;
	s6 =	sadd.s32 $0x12A00, s6  }
.LBB2_1:
0x10: {  	[tilespmem:s3], [sflag:$0x2] =	stream.linear.gather [hbm4b:s4+s3], $0x3E80, $0x38;
	[tilespmem:$0x4580] =	vst v63  }
0x11: {  	_ =	swait.ge [sflag:s8], $0x3E80  }
0x12: {  	[sflag:s8] =	ssyncset.done $0x0  }
0x13: {  	[sflag:s8] =	ssyncadd.s32 $0xFFFFC180  }
0x14: {  	[tilespmem:$0x4000] =	vst v0  }
0x15: {  	[tilespmem:$0x4010] =	vst v0  }
0x16: {  	[tilespmem:$0x4020] =	vst v0  }
0x17: {  	[tilespmem:$0x4030] =	vst v0  }
0x18: {  	[tilespmem:$0x4040] =	vst v0  }
0x19: {  	[tilespmem:$0x4080] =	vst v1  }
0x1a: {  	[tilespmem:$0x4090] =	vst v1  }
0x1b: {  	[tilespmem:$0x40A0] =	vst v1  }
0x1c: {  	[tilespmem:$0x40B0] =	vst v1  }
0x1d: {  	[tilespmem:$0x40C0] =	vst v1  }
0x1e: {  	[tilespmem:$0x40D0] =	vst v1  }
0x1f: {  	[tilespmem:$0x40E0] =	vst v1  }
0x20: {  	[tilespmem:$0x40F0] =	vst v1  }
0x21: {  	[tilespmem:$0x4100] =	vst v1  }
0x22: {  	[tilespmem:$0x4110] =	vst v1  }
0x23: {  	[tilespmem:$0x4120] =	vst v1  }
0x24: {  	[tilespmem:$0x4130] =	vst v1  }
0x25: {  	[tilespmem:$0x4140] =	vst v1  }
0x26: {  	[tilespmem:$0x4150] =	vst v1  }
0x27: {  	[tilespmem:$0x4160] =	vst v1  }
0x28: {  	[tilespmem:$0x4170] =	vst v1  }
0x29: {  	[tilespmem:$0x4180] =	vst v1  }
0x2a: {  	[tilespmem:$0x4190] =	vst v1  }
0x2b: {  	[tilespmem:$0x41A0] =	vst v1  }
0x2c: {  	[tilespmem:$0x41B0] =	vst v1  }
0x2d: {  	[tilespmem:$0x41C0] =	vst v1  }
0x2e: {  	[tilespmem:$0x41D0] =	vst v1  }
0x2f: {  	[tilespmem:$0x41E0] =	vst v1  }
0x30: {  	[tilespmem:$0x41F0] =	vst v1  }
0x31: {  	[tilespmem:$0x4200] =	vst v1  }
0x32: {  	[tilespmem:$0x4210] =	vst v1  }
0x33: {  	[tilespmem:$0x4220] =	vst v1  }
0x34: {  	[tilespmem:$0x4230] =	vst v1  }
0x35: {  	[tilespmem:$0x4240] =	vst v1  }
0x36: {  	[tilespmem:$0x4250] =	vst v1  }
0x37: {  	[tilespmem:$0x4260] =	vst v1  }
0x38: {  	[tilespmem:$0x4270] =	vst v1  }
0x39: {  	[tilespmem:$0x4280] =	vst v1  }
0x3a: {  	[tilespmem:$0x4290] =	vst v1  }
0x3b: {  	[tilespmem:$0x42A0] =	vst v1  }
0x3c: {  	[tilespmem:$0x42B0] =	vst v1  }
0x3d: {  	[tilespmem:$0x42C0] =	vst v1  }
0x3e: {  	[tilespmem:$0x42D0] =	vst v1  }
0x3f: {  	[tilespmem:$0x42E0] =	vst v1  }
0x40: {  	[tilespmem:$0x42F0] =	vst v1  }
0x41: {  	[spmem:s5] =	stream.linear.scatter [tilespmem:s9], [sflag:$0x2], $0x280, $0x38;
	[tilespmem:$0x4580] =	vst v63  }
0x42: {  	_ =	swait.ge [sflag:s8], $0x280  }
0x43: {  	[sflag:s8] =	ssyncset.done $0x0  }
0x44: {  	p0 =	por $0x1, $0x1;
	[sflag:s8] =	ssyncadd.s32 $0xFFFFFD80  }
0x45: {  	s20 =	simm.s32 @!p0 $0x1;
	[bflag:$0x0] =	sbarrier.arrive $0xFFFF  }
0x46: {  	[spmem:s2] =	stream.indirect.scatter.add.f32 [tilespmem:s11], [sflag:$0x1], $0x1, s3, s10, $0xb8;
	[tilespmem:$0x4580] =	vst v63  }
0x47: {  	_ =	swait.ge @!p0 [sflag:s20], $0x50  }
0x48: {  	s18 =	simm.s32 $0x1;
	s19 =	simm.s32 $0x0;
	[sflag:s20] =	ssyncset.done @!p0 $0x0  }
.LBB2_2:
0x49: {  	[sflag:s20] =	ssyncadd.s32 @!p0 $0xFFFFFFB0  }
0x4a: {  	s19 =	sadd.s32 $0x80, s19;
	s20 =	smov.u32 s18;
	s18 =	sadd.s32 $0x1, s18  }
0x4b: {  	p1 =	sne.s32 s18, $0x7D  }
0x4c: {  	[spmem:s2] =	stream.indirect.scatter.add.f32 [tilespmem:s11], [sflag:$0x1], $0x1, s19, s10, $0xb8;
	[tilespmem:$0x4580] =	vst v63  }
.Ltmp0:
0x4d: {  	_ = 	snop;
	(pc) =	sbr.rel @p1 .LBB2_2-.Ltmp0, $4  }
0x4e: {  	p0 =	slt.u32 s20, $0x8  }
0x4f: {  	s20 =	simm.s32 @!p0 $0x1  }
0x50: {  	_ =	swait.ge @!p0 [sflag:s20], $0x50  }
0x51: {  	[sflag:s20] =	ssyncset.done @!p0 $0x0  }
0x52: {  	[sflag:s20] =	ssyncadd.s32 @!p0 $0xFFFFFFB0  }
0x53: {  	_ =	swait.ge [sflag:s12], $0x50  }
0x54: {  	[sflag:s12] =	ssyncset.done $0x0  }
0x55: {  	[sflag:s12] =	ssyncadd.s32 $0xFFFFFFB0  }
0x56: {  	_ =	swait.ge [sflag:s12], $0x50  }
0x57: {  	[sflag:s12] =	ssyncset.done $0x0  }
0x58: {  	[sflag:s12] =	ssyncadd.s32 $0xFFFFFFB0  }
0x59: {  	_ =	swait.ge [sflag:s12], $0x50  }
0x5a: {  	[sflag:s12] =	ssyncset.done $0x0  }
0x5b: {  	[sflag:s12] =	ssyncadd.s32 $0xFFFFFFB0  }
0x5c: {  	_ =	swait.ge [sflag:s12], $0x50  }
0x5d: {  	[sflag:s12] =	ssyncset.done $0x0  }
0x5e: {  	[sflag:s12] =	ssyncadd.s32 $0xFFFFFFB0  }
0x5f: {  	_ =	swait.ge [sflag:s12], $0x50  }
0x60: {  	[sflag:s12] =	ssyncset.done $0x0  }
0x61: {  	[sflag:s12] =	ssyncadd.s32 $0xFFFFFFB0  }
0x62: {  	_ =	swait.ge [sflag:s12], $0x50  }
0x63: {  	[sflag:s12] =	ssyncset.done $0x0  }
0x64: {  	[sflag:s12] =	ssyncadd.s32 $0xFFFFFFB0  }
0x65: {  	_ =	swait.ge [sflag:s12], $0x50  }
0x66: {  	[sflag:s12] =	ssyncset.done $0x0  }
0x67: {  	[sflag:s12] =	ssyncadd.s32 $0xFFFFFFB0  }
0x68: {  	_ =	swait.ge [sflag:s12], $0x50  }
0x69: {  	s17 =	sadd.s32 $0x1, s17;
	[sflag:s12] =	ssyncset.done $0x0  }
0x6a: {  	p0 =	sne.s32 s17, s7;
	[sflag:s12] =	ssyncadd.s32 $0xFFFFFFB0  }
.Ltmp1:
0x6b: {  	[bflag:$0x0] =	sbarrier.arrive $0xFFFF;
	(pc) =	sbr.rel @p0 .LBB2_1-.Ltmp1, $4  }
0x6c: {  	[hbm:s6@s15], [sflag:s13] =	dma.strided [spmem:s14@s16], $0x50, s12, $0x10   }
0x6d: {  	_ =	swait.ge [sflag:s8], $0x50  }
0x6e: {  	[sflag:s8] =	ssyncset.done $0x0  }
0x6f: {  	[sflag:s8] =	ssyncadd.s32 $0xFFFFFFB0  }
0x70: {  	_ =	sfence.sel $0x180000  }
0x71: {  	[bflag:$0x0] =	sbarrier.arrive $0xFFFF  }
0x72: {  	p0 =	sne.s32 s1, $0x0;
	_ =	strace $0x90000047  }
0x73: {  	s0 =	sadd.s32 @!p0 $0x100000, s0;
	[bflag:$0x2] =	sbarrier.arrive $0xFFFF  }
0x74: {  	[sflag:s0] =	ssyncadd.tile.s32 @!p0 $0x1;
	_ =	shalt  }
.Lfunc_end2:
_tile_overlayer_lowered:
.L_overlay_start_2:
0x75: {  	(tag) =	ssettag $0x2  }
0x76: {  	s0 =	rddreg [dreg:$0x0];
	s2 =	stileid.u32  }
0x77: {  	s1 =	rddreg [dreg:$0x1];
	p0 =	sne.s32 s2, $0x0  }
0x78: {  	s3 =	rddreg [dreg:$0x2];
	[bflag:$0x3] =	sbarrier.arrive $0xFFFF;
	s2 =	simm.s32 @!p0 $0x1C02  }
0x79: {  	[timem:s3], [sflag:s2] =	dma.local @!p0 [hbm:s0], s1  }
0x7a: {  	s0 =	simm.s32 @!p0 $0x2  }
0x7b: {  	_ =	swait.ge @!p0 [sflag:s0], s1  }
0x7c: {  	s1 =	ssub.s32 @!p0 $0x0, s1;
	[sflag:s0] =	ssyncset.done @!p0 $0x0  }
0x7d: {  	[sflag:s0] =	ssyncadd.s32 @!p0 s1  }
0x7e: {  	[bflag:$0x3] =	sbarrier.arrive $0xFFFF  }
0x7f: {  	_ =	shalt  }

</sc_bundles>
